<compile_context>
chip_gen: v7x
topology: tpu7x:2x2x1
jax: 0.10.2.dev20260603
libtpu: 0.0.44.dev20260713+nightly
codegen_flags: <defaults>
</compile_context>

<pallas_src>
import functools

import jax
import jax.numpy as jnp
from jax import lax
from jax.experimental import pallas as pl
from jax.experimental.pallas import tpu as pltpu
from jax.experimental.pallas import tpu_sc as plsc

N = 16384
D = 4096
K = 512
NC = 2
NS = 16
L = 16
CHUNK = N // NS
RPT = K // (NC * NS)
QR = RPT // 4

_ONE = lambda: jnp.full((L,), 1, jnp.int32)
_ZERO = lambda: jnp.full((L,), 0, jnp.int32)


def _sc_body(outputs_hbm, labels_hbm, nm_hbm, loss_hbm, sel_hbm,
             lab_v, nm_v, vals_flat, slots_v, idx_v, rows_v, tmp_v,
             cnts_all_v, msum, counts_sh, idx_sh,
             sem_l, sem_c, semg0, semg1, semg2, semg3, semw, sem_s):
    cid = lax.axis_index("c")
    sid = lax.axis_index("s")
    r0 = cid * (NS * RPT) + sid * RPT

    ld_lab = pltpu.async_copy(labels_hbm.at[pl.ds(sid * CHUNK, CHUNK)], lab_v,
                              sem_l)
    ld_nm = pltpu.async_copy(nm_hbm, nm_v, sem_l)
    semg = (semg0, semg1, semg2, semg3)
    spec = [pltpu.async_copy(outputs_hbm.at[pl.ds(N - K + r0 + k * QR, QR)],
                             rows_v.at[pl.ds(k * QR, QR)], semg[k])
            for k in range(4)]

    msum[0] = jnp.int32(0)
    plsc.subcore_barrier()

    ld_lab.wait()
    ld_nm.wait()

    def _count(r, acc):
        for t in range(8):
            v = lab_v[pl.ds((r * 8 + t) * L, L)]
            acc = acc + jnp.where(v != -100, _ONE(), _ZERO())
        return acc

    acc0 = lax.fori_loop(0, 8, _count, jnp.zeros((L,), jnp.int32))
    count = jnp.sum(acc0)
    nm = nm_v[...][0]
    nm_eff = jnp.minimum(jnp.maximum(nm, K), N)

    nm_v[...] = jnp.full((L,), count, jnp.int32)
    wcnt = pltpu.async_copy(nm_v, counts_sh.at[sid], sem_c)
    for s in range(NS):
        plsc.fetch_and_add(msum.at[0], count, subcore_id=s)

    def _sum_quarter(k, acc):
        def _sum(cb, acc2):
            base = cb * 4 * L
            for r in range(QR):
                for c in range(4):
                    acc2 = acc2 + rows_v[k * QR + r, pl.ds(base + c * L, L)]
            return acc2

        return lax.fori_loop(0, D // (4 * L), _sum, acc)

    accf = jnp.zeros((L,), jnp.float32)
    writes = []
    for k in range(4):
        spec[k].wait()
        writes.append(
            pltpu.async_copy(rows_v.at[pl.ds(k * QR, QR)],
                             sel_hbm.at[pl.ds(r0 + k * QR, QR)], semw))
        accf = _sum_quarter(k, accf)
    tmp_v[...] = accf
    wcnt.wait()
    for w in writes:
        w.wait()
    plsc.subcore_barrier()

    m = msum[0]
    fastg = jnp.logical_and(m == N, nm_eff == K)

    @pl.when(jnp.logical_not(fastg))
    def _slow_path():
        pltpu.sync_copy(counts_sh, cnts_all_v)
        cvals = [cnts_all_v[j][0] for j in range(NS)]
        zero = jnp.int32(0)
        oa = functools.reduce(
            lambda a, b: a + b,
            [jnp.where(jnp.int32(j) > sid, cvals[j], zero) for j in range(NS)])
        cs = functools.reduce(
            lambda a, b: a + b,
            [jnp.where(jnp.int32(j) == sid, cvals[j], zero)
             for j in range(NS)])
        ob = m - oa - cs
        za = (N - (sid + 1) * CHUNK) - oa

        def _stage(j, carry):
            vals_flat[pl.ds(j * L, L)] = (
                sid * CHUNK + j * L + lax.iota(jnp.int32, L))
            return carry

        lax.fori_loop(0, CHUNK // L, _stage, jnp.int32(0))

        fast = jnp.logical_and(
            jnp.logical_and(oa == 0, za == 0),
            jnp.logical_and(cs == CHUNK, nm_eff == K))

        @pl.when(fast)
        def _linear_indices():
            pltpu.sync_copy(vals_flat.at[pl.ds(CHUNK - K, K)],
                            idx_sh.at[pl.ds(0, K)])

        @pl.when(jnp.logical_and(jnp.minimum(oa, m + za) < nm_eff,
                                 jnp.logical_not(fast)))
        def _scatter_indices():
            def _fill(j, carry):
                v = lab_v[pl.ds(j * L, L)]
                is1 = v != -100
                ones = jnp.where(is1, _ONE(), _ZERO())
                up_incl = carry + plsc.cumsum(ones)
                ones_after = m - up_incl
                ivec = vals_flat[pl.ds(j * L, L)]
                zeros_after = (N - 1 - ivec) - ones_after
                rank = jnp.where(is1, ones_after, m + zeros_after)
                slot = (nm_eff - 1) - rank
                dump = K + lax.iota(jnp.int32, L)
                scat = jnp.where(slot >= 0,
                                 jnp.where(slot < K, slot, dump), dump)
                slots_v[j // 8, pl.ds((j % 8) * L, L)] = scat
                return carry + jnp.sum(ones)

            lax.fori_loop(0, CHUNK // L, _fill, ob)

            def _scat(r, carry):
                pltpu.async_copy(vals_flat.at[pl.ds(r * 128, 128)],
                                 idx_sh.at[slots_v.at[r]], sem_s).wait()
                return carry

            lax.fori_loop(0, 8, _scat, jnp.int32(0))

        plsc.subcore_barrier()

        pltpu.sync_copy(idx_sh.at[pl.ds(r0, RPT)], idx_v)
        g0 = pltpu.async_copy(outputs_hbm.at[idx_v.at[pl.ds(0, RPT // 2)]],
                              rows_v.at[pl.ds(0, RPT // 2)], semg0)
        g1 = pltpu.async_copy(
            outputs_hbm.at[idx_v.at[pl.ds(RPT // 2, RPT // 2)]],
            rows_v.at[pl.ds(RPT // 2, RPT // 2)], semg1)
        g0.wait()
        g1.wait()
        acc2 = jnp.zeros((L,), jnp.float32)
        rewrites = []
        for k in range(4):
            rewrites.append(
                pltpu.async_copy(rows_v.at[pl.ds(k * QR, QR)],
                                 sel_hbm.at[pl.ds(r0 + k * QR, QR)], semw))
            acc2 = _sum_quarter(k, acc2)
        for w in rewrites:
            w.wait()
        tmp_v[...] = acc2

    pltpu.sync_copy(tmp_v, loss_hbm.at[cid, sid])


_sc_call = pl.kernel(
    _sc_body,
    out_type=(
        jax.ShapeDtypeStruct((NC, NS, L), jnp.float32),
        jax.ShapeDtypeStruct((K, D), jnp.float32),
    ),
    mesh=plsc.VectorSubcoreMesh(core_axis_name="c", subcore_axis_name="s"),
    compiler_params=pltpu.CompilerParams(needs_layout_passes=False),
    scratch_types=[
        pltpu.VMEM((CHUNK,), jnp.int32),
        pltpu.VMEM((L,), jnp.int32),
        pltpu.VMEM((CHUNK,), jnp.int32),
        pltpu.VMEM((8, 128), jnp.int32),
        pltpu.VMEM((RPT,), jnp.int32),
        pltpu.VMEM((RPT, D), jnp.float32),
        pltpu.VMEM((L,), jnp.float32),
        pltpu.VMEM((NS, L), jnp.int32),
        pltpu.SMEM((8,), jnp.int32),
        pltpu.VMEM_SHARED((NS, L), jnp.int32),
        pltpu.VMEM_SHARED((K + L,), jnp.int32),
        pltpu.SemaphoreType.DMA,
        pltpu.SemaphoreType.DMA,
        pltpu.SemaphoreType.DMA,
        pltpu.SemaphoreType.DMA,
        pltpu.SemaphoreType.DMA,
        pltpu.SemaphoreType.DMA,
        pltpu.SemaphoreType.DMA,
        pltpu.SemaphoreType.DMA,
    ],
)


def kernel(outputs, labels, num_masks):
    nm_arr = jnp.full((L,), num_masks, dtype=jnp.int32)
    loss_parts, sel = _sc_call(outputs, labels, nm_arr)
    loss = jnp.sum(loss_parts) * jnp.float32(1.0 / (K * D))
    return loss, sel

# --- scband reference (transcript-rebuilt; emitter-appended) ---
"""Pipeline reference for scband-model-11879879542238 (READ-ONLY COPY).

The authoritative reference and input builder live on the scoring server;
editing this copy changes nothing except your own understanding.
"""

import jax, jax.numpy as jnp
import numpy as np

N = 16384
D = 4096
NUM_MASKS = 512

def setup_inputs(seed: int = 0) -> dict:
    key = jax.random.key(seed)
    k1, k2 = jax.random.split(key)
    outputs = jax.random.normal(k1, (N, D), dtype=jnp.float32)
    labels = jax.random.randint(k2, (N,), 0, 32000, dtype=jnp.int32)
    return {"outputs": outputs, "labels": labels, "num_masks": NUM_MASKS}

def reference(outputs, labels, num_masks=2):
    # mask_positions = labels != -100
    mask_positions = (labels != -100).astype(jnp.int32)
    # argsort pushes non-masked (1) positions to the end; take last num_masks
    order = jnp.argsort(mask_positions)
    start = labels.shape[0] - num_masks
    indices = jax.lax.dynamic_slice_in_dim(order, start, NUM_MASKS)
    outputs_sel = outputs[indices]
    labels_sel = labels[indices]
    loss = outputs_sel.mean()
    return (loss, outputs_sel)

if __name__ == "__main__":
    import jax
    _d = setup_inputs()
    print(jax.jit(kernel)(*tuple(_d.values())))

</pallas_src>

<mosaic_0001>
#map = affine_map<(d0, d1) -> (0, 0)>
#map1 = affine_map<(d0, d1) -> (0)>
#map2 = affine_map<(d0, d1) -> (0, 0, 0)>
module attributes {stable_mosaic.version = 14 : i64} {
  func.func @_sc_body(%arg0: i32, %arg1: i32, %arg2: memref<16384x4096xf32, #tpu.memory_space<hbm>>, %arg3: memref<16384xi32, #tpu.memory_space<hbm>>, %arg4: memref<16xi32, #tpu.memory_space<hbm>>, %arg5: memref<2x16x16xf32, #tpu.memory_space<hbm>>, %arg6: memref<512x4096xf32, #tpu.memory_space<hbm>>, %arg7: memref<1024xi32, #tpu.memory_space<vmem>>, %arg8: memref<16xi32, #tpu.memory_space<vmem>>, %arg9: memref<1024xi32, #tpu.memory_space<vmem>>, %arg10: memref<8x128xi32, #tpu.memory_space<vmem>>, %arg11: memref<16xi32, #tpu.memory_space<vmem>>, %arg12: memref<16x4096xf32, #tpu.memory_space<vmem>>, %arg13: memref<16xf32, #tpu.memory_space<vmem>>, %arg14: memref<16x16xi32, #tpu.memory_space<vmem>>, %arg15: memref<8xi32, #tpu.memory_space<smem>>, %arg16: memref<16x16xi32, #tpu.memory_space<vmem_shared>>, %arg17: memref<528xi32, #tpu.memory_space<vmem_shared>>, %arg18: memref<!tpu.dma_semaphore, #tpu.memory_space<semaphore_mem>>, %arg19: memref<!tpu.dma_semaphore, #tpu.memory_space<semaphore_mem>>, %arg20: memref<!tpu.dma_semaphore, #tpu.memory_space<semaphore_mem>>, %arg21: memref<!tpu.dma_semaphore, #tpu.memory_space<semaphore_mem>>, %arg22: memref<!tpu.dma_semaphore, #tpu.memory_space<semaphore_mem>>, %arg23: memref<!tpu.dma_semaphore, #tpu.memory_space<semaphore_mem>>, %arg24: memref<!tpu.dma_semaphore, #tpu.memory_space<semaphore_mem>>, %arg25: memref<!tpu.dma_semaphore, #tpu.memory_space<semaphore_mem>>) attributes {dimension_semantics = [#tpu.dimension_semantics<core_parallel>, #tpu.dimension_semantics<subcore_parallel>], iteration_bounds = array<i64: 2, 16>, scalar_prefetch = 0 : i64, scratch_operands = 19 : i64, tpu.core_type = #tpu.core_type<sc_vector_subcore>, window_params = [{transform_indices = #map}, {transform_indices = #map1}, {transform_indices = #map1}, {transform_indices = #map2}, {transform_indices = #map}]} {
    %mul3A = arith.constant 256 : i32
    %mul3A_0 = arith.muli %arg0, %mul3A : i32
    %mul3A_1 = arith.constant 16 : i32
    %mul3A_2 = arith.muli %arg1, %mul3A_1 : i32
    %add3A = arith.addi %mul3A_0, %mul3A_2 : i32
    %mul3A_3 = arith.constant 1024 : i32
    %mul3A_4 = arith.muli %arg1, %mul3A_3 : i32
    %dma_start3A = tpu.memref_slice %arg3[%mul3A_4] : memref<16384xi32, #tpu.memory_space<hbm>> -> memref<1024xi32, #tpu.memory_space<hbm>>
    %dma_start3A_5 = tpu.memref_slice %arg3[%mul3A_4] : memref<16384xi32, #tpu.memory_space<hbm>> -> memref<1024xi32, #tpu.memory_space<hbm>>
    tpu.enqueue_dma source(%dma_start3A_5 : memref<1024xi32, #tpu.memory_space<hbm>>) target(%arg7 : memref<1024xi32, #tpu.memory_space<vmem>>) target_semaphore(%arg18 : memref<!tpu.dma_semaphore, #tpu.memory_space<semaphore_mem>>)
    tpu.enqueue_dma source(%arg4 : memref<16xi32, #tpu.memory_space<hbm>>) target(%arg8 : memref<16xi32, #tpu.memory_space<vmem>>) target_semaphore(%arg18 : memref<!tpu.dma_semaphore, #tpu.memory_space<semaphore_mem>>)
    %add3A_6 = arith.constant 15872 : i32
    %add3A_7 = arith.addi %add3A_6, %add3A : i32
    %add3A_8 = arith.constant 0 : i32
    %add3A_9 = arith.addi %add3A_7, %add3A_8 : i32
    %dma_start3A_10 = arith.constant 0 : i32
    %dma_start3A_11 = arith.constant 0 : i32
    %dma_start3A_12 = tpu.memref_slice %arg12[%dma_start3A_10, %dma_start3A_11] : memref<16x4096xf32, #tpu.memory_space<vmem>> -> memref<4x4096xf32, #tpu.memory_space<vmem>>
    %dma_start3A_13 = arith.constant 0 : i32
    %dma_start3A_14 = tpu.memref_slice %arg2[%add3A_9, %dma_start3A_13] : memref<16384x4096xf32, #tpu.memory_space<hbm>> -> memref<4x4096xf32, #tpu.memory_space<hbm>>
    %dma_start3A_15 = arith.constant 0 : i32
    %dma_start3A_16 = arith.constant 0 : i32
    %dma_start3A_17 = tpu.memref_slice %arg12[%dma_start3A_15, %dma_start3A_16] : memref<16x4096xf32, #tpu.memory_space<vmem>> -> memref<4x4096xf32, #tpu.memory_space<vmem>>
    %dma_start3A_18 = arith.constant 0 : i32
    %dma_start3A_19 = tpu.memref_slice %arg2[%add3A_9, %dma_start3A_18] : memref<16384x4096xf32, #tpu.memory_space<hbm>> -> memref<4x4096xf32, #tpu.memory_space<hbm>>
    tpu.enqueue_dma source(%dma_start3A_19 : memref<4x4096xf32, #tpu.memory_space<hbm>>) target(%dma_start3A_17 : memref<4x4096xf32, #tpu.memory_space<vmem>>) target_semaphore(%arg20 : memref<!tpu.dma_semaphore, #tpu.memory_space<semaphore_mem>>)
    %add3A_20 = arith.constant 15872 : i32
    %add3A_21 = arith.addi %add3A_20, %add3A : i32
    %add3A_22 = arith.constant 4 : i32
    %add3A_23 = arith.addi %add3A_21, %add3A_22 : i32
    %dma_start3A_24 = arith.constant 4 : i32
    %dma_start3A_25 = arith.constant 0 : i32
    %dma_start3A_26 = tpu.memref_slice %arg12[%dma_start3A_24, %dma_start3A_25] : memref<16x4096xf32, #tpu.memory_space<vmem>> -> memref<4x4096xf32, #tpu.memory_space<vmem>>
    %dma_start3A_27 = arith.constant 0 : i32
    %dma_start3A_28 = tpu.memref_slice %arg2[%add3A_23, %dma_start3A_27] : memref<16384x4096xf32, #tpu.memory_space<hbm>> -> memref<4x4096xf32, #tpu.memory_space<hbm>>
    %dma_start3A_29 = arith.constant 4 : i32
    %dma_start3A_30 = arith.constant 0 : i32
    %dma_start3A_31 = tpu.memref_slice %arg12[%dma_start3A_29, %dma_start3A_30] : memref<16x4096xf32, #tpu.memory_space<vmem>> -> memref<4x4096xf32, #tpu.memory_space<vmem>>
    %dma_start3A_32 = arith.constant 0 : i32
    %dma_start3A_33 = tpu.memref_slice %arg2[%add3A_23, %dma_start3A_32] : memref<16384x4096xf32, #tpu.memory_space<hbm>> -> memref<4x4096xf32, #tpu.memory_space<hbm>>
    tpu.enqueue_dma source(%dma_start3A_33 : memref<4x4096xf32, #tpu.memory_space<hbm>>) target(%dma_start3A_31 : memref<4x4096xf32, #tpu.memory_space<vmem>>) target_semaphore(%arg21 : memref<!tpu.dma_semaphore, #tpu.memory_space<semaphore_mem>>)
    %add3A_34 = arith.constant 15872 : i32
    %add3A_35 = arith.addi %add3A_34, %add3A : i32
    %add3A_36 = arith.constant 8 : i32
    %add3A_37 = arith.addi %add3A_35, %add3A_36 : i32
    %dma_start3A_38 = arith.constant 8 : i32
    %dma_start3A_39 = arith.constant 0 : i32
    %dma_start3A_40 = tpu.memref_slice %arg12[%dma_start3A_38, %dma_start3A_39] : memref<16x4096xf32, #tpu.memory_space<vmem>> -> memref<4x4096xf32, #tpu.memory_space<vmem>>
    %dma_start3A_41 = arith.constant 0 : i32
    %dma_start3A_42 = tpu.memref_slice %arg2[%add3A_37, %dma_start3A_41] : memref<16384x4096xf32, #tpu.memory_space<hbm>> -> memref<4x4096xf32, #tpu.memory_space<hbm>>
    %dma_start3A_43 = arith.constant 8 : i32
    %dma_start3A_44 = arith.constant 0 : i32
    %dma_start3A_45 = tpu.memref_slice %arg12[%dma_start3A_43, %dma_start3A_44] : memref<16x4096xf32, #tpu.memory_space<vmem>> -> memref<4x4096xf32, #tpu.memory_space<vmem>>
    %dma_start3A_46 = arith.constant 0 : i32
    %dma_start3A_47 = tpu.memref_slice %arg2[%add3A_37, %dma_start3A_46] : memref<16384x4096xf32, #tpu.memory_space<hbm>> -> memref<4x4096xf32, #tpu.memory_space<hbm>>
    tpu.enqueue_dma source(%dma_start3A_47 : memref<4x4096xf32, #tpu.memory_space<hbm>>) target(%dma_start3A_45 : memref<4x4096xf32, #tpu.memory_space<vmem>>) target_semaphore(%arg22 : memref<!tpu.dma_semaphore, #tpu.memory_space<semaphore_mem>>)
    %add3A_48 = arith.constant 15872 : i32
    %add3A_49 = arith.addi %add3A_48, %add3A : i32
    %add3A_50 = arith.constant 12 : i32
    %add3A_51 = arith.addi %add3A_49, %add3A_50 : i32
    %dma_start3A_52 = arith.constant 12 : i32
    %dma_start3A_53 = arith.constant 0 : i32
    %dma_start3A_54 = tpu.memref_slice %arg12[%dma_start3A_52, %dma_start3A_53] : memref<16x4096xf32, #tpu.memory_space<vmem>> -> memref<4x4096xf32, #tpu.memory_space<vmem>>
    %dma_start3A_55 = arith.constant 0 : i32
    %dma_start3A_56 = tpu.memref_slice %arg2[%add3A_51, %dma_start3A_55] : memref<16384x4096xf32, #tpu.memory_space<hbm>> -> memref<4x4096xf32, #tpu.memory_space<hbm>>
    %dma_start3A_57 = arith.constant 12 : i32
    %dma_start3A_58 = arith.constant 0 : i32
    %dma_start3A_59 = tpu.memref_slice %arg12[%dma_start3A_57, %dma_start3A_58] : memref<16x4096xf32, #tpu.memory_space<vmem>> -> memref<4x4096xf32, #tpu.memory_space<vmem>>
    %dma_start3A_60 = arith.constant 0 : i32
    %dma_start3A_61 = tpu.memref_slice %arg2[%add3A_51, %dma_start3A_60] : memref<16384x4096xf32, #tpu.memory_space<hbm>> -> memref<4x4096xf32, #tpu.memory_space<hbm>>
    tpu.enqueue_dma source(%dma_start3A_61 : memref<4x4096xf32, #tpu.memory_space<hbm>>) target(%dma_start3A_59 : memref<4x4096xf32, #tpu.memory_space<vmem>>) target_semaphore(%arg23 : memref<!tpu.dma_semaphore, #tpu.memory_space<semaphore_mem>>)
    %swap3A = arith.constant 0 : i32
    %swap3A_62 = arith.constant 0 : i32
    %swap3A_63 = arith.index_cast %swap3A_62 : i32 to index
    %swap3A_64 = memref.load %arg15[%swap3A_63] : memref<8xi32, #tpu.memory_space<smem>>
    memref.store %swap3A, %arg15[%swap3A_63] : memref<8xi32, #tpu.memory_space<smem>>
    %barrier3A = arith.constant 0 : index
    tpu.barrier barrier_id(%barrier3A)
    %dma_wait3A = tpu.memref_slice %arg3[%mul3A_4] : memref<16384xi32, #tpu.memory_space<hbm>> -> memref<1024xi32, #tpu.memory_space<hbm>>
    %dma_wait3A_65 = tpu.memref_slice %arg3[%mul3A_4] : memref<16384xi32, #tpu.memory_space<hbm>> -> memref<1024xi32, #tpu.memory_space<hbm>>
    tpu.wait_dma2 semaphore(%arg18 : memref<!tpu.dma_semaphore, #tpu.memory_space<semaphore_mem>>) src(%dma_wait3A_65 : memref<1024xi32, #tpu.memory_space<hbm>>) dst(%arg7 : memref<1024xi32, #tpu.memory_space<vmem>>)
    tpu.wait_dma2 semaphore(%arg18 : memref<!tpu.dma_semaphore, #tpu.memory_space<semaphore_mem>>) src(%arg4 : memref<16xi32, #tpu.memory_space<hbm>>) dst(%arg8 : memref<16xi32, #tpu.memory_space<vmem>>)
    %broadcast_in_dim3A = arith.constant 0 : i32
    %broadcast_in_dim3A_66 = vector.broadcast %broadcast_in_dim3A : i32 to vector<16xi32>
    %scan3A = arith.constant 0 : i32
    %scan3A_67 = arith.constant 8 : i32
    %scan3A_68 = arith.addi %scan3A, %scan3A_67 : i32
    %scan3A_69 = arith.constant 1 : i32
    %scan3A_70 = scf.for %scan3A_305 = %scan3A to %scan3A_68 step %scan3A_69 iter_args(%scan3A_306 = %broadcast_in_dim3A_66) -> (vector<16xi32>)  : i32 {
      %mul3A_307 = arith.constant 8 : i32
      %mul3A_308 = arith.muli %scan3A_305, %mul3A_307 : i32
      %add3A_309 = arith.constant 0 : i32
      %add3A_310 = arith.addi %mul3A_308, %add3A_309 : i32
      %mul3A_311 = arith.constant 16 : i32
      %mul3A_312 = arith.muli %add3A_310, %mul3A_311 : i32
      %get3A_313 = arith.index_cast %mul3A_312 : i32 to index
      %get3A_314 = tpu.vector_load %arg7[%get3A_313] {strides = array<i32>} : memref<1024xi32, #tpu.memory_space<vmem>>, vector<16xi32>,
      %ne3A = arith.constant -100 : i32
      %ne3A_315 = vector.broadcast %ne3A : i32 to vector<16xi32>
      %ne3A_316 = arith.cmpi ne, %get3A_314, %ne3A_315 : vector<16xi32>
      %broadcast_in_dim3A_317 = arith.constant 1 : i32
      %broadcast_in_dim3A_318 = vector.broadcast %broadcast_in_dim3A_317 : i32 to vector<16xi32>
      %broadcast_in_dim3A_319 = arith.constant 0 : i32
      %broadcast_in_dim3A_320 = vector.broadcast %broadcast_in_dim3A_319 : i32 to vector<16xi32>
      %select_n3A = arith.select %ne3A_316, %broadcast_in_dim3A_318, %broadcast_in_dim3A_320 : vector<16xi1>, vector<16xi32>
      %add3A_321 = arith.addi %scan3A_306, %select_n3A : vector<16xi32>
      %mul3A_322 = arith.constant 8 : i32
      %mul3A_323 = arith.muli %scan3A_305, %mul3A_322 : i32
      %add3A_324 = arith.constant 1 : i32
      %add3A_325 = arith.addi %mul3A_323, %add3A_324 : i32
      %mul3A_326 = arith.constant 16 : i32
      %mul3A_327 = arith.muli %add3A_325, %mul3A_326 : i32
      %get3A_328 = arith.index_cast %mul3A_327 : i32 to index
      %get3A_329 = tpu.vector_load %arg7[%get3A_328] {strides = array<i32>} : memref<1024xi32, #tpu.memory_space<vmem>>, vector<16xi32>,
      %ne3A_330 = arith.constant -100 : i32
      %ne3A_331 = vector.broadcast %ne3A_330 : i32 to vector<16xi32>
      %ne3A_332 = arith.cmpi ne, %get3A_329, %ne3A_331 : vector<16xi32>
      %broadcast_in_dim3A_333 = arith.constant 1 : i32
      %broadcast_in_dim3A_334 = vector.broadcast %broadcast_in_dim3A_333 : i32 to vector<16xi32>
      %broadcast_in_dim3A_335 = arith.constant 0 : i32
      %broadcast_in_dim3A_336 = vector.broadcast %broadcast_in_dim3A_335 : i32 to vector<16xi32>
      %select_n3A_337 = arith.select %ne3A_332, %broadcast_in_dim3A_334, %broadcast_in_dim3A_336 : vector<16xi1>, vector<16xi32>
      %add3A_338 = arith.addi %add3A_321, %select_n3A_337 : vector<16xi32>
      %mul3A_339 = arith.constant 8 : i32
      %mul3A_340 = arith.muli %scan3A_305, %mul3A_339 : i32
      %add3A_341 = arith.constant 2 : i32
      %add3A_342 = arith.addi %mul3A_340, %add3A_341 : i32
      %mul3A_343 = arith.constant 16 : i32
      %mul3A_344 = arith.muli %add3A_342, %mul3A_343 : i32
      %get3A_345 = arith.index_cast %mul3A_344 : i32 to index
      %get3A_346 = tpu.vector_load %arg7[%get3A_345] {strides = array<i32>} : memref<1024xi32, #tpu.memory_space<vmem>>, vector<16xi32>,
      %ne3A_347 = arith.constant -100 : i32
      %ne3A_348 = vector.broadcast %ne3A_347 : i32 to vector<16xi32>
      %ne3A_349 = arith.cmpi ne, %get3A_346, %ne3A_348 : vector<16xi32>
      %broadcast_in_dim3A_350 = arith.constant 1 : i32
      %broadcast_in_dim3A_351 = vector.broadcast %broadcast_in_dim3A_350 : i32 to vector<16xi32>
      %broadcast_in_dim3A_352 = arith.constant 0 : i32
      %broadcast_in_dim3A_353 = vector.broadcast %broadcast_in_dim3A_352 : i32 to vector<16xi32>
      %select_n3A_354 = arith.select %ne3A_349, %broadcast_in_dim3A_351, %broadcast_in_dim3A_353 : vector<16xi1>, vector<16xi32>
      %add3A_355 = arith.addi %add3A_338, %select_n3A_354 : vector<16xi32>
      %mul3A_356 = arith.constant 8 : i32
      %mul3A_357 = arith.muli %scan3A_305, %mul3A_356 : i32
      %add3A_358 = arith.constant 3 : i32
      %add3A_359 = arith.addi %mul3A_357, %add3A_358 : i32
      %mul3A_360 = arith.constant 16 : i32
      %mul3A_361 = arith.muli %add3A_359, %mul3A_360 : i32
      %get3A_362 = arith.index_cast %mul3A_361 : i32 to index
      %get3A_363 = tpu.vector_load %arg7[%get3A_362] {strides = array<i32>} : memref<1024xi32, #tpu.memory_space<vmem>>, vector<16xi32>,
      %ne3A_364 = arith.constant -100 : i32
      %ne3A_365 = vector.broadcast %ne3A_364 : i32 to vector<16xi32>
      %ne3A_366 = arith.cmpi ne, %get3A_363, %ne3A_365 : vector<16xi32>
      %broadcast_in_dim3A_367 = arith.constant 1 : i32
      %broadcast_in_dim3A_368 = vector.broadcast %broadcast_in_dim3A_367 : i32 to vector<16xi32>
      %broadcast_in_dim3A_369 = arith.constant 0 : i32
      %broadcast_in_dim3A_370 = vector.broadcast %broadcast_in_dim3A_369 : i32 to vector<16xi32>
      %select_n3A_371 = arith.select %ne3A_366, %broadcast_in_dim3A_368, %broadcast_in_dim3A_370 : vector<16xi1>, vector<16xi32>
      %add3A_372 = arith.addi %add3A_355, %select_n3A_371 : vector<16xi32>
      %mul3A_373 = arith.constant 8 : i32
      %mul3A_374 = arith.muli %scan3A_305, %mul3A_373 : i32
      %add3A_375 = arith.constant 4 : i32
      %add3A_376 = arith.addi %mul3A_374, %add3A_375 : i32
      %mul3A_377 = arith.constant 16 : i32
      %mul3A_378 = arith.muli %add3A_376, %mul3A_377 : i32
      %get3A_379 = arith.index_cast %mul3A_378 : i32 to index
      %get3A_380 = tpu.vector_load %arg7[%get3A_379] {strides = array<i32>} : memref<1024xi32, #tpu.memory_space<vmem>>, vector<16xi32>,
      %ne3A_381 = arith.constant -100 : i32
      %ne3A_382 = vector.broadcast %ne3A_381 : i32 to vector<16xi32>
      %ne3A_383 = arith.cmpi ne, %get3A_380, %ne3A_382 : vector<16xi32>
      %broadcast_in_dim3A_384 = arith.constant 1 : i32
      %broadcast_in_dim3A_385 = vector.broadcast %broadcast_in_dim3A_384 : i32 to vector<16xi32>
      %broadcast_in_dim3A_386 = arith.constant 0 : i32
      %broadcast_in_dim3A_387 = vector.broadcast %broadcast_in_dim3A_386 : i32 to vector<16xi32>
      %select_n3A_388 = arith.select %ne3A_383, %broadcast_in_dim3A_385, %broadcast_in_dim3A_387 : vector<16xi1>, vector<16xi32>
      %add3A_389 = arith.addi %add3A_372, %select_n3A_388 : vector<16xi32>
      %mul3A_390 = arith.constant 8 : i32
      %mul3A_391 = arith.muli %scan3A_305, %mul3A_390 : i32
      %add3A_392 = arith.constant 5 : i32
      %add3A_393 = arith.addi %mul3A_391, %add3A_392 : i32
      %mul3A_394 = arith.constant 16 : i32
      %mul3A_395 = arith.muli %add3A_393, %mul3A_394 : i32
      %get3A_396 = arith.index_cast %mul3A_395 : i32 to index
      %get3A_397 = tpu.vector_load %arg7[%get3A_396] {strides = array<i32>} : memref<1024xi32, #tpu.memory_space<vmem>>, vector<16xi32>,
      %ne3A_398 = arith.constant -100 : i32
      %ne3A_399 = vector.broadcast %ne3A_398 : i32 to vector<16xi32>
      %ne3A_400 = arith.cmpi ne, %get3A_397, %ne3A_399 : vector<16xi32>
      %broadcast_in_dim3A_401 = arith.constant 1 : i32
      %broadcast_in_dim3A_402 = vector.broadcast %broadcast_in_dim3A_401 : i32 to vector<16xi32>
      %broadcast_in_dim3A_403 = arith.constant 0 : i32
      %broadcast_in_dim3A_404 = vector.broadcast %broadcast_in_dim3A_403 : i32 to vector<16xi32>
      %select_n3A_405 = arith.select %ne3A_400, %broadcast_in_dim3A_402, %broadcast_in_dim3A_404 : vector<16xi1>, vector<16xi32>
      %add3A_406 = arith.addi %add3A_389, %select_n3A_405 : vector<16xi32>
      %mul3A_407 = arith.constant 8 : i32
      %mul3A_408 = arith.muli %scan3A_305, %mul3A_407 : i32
      %add3A_409 = arith.constant 6 : i32
      %add3A_410 = arith.addi %mul3A_408, %add3A_409 : i32
      %mul3A_411 = arith.constant 16 : i32
      %mul3A_412 = arith.muli %add3A_410, %mul3A_411 : i32
      %get3A_413 = arith.index_cast %mul3A_412 : i32 to index
      %get3A_414 = tpu.vector_load %arg7[%get3A_413] {strides = array<i32>} : memref<1024xi32, #tpu.memory_space<vmem>>, vector<16xi32>,
      %ne3A_415 = arith.constant -100 : i32
      %ne3A_416 = vector.broadcast %ne3A_415 : i32 to vector<16xi32>
      %ne3A_417 = arith.cmpi ne, %get3A_414, %ne3A_416 : vector<16xi32>
      %broadcast_in_dim3A_418 = arith.constant 1 : i32
      %broadcast_in_dim3A_419 = vector.broadcast %broadcast_in_dim3A_418 : i32 to vector<16xi32>
      %broadcast_in_dim3A_420 = arith.constant 0 : i32
      %broadcast_in_dim3A_421 = vector.broadcast %broadcast_in_dim3A_420 : i32 to vector<16xi32>
      %select_n3A_422 = arith.select %ne3A_417, %broadcast_in_dim3A_419, %broadcast_in_dim3A_421 : vector<16xi1>, vector<16xi32>
      %add3A_423 = arith.addi %add3A_406, %select_n3A_422 : vector<16xi32>
      %mul3A_424 = arith.constant 8 : i32
      %mul3A_425 = arith.muli %scan3A_305, %mul3A_424 : i32
      %add3A_426 = arith.constant 7 : i32
      %add3A_427 = arith.addi %mul3A_425, %add3A_426 : i32
      %mul3A_428 = arith.constant 16 : i32
      %mul3A_429 = arith.muli %add3A_427, %mul3A_428 : i32
      %get3A_430 = arith.index_cast %mul3A_429 : i32 to index
      %get3A_431 = tpu.vector_load %arg7[%get3A_430] {strides = array<i32>} : memref<1024xi32, #tpu.memory_space<vmem>>, vector<16xi32>,
      %ne3A_432 = arith.constant -100 : i32
      %ne3A_433 = vector.broadcast %ne3A_432 : i32 to vector<16xi32>
      %ne3A_434 = arith.cmpi ne, %get3A_431, %ne3A_433 : vector<16xi32>
      %broadcast_in_dim3A_435 = arith.constant 1 : i32
      %broadcast_in_dim3A_436 = vector.broadcast %broadcast_in_dim3A_435 : i32 to vector<16xi32>
      %broadcast_in_dim3A_437 = arith.constant 0 : i32
      %broadcast_in_dim3A_438 = vector.broadcast %broadcast_in_dim3A_437 : i32 to vector<16xi32>
      %select_n3A_439 = arith.select %ne3A_434, %broadcast_in_dim3A_436, %broadcast_in_dim3A_438 : vector<16xi1>, vector<16xi32>
      %add3A_440 = arith.addi %add3A_423, %select_n3A_439 : vector<16xi32>
      scf.yield %add3A_440 : vector<16xi32>
    }
    %scan3A_71 = arith.constant 8 : i32
    %reduce_sum3A = arith.constant true
    %reduce_sum3A_72 = vector.broadcast %reduce_sum3A : i1 to vector<16xi1>
    %reduce_sum3A_73 = tpu.scan <sum>, %scan3A_70 masked %reduce_sum3A_72 : vector<16xi32>, vector<16xi1> -> vector<16xi32>
    %reduce_sum3A_74 = vector.extract %reduce_sum3A_73[15] : i32 from vector<16xi32>
    %get3A = arith.constant 0 : index
    %get3A_75 = tpu.vector_load %arg8[%get3A] {strides = array<i32>} : memref<16xi32, #tpu.memory_space<vmem>>, vector<16xi32>,
    %slice3A = vector.extract_strided_slice %get3A_75 {offsets = [0], sizes = [1], strides = [1]} : vector<16xi32> to vector<1xi32>
    %squeeze3A = vector.extract %slice3A[0] : i32 from vector<1xi32>
    %max3A = arith.constant 512 : i32
    %max3A_76 = arith.maxsi %squeeze3A, %max3A : i32
    %min3A = arith.constant 16384 : i32
    %min3A_77 = arith.minsi %max3A_76, %min3A : i32
    %broadcast_in_dim3A_78 = vector.broadcast %reduce_sum3A_74 : i32 to vector<16xi32>
    %swap3A_79 = arith.constant 0 : index
    %swap3A_80 = tpu.vector_load %arg8[%swap3A_79] {strides = array<i32>} : memref<16xi32, #tpu.memory_space<vmem>>, vector<16xi32>,
    tpu.vector_store %arg8[%swap3A_79], %broadcast_in_dim3A_78 {strides = array<i32>} : memref<16xi32, #tpu.memory_space<vmem>>, vector<16xi32>,
    %dma_start3A_81 = arith.constant 0 : i32
    %dma_start3A_82 = tpu.memref_slice %arg16[%arg1, %dma_start3A_81] : memref<16x16xi32, #tpu.memory_space<vmem_shared>> -> memref<1x16xi32, #tpu.memory_space<vmem_shared>>
    %dma_start3A_83 = tpu.memref_squeeze %dma_start3A_82 : memref<1x16xi32, #tpu.memory_space<vmem_shared>> -> memref<16xi32, #tpu.memory_space<vmem_shared>>
    %dma_start3A_84 = arith.constant 0 : i32
    %dma_start3A_85 = tpu.memref_slice %arg16[%arg1, %dma_start3A_84] : memref<16x16xi32, #tpu.memory_space<vmem_shared>> -> memref<1x16xi32, #tpu.memory_space<vmem_shared>>
    %dma_start3A_86 = tpu.memref_squeeze %dma_start3A_85 : memref<1x16xi32, #tpu.memory_space<vmem_shared>> -> memref<16xi32, #tpu.memory_space<vmem_shared>>
    tpu.enqueue_dma source(%arg8 : memref<16xi32, #tpu.memory_space<vmem>>) target(%dma_start3A_86 : memref<16xi32, #tpu.memory_space<vmem_shared>>) target_semaphore(%arg19 : memref<!tpu.dma_semaphore, #tpu.memory_space<semaphore_mem>>)
    %sc_fetch_and_add3A = arith.constant 0 : i32
    %sc_fetch_and_add3A_87 = arith.constant 0 : i32
    %sc_fetch_and_add3A_88 = tpu.fetch_and_add_sync %arg15[%sc_fetch_and_add3A], %reduce_sum3A_74, %sc_fetch_and_add3A_87 : memref<8xi32, #tpu.memory_space<smem>>, i32 -> i32
    %sc_fetch_and_add3A_89 = arith.constant 0 : i32
    %sc_fetch_and_add3A_90 = arith.constant 1 : i32
    %sc_fetch_and_add3A_91 = tpu.fetch_and_add_sync %arg15[%sc_fetch_and_add3A_89], %reduce_sum3A_74, %sc_fetch_and_add3A_90 : memref<8xi32, #tpu.memory_space<smem>>, i32 -> i32
    %sc_fetch_and_add3A_92 = arith.constant 0 : i32
    %sc_fetch_and_add3A_93 = arith.constant 2 : i32
    %sc_fetch_and_add3A_94 = tpu.fetch_and_add_sync %arg15[%sc_fetch_and_add3A_92], %reduce_sum3A_74, %sc_fetch_and_add3A_93 : memref<8xi32, #tpu.memory_space<smem>>, i32 -> i32
    %sc_fetch_and_add3A_95 = arith.constant 0 : i32
    %sc_fetch_and_add3A_96 = arith.constant 3 : i32
    %sc_fetch_and_add3A_97 = tpu.fetch_and_add_sync %arg15[%sc_fetch_and_add3A_95], %reduce_sum3A_74, %sc_fetch_and_add3A_96 : memref<8xi32, #tpu.memory_space<smem>>, i32 -> i32
    %sc_fetch_and_add3A_98 = arith.constant 0 : i32
    %sc_fetch_and_add3A_99 = arith.constant 4 : i32
    %sc_fetch_and_add3A_100 = tpu.fetch_and_add_sync %arg15[%sc_fetch_and_add3A_98], %reduce_sum3A_74, %sc_fetch_and_add3A_99 : memref<8xi32, #tpu.memory_space<smem>>, i32 -> i32
    %sc_fetch_and_add3A_101 = arith.constant 0 : i32
    %sc_fetch_and_add3A_102 = arith.constant 5 : i32
    %sc_fetch_and_add3A_103 = tpu.fetch_and_add_sync %arg15[%sc_fetch_and_add3A_101], %reduce_sum3A_74, %sc_fetch_and_add3A_102 : memref<8xi32, #tpu.memory_space<smem>>, i32 -> i32
    %sc_fetch_and_add3A_104 = arith.constant 0 : i32
    %sc_fetch_and_add3A_105 = arith.constant 6 : i32
    %sc_fetch_and_add3A_106 = tpu.fetch_and_add_sync %arg15[%sc_fetch_and_add3A_104], %reduce_sum3A_74, %sc_fetch_and_add3A_105 : memref<8xi32, #tpu.memory_space<smem>>, i32 -> i32
    %sc_fetch_and_add3A_107 = arith.constant 0 : i32
    %sc_fetch_and_add3A_108 = arith.constant 7 : i32
    %sc_fetch_and_add3A_109 = tpu.fetch_and_add_sync %arg15[%sc_fetch_and_add3A_107], %reduce_sum3A_74, %sc_fetch_and_add3A_108 : memref<8xi32, #tpu.memory_space<smem>>, i32 -> i32
    %sc_fetch_and_add3A_110 = arith.constant 0 : i32
    %sc_fetch_and_add3A_111 = arith.constant 8 : i32
    %sc_fetch_and_add3A_112 = tpu.fetch_and_add_sync %arg15[%sc_fetch_and_add3A_110], %reduce_sum3A_74, %sc_fetch_and_add3A_111 : memref<8xi32, #tpu.memory_space<smem>>, i32 -> i32
    %sc_fetch_and_add3A_113 = arith.constant 0 : i32
    %sc_fetch_and_add3A_114 = arith.constant 9 : i32
    %sc_fetch_and_add3A_115 = tpu.fetch_and_add_sync %arg15[%sc_fetch_and_add3A_113], %reduce_sum3A_74, %sc_fetch_and_add3A_114 : memref<8xi32, #tpu.memory_space<smem>>, i32 -> i32
    %sc_fetch_and_add3A_116 = arith.constant 0 : i32
    %sc_fetch_and_add3A_117 = arith.constant 10 : i32
    %sc_fetch_and_add3A_118 = tpu.fetch_and_add_sync %arg15[%sc_fetch_and_add3A_116], %reduce_sum3A_74, %sc_fetch_and_add3A_117 : memref<8xi32, #tpu.memory_space<smem>>, i32 -> i32
    %sc_fetch_and_add3A_119 = arith.constant 0 : i32
    %sc_fetch_and_add3A_120 = arith.constant 11 : i32
    %sc_fetch_and_add3A_121 = tpu.fetch_and_add_sync %arg15[%sc_fetch_and_add3A_119], %reduce_sum3A_74, %sc_fetch_and_add3A_120 : memref<8xi32, #tpu.memory_space<smem>>, i32 -> i32
    %sc_fetch_and_add3A_122 = arith.constant 0 : i32
    %sc_fetch_and_add3A_123 = arith.constant 12 : i32
    %sc_fetch_and_add3A_124 = tpu.fetch_and_add_sync %arg15[%sc_fetch_and_add3A_122], %reduce_sum3A_74, %sc_fetch_and_add3A_123 : memref<8xi32, #tpu.memory_space<smem>>, i32 -> i32
    %sc_fetch_and_add3A_125 = arith.constant 0 : i32
    %sc_fetch_and_add3A_126 = arith.constant 13 : i32
    %sc_fetch_and_add3A_127 = tpu.fetch_and_add_sync %arg15[%sc_fetch_and_add3A_125], %reduce_sum3A_74, %sc_fetch_and_add3A_126 : memref<8xi32, #tpu.memory_space<smem>>, i32 -> i32
    %sc_fetch_and_add3A_128 = arith.constant 0 : i32
    %sc_fetch_and_add3A_129 = arith.constant 14 : i32
    %sc_fetch_and_add3A_130 = tpu.fetch_and_add_sync %arg15[%sc_fetch_and_add3A_128], %reduce_sum3A_74, %sc_fetch_and_add3A_129 : memref<8xi32, #tpu.memory_space<smem>>, i32 -> i32
    %sc_fetch_and_add3A_131 = arith.constant 0 : i32
    %sc_fetch_and_add3A_132 = arith.constant 15 : i32
    %sc_fetch_and_add3A_133 = tpu.fetch_and_add_sync %arg15[%sc_fetch_and_add3A_131], %reduce_sum3A_74, %sc_fetch_and_add3A_132 : memref<8xi32, #tpu.memory_space<smem>>, i32 -> i32
    %broadcast_in_dim3A_134 = arith.constant 0.000000e+00 : f32
    %broadcast_in_dim3A_135 = vector.broadcast %broadcast_in_dim3A_134 : f32 to vector<16xf32>
    %dma_wait3A_136 = arith.constant 0 : i32
    %dma_wait3A_137 = arith.constant 0 : i32
    %dma_wait3A_138 = tpu.memref_slice %arg12[%dma_wait3A_136, %dma_wait3A_137] : memref<16x4096xf32, #tpu.memory_space<vmem>> -> memref<4x4096xf32, #tpu.memory_space<vmem>>
    %dma_wait3A_139 = arith.constant 0 : i32
    %dma_wait3A_140 = tpu.memref_slice %arg2[%add3A_9, %dma_wait3A_139] : memref<16384x4096xf32, #tpu.memory_space<hbm>> -> memref<4x4096xf32, #tpu.memory_space<hbm>>
    %dma_wait3A_141 = arith.constant 0 : i32
    %dma_wait3A_142 = arith.constant 0 : i32
    %dma_wait3A_143 = tpu.memref_slice %arg12[%dma_wait3A_141, %dma_wait3A_142] : memref<16x4096xf32, #tpu.memory_space<vmem>> -> memref<4x4096xf32, #tpu.memory_space<vmem>>
    %dma_wait3A_144 = arith.constant 0 : i32
    %dma_wait3A_145 = tpu.memref_slice %arg2[%add3A_9, %dma_wait3A_144] : memref<16384x4096xf32, #tpu.memory_space<hbm>> -> memref<4x4096xf32, #tpu.memory_space<hbm>>
    tpu.wait_dma2 semaphore(%arg20 : memref<!tpu.dma_semaphore, #tpu.memory_space<semaphore_mem>>) src(%dma_wait3A_145 : memref<4x4096xf32, #tpu.memory_space<hbm>>) dst(%dma_wait3A_143 : memref<4x4096xf32, #tpu.memory_space<vmem>>)
    %add3A_146 = arith.constant 0 : i32
    %add3A_147 = arith.addi %add3A, %add3A_146 : i32
    %dma_start3A_148 = arith.constant 0 : i32
    %dma_start3A_149 = arith.constant 0 : i32
    %dma_start3A_150 = tpu.memref_slice %arg12[%dma_start3A_148, %dma_start3A_149] : memref<16x4096xf32, #tpu.memory_space<vmem>> -> memref<4x4096xf32, #tpu.memory_space<vmem>>
    %dma_start3A_151 = arith.constant 0 : i32
    %dma_start3A_152 = tpu.memref_slice %arg6[%add3A_147, %dma_start3A_151] : memref<512x4096xf32, #tpu.memory_space<hbm>> -> memref<4x4096xf32, #tpu.memory_space<hbm>>
    %dma_start3A_153 = arith.constant 0 : i32
    %dma_start3A_154 = tpu.memref_slice %arg6[%add3A_147, %dma_start3A_153] : memref<512x4096xf32, #tpu.memory_space<hbm>> -> memref<4x4096xf32, #tpu.memory_space<hbm>>
    %dma_start3A_155 = arith.constant 0 : i32
    %dma_start3A_156 = arith.constant 0 : i32
    %dma_start3A_157 = tpu.memref_slice %arg12[%dma_start3A_155, %dma_start3A_156] : memref<16x4096xf32, #tpu.memory_space<vmem>> -> memref<4x4096xf32, #tpu.memory_space<vmem>>
    tpu.enqueue_dma source(%dma_start3A_157 : memref<4x4096xf32, #tpu.memory_space<vmem>>) target(%dma_start3A_154 : memref<4x4096xf32, #tpu.memory_space<hbm>>) target_semaphore(%arg24 : memref<!tpu.dma_semaphore, #tpu.memory_space<semaphore_mem>>)
    %scan3A_158 = arith.constant 0 : i32
    %scan3A_159 = arith.constant 64 : i32
    %scan3A_160 = arith.addi %scan3A_158, %scan3A_159 : i32
    %scan3A_161 = arith.constant 1 : i32
    %scan3A_162 = scf.for %scan3A_305 = %scan3A_158 to %scan3A_160 step %scan3A_161 iter_args(%scan3A_306 = %broadcast_in_dim3A_135) -> (vector<16xf32>)  : i32 {
      %mul3A_307 = arith.constant 4 : i32
      %mul3A_308 = arith.muli %scan3A_305, %mul3A_307 : i32
      %mul3A_309 = arith.constant 16 : i32
      %mul3A_310 = arith.muli %mul3A_308, %mul3A_309 : i32
      %add3A_311 = arith.constant 0 : i32
      %add3A_312 = arith.addi %mul3A_310, %add3A_311 : i32
      %get3A_313 = arith.constant 0 : i32
      %get3A_314 = arith.index_cast %get3A_313 : i32 to index
      %get3A_315 = arith.index_cast %add3A_312 : i32 to index
      %get3A_316 = tpu.vector_load %arg12[%get3A_314, %get3A_315] {strides = array<i32>} : memref<16x4096xf32, #tpu.memory_space<vmem>>, vector<16xf32>,
      %add3A_317 = arith.addf %scan3A_306, %get3A_316 : vector<16xf32>
      %add3A_318 = arith.constant 16 : i32
      %add3A_319 = arith.addi %mul3A_310, %add3A_318 : i32
      %get3A_320 = arith.constant 0 : i32
      %get3A_321 = arith.index_cast %get3A_320 : i32 to index
      %get3A_322 = arith.index_cast %add3A_319 : i32 to index
      %get3A_323 = tpu.vector_load %arg12[%get3A_321, %get3A_322] {strides = array<i32>} : memref<16x4096xf32, #tpu.memory_space<vmem>>, vector<16xf32>,
      %add3A_324 = arith.addf %add3A_317, %get3A_323 : vector<16xf32>
      %add3A_325 = arith.constant 32 : i32
      %add3A_326 = arith.addi %mul3A_310, %add3A_325 : i32
      %get3A_327 = arith.constant 0 : i32
      %get3A_328 = arith.index_cast %get3A_327 : i32 to index
      %get3A_329 = arith.index_cast %add3A_326 : i32 to index
      %get3A_330 = tpu.vector_load %arg12[%get3A_328, %get3A_329] {strides = array<i32>} : memref<16x4096xf32, #tpu.memory_space<vmem>>, vector<16xf32>,
      %add3A_331 = arith.addf %add3A_324, %get3A_330 : vector<16xf32>
      %add3A_332 = arith.constant 48 : i32
      %add3A_333 = arith.addi %mul3A_310, %add3A_332 : i32
      %get3A_334 = arith.constant 0 : i32
      %get3A_335 = arith.index_cast %get3A_334 : i32 to index
      %get3A_336 = arith.index_cast %add3A_333 : i32 to index
      %get3A_337 = tpu.vector_load %arg12[%get3A_335, %get3A_336] {strides = array<i32>} : memref<16x4096xf32, #tpu.memory_space<vmem>>, vector<16xf32>,
      %add3A_338 = arith.addf %add3A_331, %get3A_337 : vector<16xf32>
      %add3A_339 = arith.constant 0 : i32
      %add3A_340 = arith.addi %mul3A_310, %add3A_339 : i32
      %get3A_341 = arith.constant 1 : i32
      %get3A_342 = arith.index_cast %get3A_341 : i32 to index
      %get3A_343 = arith.index_cast %add3A_340 : i32 to index
      %get3A_344 = tpu.vector_load %arg12[%get3A_342, %get3A_343] {strides = array<i32>} : memref<16x4096xf32, #tpu.memory_space<vmem>>, vector<16xf32>,
      %add3A_345 = arith.addf %add3A_338, %get3A_344 : vector<16xf32>
      %add3A_346 = arith.constant 16 : i32
      %add3A_347 = arith.addi %mul3A_310, %add3A_346 : i32
      %get3A_348 = arith.constant 1 : i32
      %get3A_349 = arith.index_cast %get3A_348 : i32 to index
      %get3A_350 = arith.index_cast %add3A_347 : i32 to index
      %get3A_351 = tpu.vector_load %arg12[%get3A_349, %get3A_350] {strides = array<i32>} : memref<16x4096xf32, #tpu.memory_space<vmem>>, vector<16xf32>,
      %add3A_352 = arith.addf %add3A_345, %get3A_351 : vector<16xf32>
      %add3A_353 = arith.constant 32 : i32
      %add3A_354 = arith.addi %mul3A_310, %add3A_353 : i32
      %get3A_355 = arith.constant 1 : i32
      %get3A_356 = arith.index_cast %get3A_355 : i32 to index
      %get3A_357 = arith.index_cast %add3A_354 : i32 to index
      %get3A_358 = tpu.vector_load %arg12[%get3A_356, %get3A_357] {strides = array<i32>} : memref<16x4096xf32, #tpu.memory_space<vmem>>, vector<16xf32>,
      %add3A_359 = arith.addf %add3A_352, %get3A_358 : vector<16xf32>
      %add3A_360 = arith.constant 48 : i32
      %add3A_361 = arith.addi %mul3A_310, %add3A_360 : i32
      %get3A_362 = arith.constant 1 : i32
      %get3A_363 = arith.index_cast %get3A_362 : i32 to index
      %get3A_364 = arith.index_cast %add3A_361 : i32 to index
      %get3A_365 = tpu.vector_load %arg12[%get3A_363, %get3A_364] {strides = array<i32>} : memref<16x4096xf32, #tpu.memory_space<vmem>>, vector<16xf32>,
      %add3A_366 = arith.addf %add3A_359, %get3A_365 : vector<16xf32>
      %add3A_367 = arith.constant 0 : i32
      %add3A_368 = arith.addi %mul3A_310, %add3A_367 : i32
      %get3A_369 = arith.constant 2 : i32
      %get3A_370 = arith.index_cast %get3A_369 : i32 to index
      %get3A_371 = arith.index_cast %add3A_368 : i32 to index
      %get3A_372 = tpu.vector_load %arg12[%get3A_370, %get3A_371] {strides = array<i32>} : memref<16x4096xf32, #tpu.memory_space<vmem>>, vector<16xf32>,
      %add3A_373 = arith.addf %add3A_366, %get3A_372 : vector<16xf32>
      %add3A_374 = arith.constant 16 : i32
      %add3A_375 = arith.addi %mul3A_310, %add3A_374 : i32
      %get3A_376 = arith.constant 2 : i32
      %get3A_377 = arith.index_cast %get3A_376 : i32 to index
      %get3A_378 = arith.index_cast %add3A_375 : i32 to index
      %get3A_379 = tpu.vector_load %arg12[%get3A_377, %get3A_378] {strides = array<i32>} : memref<16x4096xf32, #tpu.memory_space<vmem>>, vector<16xf32>,
      %add3A_380 = arith.addf %add3A_373, %get3A_379 : vector<16xf32>
      %add3A_381 = arith.constant 32 : i32
      %add3A_382 = arith.addi %mul3A_310, %add3A_381 : i32
      %get3A_383 = arith.constant 2 : i32
      %get3A_384 = arith.index_cast %get3A_383 : i32 to index
      %get3A_385 = arith.index_cast %add3A_382 : i32 to index
      %get3A_386 = tpu.vector_load %arg12[%get3A_384, %get3A_385] {strides = array<i32>} : memref<16x4096xf32, #tpu.memory_space<vmem>>, vector<16xf32>,
      %add3A_387 = arith.addf %add3A_380, %get3A_386 : vector<16xf32>
      %add3A_388 = arith.constant 48 : i32
      %add3A_389 = arith.addi %mul3A_310, %add3A_388 : i32
      %get3A_390 = arith.constant 2 : i32
      %get3A_391 = arith.index_cast %get3A_390 : i32 to index
      %get3A_392 = arith.index_cast %add3A_389 : i32 to index
      %get3A_393 = tpu.vector_load %arg12[%get3A_391, %get3A_392] {strides = array<i32>} : memref<16x4096xf32, #tpu.memory_space<vmem>>, vector<16xf32>,
      %add3A_394 = arith.addf %add3A_387, %get3A_393 : vector<16xf32>
      %add3A_395 = arith.constant 0 : i32
      %add3A_396 = arith.addi %mul3A_310, %add3A_395 : i32
      %get3A_397 = arith.constant 3 : i32
      %get3A_398 = arith.index_cast %get3A_397 : i32 to index
      %get3A_399 = arith.index_cast %add3A_396 : i32 to index
      %get3A_400 = tpu.vector_load %arg12[%get3A_398, %get3A_399] {strides = array<i32>} : memref<16x4096xf32, #tpu.memory_space<vmem>>, vector<16xf32>,
      %add3A_401 = arith.addf %add3A_394, %get3A_400 : vector<16xf32>
      %add3A_402 = arith.constant 16 : i32
      %add3A_403 = arith.addi %mul3A_310, %add3A_402 : i32
      %get3A_404 = arith.constant 3 : i32
      %get3A_405 = arith.index_cast %get3A_404 : i32 to index
      %get3A_406 = arith.index_cast %add3A_403 : i32 to index
      %get3A_407 = tpu.vector_load %arg12[%get3A_405, %get3A_406] {strides = array<i32>} : memref<16x4096xf32, #tpu.memory_space<vmem>>, vector<16xf32>,
      %add3A_408 = arith.addf %add3A_401, %get3A_407 : vector<16xf32>
      %add3A_409 = arith.constant 32 : i32
      %add3A_410 = arith.addi %mul3A_310, %add3A_409 : i32
      %get3A_411 = arith.constant 3 : i32
      %get3A_412 = arith.index_cast %get3A_411 : i32 to index
      %get3A_413 = arith.index_cast %add3A_410 : i32 to index
      %get3A_414 = tpu.vector_load %arg12[%get3A_412, %get3A_413] {strides = array<i32>} : memref<16x4096xf32, #tpu.memory_space<vmem>>, vector<16xf32>,
      %add3A_415 = arith.addf %add3A_408, %get3A_414 : vector<16xf32>
      %add3A_416 = arith.constant 48 : i32
      %add3A_417 = arith.addi %mul3A_310, %add3A_416 : i32
      %get3A_418 = arith.constant 3 : i32
      %get3A_419 = arith.index_cast %get3A_418 : i32 to index
      %get3A_420 = arith.index_cast %add3A_417 : i32 to index
      %get3A_421 = tpu.vector_load %arg12[%get3A_419, %get3A_420] {strides = array<i32>} : memref<16x4096xf32, #tpu.memory_space<vmem>>, vector<16xf32>,
      %add3A_422 = arith.addf %add3A_415, %get3A_421 : vector<16xf32>
      scf.yield %add3A_422 : vector<16xf32>
    }
    %scan3A_163 = arith.constant 64 : i32
    %dma_wait3A_164 = arith.constant 4 : i32
    %dma_wait3A_165 = arith.constant 0 : i32
    %dma_wait3A_166 = tpu.memref_slice %arg12[%dma_wait3A_164, %dma_wait3A_165] : memref<16x4096xf32, #tpu.memory_space<vmem>> -> memref<4x4096xf32, #tpu.memory_space<vmem>>
    %dma_wait3A_167 = arith.constant 0 : i32
    %dma_wait3A_168 = tpu.memref_slice %arg2[%add3A_23, %dma_wait3A_167] : memref<16384x4096xf32, #tpu.memory_space<hbm>> -> memref<4x4096xf32, #tpu.memory_space<hbm>>
    %dma_wait3A_169 = arith.constant 4 : i32
    %dma_wait3A_170 = arith.constant 0 : i32
    %dma_wait3A_171 = tpu.memref_slice %arg12[%dma_wait3A_169, %dma_wait3A_170] : memref<16x4096xf32, #tpu.memory_space<vmem>> -> memref<4x4096xf32, #tpu.memory_space<vmem>>
    %dma_wait3A_172 = arith.constant 0 : i32
    %dma_wait3A_173 = tpu.memref_slice %arg2[%add3A_23, %dma_wait3A_172] : memref<16384x4096xf32, #tpu.memory_space<hbm>> -> memref<4x4096xf32, #tpu.memory_space<hbm>>
    tpu.wait_dma2 semaphore(%arg21 : memref<!tpu.dma_semaphore, #tpu.memory_space<semaphore_mem>>) src(%dma_wait3A_173 : memref<4x4096xf32, #tpu.memory_space<hbm>>) dst(%dma_wait3A_171 : memref<4x4096xf32, #tpu.memory_space<vmem>>)
    %add3A_174 = arith.constant 4 : i32
    %add3A_175 = arith.addi %add3A, %add3A_174 : i32
    %dma_start3A_176 = arith.constant 4 : i32
    %dma_start3A_177 = arith.constant 0 : i32
    %dma_start3A_178 = tpu.memref_slice %arg12[%dma_start3A_176, %dma_start3A_177] : memref<16x4096xf32, #tpu.memory_space<vmem>> -> memref<4x4096xf32, #tpu.memory_space<vmem>>
    %dma_start3A_179 = arith.constant 0 : i32
    %dma_start3A_180 = tpu.memref_slice %arg6[%add3A_175, %dma_start3A_179] : memref<512x4096xf32, #tpu.memory_space<hbm>> -> memref<4x4096xf32, #tpu.memory_space<hbm>>
    %dma_start3A_181 = arith.constant 0 : i32
    %dma_start3A_182 = tpu.memref_slice %arg6[%add3A_175, %dma_start3A_181] : memref<512x4096xf32, #tpu.memory_space<hbm>> -> memref<4x4096xf32, #tpu.memory_space<hbm>>
    %dma_start3A_183 = arith.constant 4 : i32
    %dma_start3A_184 = arith.constant 0 : i32
    %dma_start3A_185 = tpu.memref_slice %arg12[%dma_start3A_183, %dma_start3A_184] : memref<16x4096xf32, #tpu.memory_space<vmem>> -> memref<4x4096xf32, #tpu.memory_space<vmem>>
    tpu.enqueue_dma source(%dma_start3A_185 : memref<4x4096xf32, #tpu.memory_space<vmem>>) target(%dma_start3A_182 : memref<4x4096xf32, #tpu.memory_space<hbm>>) target_semaphore(%arg24 : memref<!tpu.dma_semaphore, #tpu.memory_space<semaphore_mem>>)
    %scan3A_186 = arith.constant 0 : i32
    %scan3A_187 = arith.constant 64 : i32
    %scan3A_188 = arith.addi %scan3A_186, %scan3A_187 : i32
    %scan3A_189 = arith.constant 1 : i32
    %scan3A_190 = scf.for %scan3A_305 = %scan3A_186 to %scan3A_188 step %scan3A_189 iter_args(%scan3A_306 = %scan3A_162) -> (vector<16xf32>)  : i32 {
      %mul3A_307 = arith.constant 4 : i32
      %mul3A_308 = arith.muli %scan3A_305, %mul3A_307 : i32
      %mul3A_309 = arith.constant 16 : i32
      %mul3A_310 = arith.muli %mul3A_308, %mul3A_309 : i32
      %add3A_311 = arith.constant 0 : i32
      %add3A_312 = arith.addi %mul3A_310, %add3A_311 : i32
      %get3A_313 = arith.constant 4 : i32
      %get3A_314 = arith.index_cast %get3A_313 : i32 to index
      %get3A_315 = arith.index_cast %add3A_312 : i32 to index
      %get3A_316 = tpu.vector_load %arg12[%get3A_314, %get3A_315] {strides = array<i32>} : memref<16x4096xf32, #tpu.memory_space<vmem>>, vector<16xf32>,
      %add3A_317 = arith.addf %scan3A_306, %get3A_316 : vector<16xf32>
      %add3A_318 = arith.constant 16 : i32
      %add3A_319 = arith.addi %mul3A_310, %add3A_318 : i32
      %get3A_320 = arith.constant 4 : i32
      %get3A_321 = arith.index_cast %get3A_320 : i32 to index
      %get3A_322 = arith.index_cast %add3A_319 : i32 to index
      %get3A_323 = tpu.vector_load %arg12[%get3A_321, %get3A_322] {strides = array<i32>} : memref<16x4096xf32, #tpu.memory_space<vmem>>, vector<16xf32>,
      %add3A_324 = arith.addf %add3A_317, %get3A_323 : vector<16xf32>
      %add3A_325 = arith.constant 32 : i32
      %add3A_326 = arith.addi %mul3A_310, %add3A_325 : i32
      %get3A_327 = arith.constant 4 : i32
      %get3A_328 = arith.index_cast %get3A_327 : i32 to index
      %get3A_329 = arith.index_cast %add3A_326 : i32 to index
      %get3A_330 = tpu.vector_load %arg12[%get3A_328, %get3A_329] {strides = array<i32>} : memref<16x4096xf32, #tpu.memory_space<vmem>>, vector<16xf32>,
      %add3A_331 = arith.addf %add3A_324, %get3A_330 : vector<16xf32>
      %add3A_332 = arith.constant 48 : i32
      %add3A_333 = arith.addi %mul3A_310, %add3A_332 : i32
      %get3A_334 = arith.constant 4 : i32
      %get3A_335 = arith.index_cast %get3A_334 : i32 to index
      %get3A_336 = arith.index_cast %add3A_333 : i32 to index
      %get3A_337 = tpu.vector_load %arg12[%get3A_335, %get3A_336] {strides = array<i32>} : memref<16x4096xf32, #tpu.memory_space<vmem>>, vector<16xf32>,
      %add3A_338 = arith.addf %add3A_331, %get3A_337 : vector<16xf32>
      %add3A_339 = arith.constant 0 : i32
      %add3A_340 = arith.addi %mul3A_310, %add3A_339 : i32
      %get3A_341 = arith.constant 5 : i32
      %get3A_342 = arith.index_cast %get3A_341 : i32 to index
      %get3A_343 = arith.index_cast %add3A_340 : i32 to index
      %get3A_344 = tpu.vector_load %arg12[%get3A_342, %get3A_343] {strides = array<i32>} : memref<16x4096xf32, #tpu.memory_space<vmem>>, vector<16xf32>,
      %add3A_345 = arith.addf %add3A_338, %get3A_344 : vector<16xf32>
      %add3A_346 = arith.constant 16 : i32
      %add3A_347 = arith.addi %mul3A_310, %add3A_346 : i32
      %get3A_348 = arith.constant 5 : i32
      %get3A_349 = arith.index_cast %get3A_348 : i32 to index
      %get3A_350 = arith.index_cast %add3A_347 : i32 to index
      %get3A_351 = tpu.vector_load %arg12[%get3A_349, %get3A_350] {strides = array<i32>} : memref<16x4096xf32, #tpu.memory_space<vmem>>, vector<16xf32>,
      %add3A_352 = arith.addf %add3A_345, %get3A_351 : vector<16xf32>
      %add3A_353 = arith.constant 32 : i32
      %add3A_354 = arith.addi %mul3A_310, %add3A_353 : i32
      %get3A_355 = arith.constant 5 : i32
      %get3A_356 = arith.index_cast %get3A_355 : i32 to index
      %get3A_357 = arith.index_cast %add3A_354 : i32 to index
      %get3A_358 = tpu.vector_load %arg12[%get3A_356, %get3A_357] {strides = array<i32>} : memref<16x4096xf32, #tpu.memory_space<vmem>>, vector<16xf32>,
      %add3A_359 = arith.addf %add3A_352, %get3A_358 : vector<16xf32>
      %add3A_360 = arith.constant 48 : i32
      %add3A_361 = arith.addi %mul3A_310, %add3A_360 : i32
      %get3A_362 = arith.constant 5 : i32
      %get3A_363 = arith.index_cast %get3A_362 : i32 to index
      %get3A_364 = arith.index_cast %add3A_361 : i32 to index
      %get3A_365 = tpu.vector_load %arg12[%get3A_363, %get3A_364] {strides = array<i32>} : memref<16x4096xf32, #tpu.memory_space<vmem>>, vector<16xf32>,
      %add3A_366 = arith.addf %add3A_359, %get3A_365 : vector<16xf32>
      %add3A_367 = arith.constant 0 : i32
      %add3A_368 = arith.addi %mul3A_310, %add3A_367 : i32
      %get3A_369 = arith.constant 6 : i32
      %get3A_370 = arith.index_cast %get3A_369 : i32 to index
      %get3A_371 = arith.index_cast %add3A_368 : i32 to index
      %get3A_372 = tpu.vector_load %arg12[%get3A_370, %get3A_371] {strides = array<i32>} : memref<16x4096xf32, #tpu.memory_space<vmem>>, vector<16xf32>,
      %add3A_373 = arith.addf %add3A_366, %get3A_372 : vector<16xf32>
      %add3A_374 = arith.constant 16 : i32
      %add3A_375 = arith.addi %mul3A_310, %add3A_374 : i32
      %get3A_376 = arith.constant 6 : i32
      %get3A_377 = arith.index_cast %get3A_376 : i32 to index
      %get3A_378 = arith.index_cast %add3A_375 : i32 to index
      %get3A_379 = tpu.vector_load %arg12[%get3A_377, %get3A_378] {strides = array<i32>} : memref<16x4096xf32, #tpu.memory_space<vmem>>, vector<16xf32>,
      %add3A_380 = arith.addf %add3A_373, %get3A_379 : vector<16xf32>
      %add3A_381 = arith.constant 32 : i32
      %add3A_382 = arith.addi %mul3A_310, %add3A_381 : i32
      %get3A_383 = arith.constant 6 : i32
      %get3A_384 = arith.index_cast %get3A_383 : i32 to index
      %get3A_385 = arith.index_cast %add3A_382 : i32 to index
      %get3A_386 = tpu.vector_load %arg12[%get3A_384, %get3A_385] {strides = array<i32>} : memref<16x4096xf32, #tpu.memory_space<vmem>>, vector<16xf32>,
      %add3A_387 = arith.addf %add3A_380, %get3A_386 : vector<16xf32>
      %add3A_388 = arith.constant 48 : i32
      %add3A_389 = arith.addi %mul3A_310, %add3A_388 : i32
      %get3A_390 = arith.constant 6 : i32
      %get3A_391 = arith.index_cast %get3A_390 : i32 to index
      %get3A_392 = arith.index_cast %add3A_389 : i32 to index
      %get3A_393 = tpu.vector_load %arg12[%get3A_391, %get3A_392] {strides = array<i32>} : memref<16x4096xf32, #tpu.memory_space<vmem>>, vector<16xf32>,
      %add3A_394 = arith.addf %add3A_387, %get3A_393 : vector<16xf32>
      %add3A_395 = arith.constant 0 : i32
      %add3A_396 = arith.addi %mul3A_310, %add3A_395 : i32
      %get3A_397 = arith.constant 7 : i32
      %get3A_398 = arith.index_cast %get3A_397 : i32 to index
      %get3A_399 = arith.index_cast %add3A_396 : i32 to index
      %get3A_400 = tpu.vector_load %arg12[%get3A_398, %get3A_399] {strides = array<i32>} : memref<16x4096xf32, #tpu.memory_space<vmem>>, vector<16xf32>,
      %add3A_401 = arith.addf %add3A_394, %get3A_400 : vector<16xf32>
      %add3A_402 = arith.constant 16 : i32
      %add3A_403 = arith.addi %mul3A_310, %add3A_402 : i32
      %get3A_404 = arith.constant 7 : i32
      %get3A_405 = arith.index_cast %get3A_404 : i32 to index
      %get3A_406 = arith.index_cast %add3A_403 : i32 to index
      %get3A_407 = tpu.vector_load %arg12[%get3A_405, %get3A_406] {strides = array<i32>} : memref<16x4096xf32, #tpu.memory_space<vmem>>, vector<16xf32>,
      %add3A_408 = arith.addf %add3A_401, %get3A_407 : vector<16xf32>
      %add3A_409 = arith.constant 32 : i32
      %add3A_410 = arith.addi %mul3A_310, %add3A_409 : i32
      %get3A_411 = arith.constant 7 : i32
      %get3A_412 = arith.index_cast %get3A_411 : i32 to index
      %get3A_413 = arith.index_cast %add3A_410 : i32 to index
      %get3A_414 = tpu.vector_load %arg12[%get3A_412, %get3A_413] {strides = array<i32>} : memref<16x4096xf32, #tpu.memory_space<vmem>>, vector<16xf32>,
      %add3A_415 = arith.addf %add3A_408, %get3A_414 : vector<16xf32>
      %add3A_416 = arith.constant 48 : i32
      %add3A_417 = arith.addi %mul3A_310, %add3A_416 : i32
      %get3A_418 = arith.constant 7 : i32
      %get3A_419 = arith.index_cast %get3A_418 : i32 to index
      %get3A_420 = arith.index_cast %add3A_417 : i32 to index
      %get3A_421 = tpu.vector_load %arg12[%get3A_419, %get3A_420] {strides = array<i32>} : memref<16x4096xf32, #tpu.memory_space<vmem>>, vector<16xf32>,
      %add3A_422 = arith.addf %add3A_415, %get3A_421 : vector<16xf32>
      scf.yield %add3A_422 : vector<16xf32>
    }
    %scan3A_191 = arith.constant 64 : i32
    %dma_wait3A_192 = arith.constant 8 : i32
    %dma_wait3A_193 = arith.constant 0 : i32
    %dma_wait3A_194 = tpu.memref_slice %arg12[%dma_wait3A_192, %dma_wait3A_193] : memref<16x4096xf32, #tpu.memory_space<vmem>> -> memref<4x4096xf32, #tpu.memory_space<vmem>>
    %dma_wait3A_195 = arith.constant 0 : i32
    %dma_wait3A_196 = tpu.memref_slice %arg2[%add3A_37, %dma_wait3A_195] : memref<16384x4096xf32, #tpu.memory_space<hbm>> -> memref<4x4096xf32, #tpu.memory_space<hbm>>
    %dma_wait3A_197 = arith.constant 8 : i32
    %dma_wait3A_198 = arith.constant 0 : i32
    %dma_wait3A_199 = tpu.memref_slice %arg12[%dma_wait3A_197, %dma_wait3A_198] : memref<16x4096xf32, #tpu.memory_space<vmem>> -> memref<4x4096xf32, #tpu.memory_space<vmem>>
    %dma_wait3A_200 = arith.constant 0 : i32
    %dma_wait3A_201 = tpu.memref_slice %arg2[%add3A_37, %dma_wait3A_200] : memref<16384x4096xf32, #tpu.memory_space<hbm>> -> memref<4x4096xf32, #tpu.memory_space<hbm>>
    tpu.wait_dma2 semaphore(%arg22 : memref<!tpu.dma_semaphore, #tpu.memory_space<semaphore_mem>>) src(%dma_wait3A_201 : memref<4x4096xf32, #tpu.memory_space<hbm>>) dst(%dma_wait3A_199 : memref<4x4096xf32, #tpu.memory_space<vmem>>)
    %add3A_202 = arith.constant 8 : i32
    %add3A_203 = arith.addi %add3A, %add3A_202 : i32
    %dma_start3A_204 = arith.constant 8 : i32
    %dma_start3A_205 = arith.constant 0 : i32
    %dma_start3A_206 = tpu.memref_slice %arg12[%dma_start3A_204, %dma_start3A_205] : memref<16x4096xf32, #tpu.memory_space<vmem>> -> memref<4x4096xf32, #tpu.memory_space<vmem>>
    %dma_start3A_207 = arith.constant 0 : i32
    %dma_start3A_208 = tpu.memref_slice %arg6[%add3A_203, %dma_start3A_207] : memref<512x4096xf32, #tpu.memory_space<hbm>> -> memref<4x4096xf32, #tpu.memory_space<hbm>>
    %dma_start3A_209 = arith.constant 0 : i32
    %dma_start3A_210 = tpu.memref_slice %arg6[%add3A_203, %dma_start3A_209] : memref<512x4096xf32, #tpu.memory_space<hbm>> -> memref<4x4096xf32, #tpu.memory_space<hbm>>
    %dma_start3A_211 = arith.constant 8 : i32
    %dma_start3A_212 = arith.constant 0 : i32
    %dma_start3A_213 = tpu.memref_slice %arg12[%dma_start3A_211, %dma_start3A_212] : memref<16x4096xf32, #tpu.memory_space<vmem>> -> memref<4x4096xf32, #tpu.memory_space<vmem>>
    tpu.enqueue_dma source(%dma_start3A_213 : memref<4x4096xf32, #tpu.memory_space<vmem>>) target(%dma_start3A_210 : memref<4x4096xf32, #tpu.memory_space<hbm>>) target_semaphore(%arg24 : memref<!tpu.dma_semaphore, #tpu.memory_space<semaphore_mem>>)
    %scan3A_214 = arith.constant 0 : i32
    %scan3A_215 = arith.constant 64 : i32
    %scan3A_216 = arith.addi %scan3A_214, %scan3A_215 : i32
    %scan3A_217 = arith.constant 1 : i32
    %scan3A_218 = scf.for %scan3A_305 = %scan3A_214 to %scan3A_216 step %scan3A_217 iter_args(%scan3A_306 = %scan3A_190) -> (vector<16xf32>)  : i32 {
      %mul3A_307 = arith.constant 4 : i32
      %mul3A_308 = arith.muli %scan3A_305, %mul3A_307 : i32
      %mul3A_309 = arith.constant 16 : i32
      %mul3A_310 = arith.muli %mul3A_308, %mul3A_309 : i32
      %add3A_311 = arith.constant 0 : i32
      %add3A_312 = arith.addi %mul3A_310, %add3A_311 : i32
      %get3A_313 = arith.constant 8 : i32
      %get3A_314 = arith.index_cast %get3A_313 : i32 to index
      %get3A_315 = arith.index_cast %add3A_312 : i32 to index
      %get3A_316 = tpu.vector_load %arg12[%get3A_314, %get3A_315] {strides = array<i32>} : memref<16x4096xf32, #tpu.memory_space<vmem>>, vector<16xf32>,
      %add3A_317 = arith.addf %scan3A_306, %get3A_316 : vector<16xf32>
      %add3A_318 = arith.constant 16 : i32
      %add3A_319 = arith.addi %mul3A_310, %add3A_318 : i32
      %get3A_320 = arith.constant 8 : i32
      %get3A_321 = arith.index_cast %get3A_320 : i32 to index
      %get3A_322 = arith.index_cast %add3A_319 : i32 to index
      %get3A_323 = tpu.vector_load %arg12[%get3A_321, %get3A_322] {strides = array<i32>} : memref<16x4096xf32, #tpu.memory_space<vmem>>, vector<16xf32>,
      %add3A_324 = arith.addf %add3A_317, %get3A_323 : vector<16xf32>
      %add3A_325 = arith.constant 32 : i32
      %add3A_326 = arith.addi %mul3A_310, %add3A_325 : i32
      %get3A_327 = arith.constant 8 : i32
      %get3A_328 = arith.index_cast %get3A_327 : i32 to index
      %get3A_329 = arith.index_cast %add3A_326 : i32 to index
      %get3A_330 = tpu.vector_load %arg12[%get3A_328, %get3A_329] {strides = array<i32>} : memref<16x4096xf32, #tpu.memory_space<vmem>>, vector<16xf32>,
      %add3A_331 = arith.addf %add3A_324, %get3A_330 : vector<16xf32>
      %add3A_332 = arith.constant 48 : i32
      %add3A_333 = arith.addi %mul3A_310, %add3A_332 : i32
      %get3A_334 = arith.constant 8 : i32
      %get3A_335 = arith.index_cast %get3A_334 : i32 to index
      %get3A_336 = arith.index_cast %add3A_333 : i32 to index
      %get3A_337 = tpu.vector_load %arg12[%get3A_335, %get3A_336] {strides = array<i32>} : memref<16x4096xf32, #tpu.memory_space<vmem>>, vector<16xf32>,
      %add3A_338 = arith.addf %add3A_331, %get3A_337 : vector<16xf32>
      %add3A_339 = arith.constant 0 : i32
      %add3A_340 = arith.addi %mul3A_310, %add3A_339 : i32
      %get3A_341 = arith.constant 9 : i32
      %get3A_342 = arith.index_cast %get3A_341 : i32 to index
      %get3A_343 = arith.index_cast %add3A_340 : i32 to index
      %get3A_344 = tpu.vector_load %arg12[%get3A_342, %get3A_343] {strides = array<i32>} : memref<16x4096xf32, #tpu.memory_space<vmem>>, vector<16xf32>,
      %add3A_345 = arith.addf %add3A_338, %get3A_344 : vector<16xf32>
      %add3A_346 = arith.constant 16 : i32
      %add3A_347 = arith.addi %mul3A_310, %add3A_346 : i32
      %get3A_348 = arith.constant 9 : i32
      %get3A_349 = arith.index_cast %get3A_348 : i32 to index
      %get3A_350 = arith.index_cast %add3A_347 : i32 to index
      %get3A_351 = tpu.vector_load %arg12[%get3A_349, %get3A_350] {strides = array<i32>} : memref<16x4096xf32, #tpu.memory_space<vmem>>, vector<16xf32>,
      %add3A_352 = arith.addf %add3A_345, %get3A_351 : vector<16xf32>
      %add3A_353 = arith.constant 32 : i32
      %add3A_354 = arith.addi %mul3A_310, %add3A_353 : i32
      %get3A_355 = arith.constant 9 : i32
      %get3A_356 = arith.index_cast %get3A_355 : i32 to index
      %get3A_357 = arith.index_cast %add3A_354 : i32 to index
      %get3A_358 = tpu.vector_load %arg12[%get3A_356, %get3A_357] {strides = array<i32>} : memref<16x4096xf32, #tpu.memory_space<vmem>>, vector<16xf32>,
      %add3A_359 = arith.addf %add3A_352, %get3A_358 : vector<16xf32>
      %add3A_360 = arith.constant 48 : i32
      %add3A_361 = arith.addi %mul3A_310, %add3A_360 : i32
      %get3A_362 = arith.constant 9 : i32
      %get3A_363 = arith.index_cast %get3A_362 : i32 to index
      %get3A_364 = arith.index_cast %add3A_361 : i32 to index
      %get3A_365 = tpu.vector_load %arg12[%get3A_363, %get3A_364] {strides = array<i32>} : memref<16x4096xf32, #tpu.memory_space<vmem>>, vector<16xf32>,
      %add3A_366 = arith.addf %add3A_359, %get3A_365 : vector<16xf32>
      %add3A_367 = arith.constant 0 : i32
      %add3A_368 = arith.addi %mul3A_310, %add3A_367 : i32
      %get3A_369 = arith.constant 10 : i32
      %get3A_370 = arith.index_cast %get3A_369 : i32 to index
      %get3A_371 = arith.index_cast %add3A_368 : i32 to index
      %get3A_372 = tpu.vector_load %arg12[%get3A_370, %get3A_371] {strides = array<i32>} : memref<16x4096xf32, #tpu.memory_space<vmem>>, vector<16xf32>,
      %add3A_373 = arith.addf %add3A_366, %get3A_372 : vector<16xf32>
      %add3A_374 = arith.constant 16 : i32
      %add3A_375 = arith.addi %mul3A_310, %add3A_374 : i32
      %get3A_376 = arith.constant 10 : i32
      %get3A_377 = arith.index_cast %get3A_376 : i32 to index
      %get3A_378 = arith.index_cast %add3A_375 : i32 to index
      %get3A_379 = tpu.vector_load %arg12[%get3A_377, %get3A_378] {strides = array<i32>} : memref<16x4096xf32, #tpu.memory_space<vmem>>, vector<16xf32>,
      %add3A_380 = arith.addf %add3A_373, %get3A_379 : vector<16xf32>
      %add3A_381 = arith.constant 32 : i32
      %add3A_382 = arith.addi %mul3A_310, %add3A_381 : i32
      %get3A_383 = arith.constant 10 : i32
      %get3A_384 = arith.index_cast %get3A_383 : i32 to index
      %get3A_385 = arith.index_cast %add3A_382 : i32 to index
      %get3A_386 = tpu.vector_load %arg12[%get3A_384, %get3A_385] {strides = array<i32>} : memref<16x4096xf32, #tpu.memory_space<vmem>>, vector<16xf32>,
      %add3A_387 = arith.addf %add3A_380, %get3A_386 : vector<16xf32>
      %add3A_388 = arith.constant 48 : i32
      %add3A_389 = arith.addi %mul3A_310, %add3A_388 : i32
      %get3A_390 = arith.constant 10 : i32
      %get3A_391 = arith.index_cast %get3A_390 : i32 to index
      %get3A_392 = arith.index_cast %add3A_389 : i32 to index
      %get3A_393 = tpu.vector_load %arg12[%get3A_391, %get3A_392] {strides = array<i32>} : memref<16x4096xf32, #tpu.memory_space<vmem>>, vector<16xf32>,
      %add3A_394 = arith.addf %add3A_387, %get3A_393 : vector<16xf32>
      %add3A_395 = arith.constant 0 : i32
      %add3A_396 = arith.addi %mul3A_310, %add3A_395 : i32
      %get3A_397 = arith.constant 11 : i32
      %get3A_398 = arith.index_cast %get3A_397 : i32 to index
      %get3A_399 = arith.index_cast %add3A_396 : i32 to index
      %get3A_400 = tpu.vector_load %arg12[%get3A_398, %get3A_399] {strides = array<i32>} : memref<16x4096xf32, #tpu.memory_space<vmem>>, vector<16xf32>,
      %add3A_401 = arith.addf %add3A_394, %get3A_400 : vector<16xf32>
      %add3A_402 = arith.constant 16 : i32
      %add3A_403 = arith.addi %mul3A_310, %add3A_402 : i32
      %get3A_404 = arith.constant 11 : i32
      %get3A_405 = arith.index_cast %get3A_404 : i32 to index
      %get3A_406 = arith.index_cast %add3A_403 : i32 to index
      %get3A_407 = tpu.vector_load %arg12[%get3A_405, %get3A_406] {strides = array<i32>} : memref<16x4096xf32, #tpu.memory_space<vmem>>, vector<16xf32>,
      %add3A_408 = arith.addf %add3A_401, %get3A_407 : vector<16xf32>
      %add3A_409 = arith.constant 32 : i32
      %add3A_410 = arith.addi %mul3A_310, %add3A_409 : i32
      %get3A_411 = arith.constant 11 : i32
      %get3A_412 = arith.index_cast %get3A_411 : i32 to index
      %get3A_413 = arith.index_cast %add3A_410 : i32 to index
      %get3A_414 = tpu.vector_load %arg12[%get3A_412, %get3A_413] {strides = array<i32>} : memref<16x4096xf32, #tpu.memory_space<vmem>>, vector<16xf32>,
      %add3A_415 = arith.addf %add3A_408, %get3A_414 : vector<16xf32>
      %add3A_416 = arith.constant 48 : i32
      %add3A_417 = arith.addi %mul3A_310, %add3A_416 : i32
      %get3A_418 = arith.constant 11 : i32
      %get3A_419 = arith.index_cast %get3A_418 : i32 to index
      %get3A_420 = arith.index_cast %add3A_417 : i32 to index
      %get3A_421 = tpu.vector_load %arg12[%get3A_419, %get3A_420] {strides = array<i32>} : memref<16x4096xf32, #tpu.memory_space<vmem>>, vector<16xf32>,
      %add3A_422 = arith.addf %add3A_415, %get3A_421 : vector<16xf32>
      scf.yield %add3A_422 : vector<16xf32>
    }
    %scan3A_219 = arith.constant 64 : i32
    %dma_wait3A_220 = arith.constant 12 : i32
    %dma_wait3A_221 = arith.constant 0 : i32
    %dma_wait3A_222 = tpu.memref_slice %arg12[%dma_wait3A_220, %dma_wait3A_221] : memref<16x4096xf32, #tpu.memory_space<vmem>> -> memref<4x4096xf32, #tpu.memory_space<vmem>>
    %dma_wait3A_223 = arith.constant 0 : i32
    %dma_wait3A_224 = tpu.memref_slice %arg2[%add3A_51, %dma_wait3A_223] : memref<16384x4096xf32, #tpu.memory_space<hbm>> -> memref<4x4096xf32, #tpu.memory_space<hbm>>
    %dma_wait3A_225 = arith.constant 12 : i32
    %dma_wait3A_226 = arith.constant 0 : i32
    %dma_wait3A_227 = tpu.memref_slice %arg12[%dma_wait3A_225, %dma_wait3A_226] : memref<16x4096xf32, #tpu.memory_space<vmem>> -> memref<4x4096xf32, #tpu.memory_space<vmem>>
    %dma_wait3A_228 = arith.constant 0 : i32
    %dma_wait3A_229 = tpu.memref_slice %arg2[%add3A_51, %dma_wait3A_228] : memref<16384x4096xf32, #tpu.memory_space<hbm>> -> memref<4x4096xf32, #tpu.memory_space<hbm>>
    tpu.wait_dma2 semaphore(%arg23 : memref<!tpu.dma_semaphore, #tpu.memory_space<semaphore_mem>>) src(%dma_wait3A_229 : memref<4x4096xf32, #tpu.memory_space<hbm>>) dst(%dma_wait3A_227 : memref<4x4096xf32, #tpu.memory_space<vmem>>)
    %add3A_230 = arith.constant 12 : i32
    %add3A_231 = arith.addi %add3A, %add3A_230 : i32
    %dma_start3A_232 = arith.constant 12 : i32
    %dma_start3A_233 = arith.constant 0 : i32
    %dma_start3A_234 = tpu.memref_slice %arg12[%dma_start3A_232, %dma_start3A_233] : memref<16x4096xf32, #tpu.memory_space<vmem>> -> memref<4x4096xf32, #tpu.memory_space<vmem>>
    %dma_start3A_235 = arith.constant 0 : i32
    %dma_start3A_236 = tpu.memref_slice %arg6[%add3A_231, %dma_start3A_235] : memref<512x4096xf32, #tpu.memory_space<hbm>> -> memref<4x4096xf32, #tpu.memory_space<hbm>>
    %dma_start3A_237 = arith.constant 0 : i32
    %dma_start3A_238 = tpu.memref_slice %arg6[%add3A_231, %dma_start3A_237] : memref<512x4096xf32, #tpu.memory_space<hbm>> -> memref<4x4096xf32, #tpu.memory_space<hbm>>
    %dma_start3A_239 = arith.constant 12 : i32
    %dma_start3A_240 = arith.constant 0 : i32
    %dma_start3A_241 = tpu.memref_slice %arg12[%dma_start3A_239, %dma_start3A_240] : memref<16x4096xf32, #tpu.memory_space<vmem>> -> memref<4x4096xf32, #tpu.memory_space<vmem>>
    tpu.enqueue_dma source(%dma_start3A_241 : memref<4x4096xf32, #tpu.memory_space<vmem>>) target(%dma_start3A_238 : memref<4x4096xf32, #tpu.memory_space<hbm>>) target_semaphore(%arg24 : memref<!tpu.dma_semaphore, #tpu.memory_space<semaphore_mem>>)
    %scan3A_242 = arith.constant 0 : i32
    %scan3A_243 = arith.constant 64 : i32
    %scan3A_244 = arith.addi %scan3A_242, %scan3A_243 : i32
    %scan3A_245 = arith.constant 1 : i32
    %scan3A_246 = scf.for %scan3A_305 = %scan3A_242 to %scan3A_244 step %scan3A_245 iter_args(%scan3A_306 = %scan3A_218) -> (vector<16xf32>)  : i32 {
      %mul3A_307 = arith.constant 4 : i32
      %mul3A_308 = arith.muli %scan3A_305, %mul3A_307 : i32
      %mul3A_309 = arith.constant 16 : i32
      %mul3A_310 = arith.muli %mul3A_308, %mul3A_309 : i32
      %add3A_311 = arith.constant 0 : i32
      %add3A_312 = arith.addi %mul3A_310, %add3A_311 : i32
      %get3A_313 = arith.constant 12 : i32
      %get3A_314 = arith.index_cast %get3A_313 : i32 to index
      %get3A_315 = arith.index_cast %add3A_312 : i32 to index
      %get3A_316 = tpu.vector_load %arg12[%get3A_314, %get3A_315] {strides = array<i32>} : memref<16x4096xf32, #tpu.memory_space<vmem>>, vector<16xf32>,
      %add3A_317 = arith.addf %scan3A_306, %get3A_316 : vector<16xf32>
      %add3A_318 = arith.constant 16 : i32
      %add3A_319 = arith.addi %mul3A_310, %add3A_318 : i32
      %get3A_320 = arith.constant 12 : i32
      %get3A_321 = arith.index_cast %get3A_320 : i32 to index
      %get3A_322 = arith.index_cast %add3A_319 : i32 to index
      %get3A_323 = tpu.vector_load %arg12[%get3A_321, %get3A_322] {strides = array<i32>} : memref<16x4096xf32, #tpu.memory_space<vmem>>, vector<16xf32>,
      %add3A_324 = arith.addf %add3A_317, %get3A_323 : vector<16xf32>
      %add3A_325 = arith.constant 32 : i32
      %add3A_326 = arith.addi %mul3A_310, %add3A_325 : i32
      %get3A_327 = arith.constant 12 : i32
      %get3A_328 = arith.index_cast %get3A_327 : i32 to index
      %get3A_329 = arith.index_cast %add3A_326 : i32 to index
      %get3A_330 = tpu.vector_load %arg12[%get3A_328, %get3A_329] {strides = array<i32>} : memref<16x4096xf32, #tpu.memory_space<vmem>>, vector<16xf32>,
      %add3A_331 = arith.addf %add3A_324, %get3A_330 : vector<16xf32>
      %add3A_332 = arith.constant 48 : i32
      %add3A_333 = arith.addi %mul3A_310, %add3A_332 : i32
      %get3A_334 = arith.constant 12 : i32
      %get3A_335 = arith.index_cast %get3A_334 : i32 to index
      %get3A_336 = arith.index_cast %add3A_333 : i32 to index
      %get3A_337 = tpu.vector_load %arg12[%get3A_335, %get3A_336] {strides = array<i32>} : memref<16x4096xf32, #tpu.memory_space<vmem>>, vector<16xf32>,
      %add3A_338 = arith.addf %add3A_331, %get3A_337 : vector<16xf32>
      %add3A_339 = arith.constant 0 : i32
      %add3A_340 = arith.addi %mul3A_310, %add3A_339 : i32
      %get3A_341 = arith.constant 13 : i32
      %get3A_342 = arith.index_cast %get3A_341 : i32 to index
      %get3A_343 = arith.index_cast %add3A_340 : i32 to index
      %get3A_344 = tpu.vector_load %arg12[%get3A_342, %get3A_343] {strides = array<i32>} : memref<16x4096xf32, #tpu.memory_space<vmem>>, vector<16xf32>,
      %add3A_345 = arith.addf %add3A_338, %get3A_344 : vector<16xf32>
      %add3A_346 = arith.constant 16 : i32
      %add3A_347 = arith.addi %mul3A_310, %add3A_346 : i32
      %get3A_348 = arith.constant 13 : i32
      %get3A_349 = arith.index_cast %get3A_348 : i32 to index
      %get3A_350 = arith.index_cast %add3A_347 : i32 to index
      %get3A_351 = tpu.vector_load %arg12[%get3A_349, %get3A_350] {strides = array<i32>} : memref<16x4096xf32, #tpu.memory_space<vmem>>, vector<16xf32>,
      %add3A_352 = arith.addf %add3A_345, %get3A_351 : vector<16xf32>
      %add3A_353 = arith.constant 32 : i32
      %add3A_354 = arith.addi %mul3A_310, %add3A_353 : i32
      %get3A_355 = arith.constant 13 : i32
      %get3A_356 = arith.index_cast %get3A_355 : i32 to index
      %get3A_357 = arith.index_cast %add3A_354 : i32 to index
      %get3A_358 = tpu.vector_load %arg12[%get3A_356, %get3A_357] {strides = array<i32>} : memref<16x4096xf32, #tpu.memory_space<vmem>>, vector<16xf32>,
      %add3A_359 = arith.addf %add3A_352, %get3A_358 : vector<16xf32>
      %add3A_360 = arith.constant 48 : i32
      %add3A_361 = arith.addi %mul3A_310, %add3A_360 : i32
      %get3A_362 = arith.constant 13 : i32
      %get3A_363 = arith.index_cast %get3A_362 : i32 to index
      %get3A_364 = arith.index_cast %add3A_361 : i32 to index
      %get3A_365 = tpu.vector_load %arg12[%get3A_363, %get3A_364] {strides = array<i32>} : memref<16x4096xf32, #tpu.memory_space<vmem>>, vector<16xf32>,
      %add3A_366 = arith.addf %add3A_359, %get3A_365 : vector<16xf32>
      %add3A_367 = arith.constant 0 : i32
      %add3A_368 = arith.addi %mul3A_310, %add3A_367 : i32
      %get3A_369 = arith.constant 14 : i32
      %get3A_370 = arith.index_cast %get3A_369 : i32 to index
      %get3A_371 = arith.index_cast %add3A_368 : i32 to index
      %get3A_372 = tpu.vector_load %arg12[%get3A_370, %get3A_371] {strides = array<i32>} : memref<16x4096xf32, #tpu.memory_space<vmem>>, vector<16xf32>,
      %add3A_373 = arith.addf %add3A_366, %get3A_372 : vector<16xf32>
      %add3A_374 = arith.constant 16 : i32
      %add3A_375 = arith.addi %mul3A_310, %add3A_374 : i32
      %get3A_376 = arith.constant 14 : i32
      %get3A_377 = arith.index_cast %get3A_376 : i32 to index
      %get3A_378 = arith.index_cast %add3A_375 : i32 to index
      %get3A_379 = tpu.vector_load %arg12[%get3A_377, %get3A_378] {strides = array<i32>} : memref<16x4096xf32, #tpu.memory_space<vmem>>, vector<16xf32>,
      %add3A_380 = arith.addf %add3A_373, %get3A_379 : vector<16xf32>
      %add3A_381 = arith.constant 32 : i32
      %add3A_382 = arith.addi %mul3A_310, %add3A_381 : i32
      %get3A_383 = arith.constant 14 : i32
      %get3A_384 = arith.index_cast %get3A_383 : i32 to index
      %get3A_385 = arith.index_cast %add3A_382 : i32 to index
      %get3A_386 = tpu.vector_load %arg12[%get3A_384, %get3A_385] {strides = array<i32>} : memref<16x4096xf32, #tpu.memory_space<vmem>>, vector<16xf32>,
      %add3A_387 = arith.addf %add3A_380, %get3A_386 : vector<16xf32>
      %add3A_388 = arith.constant 48 : i32
      %add3A_389 = arith.addi %mul3A_310, %add3A_388 : i32
      %get3A_390 = arith.constant 14 : i32
      %get3A_391 = arith.index_cast %get3A_390 : i32 to index
      %get3A_392 = arith.index_cast %add3A_389 : i32 to index
      %get3A_393 = tpu.vector_load %arg12[%get3A_391, %get3A_392] {strides = array<i32>} : memref<16x4096xf32, #tpu.memory_space<vmem>>, vector<16xf32>,
      %add3A_394 = arith.addf %add3A_387, %get3A_393 : vector<16xf32>
      %add3A_395 = arith.constant 0 : i32
      %add3A_396 = arith.addi %mul3A_310, %add3A_395 : i32
      %get3A_397 = arith.constant 15 : i32
      %get3A_398 = arith.index_cast %get3A_397 : i32 to index
      %get3A_399 = arith.index_cast %add3A_396 : i32 to index
      %get3A_400 = tpu.vector_load %arg12[%get3A_398, %get3A_399] {strides = array<i32>} : memref<16x4096xf32, #tpu.memory_space<vmem>>, vector<16xf32>,
      %add3A_401 = arith.addf %add3A_394, %get3A_400 : vector<16xf32>
      %add3A_402 = arith.constant 16 : i32
      %add3A_403 = arith.addi %mul3A_310, %add3A_402 : i32
      %get3A_404 = arith.constant 15 : i32
      %get3A_405 = arith.index_cast %get3A_404 : i32 to index
      %get3A_406 = arith.index_cast %add3A_403 : i32 to index
      %get3A_407 = tpu.vector_load %arg12[%get3A_405, %get3A_406] {strides = array<i32>} : memref<16x4096xf32, #tpu.memory_space<vmem>>, vector<16xf32>,
      %add3A_408 = arith.addf %add3A_401, %get3A_407 : vector<16xf32>
      %add3A_409 = arith.constant 32 : i32
      %add3A_410 = arith.addi %mul3A_310, %add3A_409 : i32
      %get3A_411 = arith.constant 15 : i32
      %get3A_412 = arith.index_cast %get3A_411 : i32 to index
      %get3A_413 = arith.index_cast %add3A_410 : i32 to index
      %get3A_414 = tpu.vector_load %arg12[%get3A_412, %get3A_413] {strides = array<i32>} : memref<16x4096xf32, #tpu.memory_space<vmem>>, vector<16xf32>,
      %add3A_415 = arith.addf %add3A_408, %get3A_414 : vector<16xf32>
      %add3A_416 = arith.constant 48 : i32
      %add3A_417 = arith.addi %mul3A_310, %add3A_416 : i32
      %get3A_418 = arith.constant 15 : i32
      %get3A_419 = arith.index_cast %get3A_418 : i32 to index
      %get3A_420 = arith.index_cast %add3A_417 : i32 to index
      %get3A_421 = tpu.vector_load %arg12[%get3A_419, %get3A_420] {strides = array<i32>} : memref<16x4096xf32, #tpu.memory_space<vmem>>, vector<16xf32>,
      %add3A_422 = arith.addf %add3A_415, %get3A_421 : vector<16xf32>
      scf.yield %add3A_422 : vector<16xf32>
    }
    %scan3A_247 = arith.constant 64 : i32
    %swap3A_248 = arith.constant 0 : index
    %swap3A_249 = tpu.vector_load %arg13[%swap3A_248] {strides = array<i32>} : memref<16xf32, #tpu.memory_space<vmem>>, vector<16xf32>,
    tpu.vector_store %arg13[%swap3A_248], %scan3A_246 {strides = array<i32>} : memref<16xf32, #tpu.memory_space<vmem>>, vector<16xf32>,
    %dma_wait3A_250 = arith.constant 0 : i32
    %dma_wait3A_251 = tpu.memref_slice %arg16[%arg1, %dma_wait3A_250] : memref<16x16xi32, #tpu.memory_space<vmem_shared>> -> memref<1x16xi32, #tpu.memory_space<vmem_shared>>
    %dma_wait3A_252 = tpu.memref_squeeze %dma_wait3A_251 : memref<1x16xi32, #tpu.memory_space<vmem_shared>> -> memref<16xi32, #tpu.memory_space<vmem_shared>>
    %dma_wait3A_253 = arith.constant 0 : i32
    %dma_wait3A_254 = tpu.memref_slice %arg16[%arg1, %dma_wait3A_253] : memref<16x16xi32, #tpu.memory_space<vmem_shared>> -> memref<1x16xi32, #tpu.memory_space<vmem_shared>>
    %dma_wait3A_255 = tpu.memref_squeeze %dma_wait3A_254 : memref<1x16xi32, #tpu.memory_space<vmem_shared>> -> memref<16xi32, #tpu.memory_space<vmem_shared>>
    tpu.wait_dma2 semaphore(%arg19 : memref<!tpu.dma_semaphore, #tpu.memory_space<semaphore_mem>>) src(%arg8 : memref<16xi32, #tpu.memory_space<vmem>>) dst(%dma_wait3A_255 : memref<16xi32, #tpu.memory_space<vmem_shared>>)
    %dma_wait3A_256 = arith.constant 0 : i32
    %dma_wait3A_257 = arith.constant 0 : i32
    %dma_wait3A_258 = tpu.memref_slice %arg12[%dma_wait3A_256, %dma_wait3A_257] : memref<16x4096xf32, #tpu.memory_space<vmem>> -> memref<4x4096xf32, #tpu.memory_space<vmem>>
    %dma_wait3A_259 = arith.constant 0 : i32
    %dma_wait3A_260 = tpu.memref_slice %arg6[%add3A_147, %dma_wait3A_259] : memref<512x4096xf32, #tpu.memory_space<hbm>> -> memref<4x4096xf32, #tpu.memory_space<hbm>>
    %dma_wait3A_261 = arith.constant 0 : i32
    %dma_wait3A_262 = tpu.memref_slice %arg6[%add3A_147, %dma_wait3A_261] : memref<512x4096xf32, #tpu.memory_space<hbm>> -> memref<4x4096xf32, #tpu.memory_space<hbm>>
    %dma_wait3A_263 = arith.constant 0 : i32
    %dma_wait3A_264 = arith.constant 0 : i32
    %dma_wait3A_265 = tpu.memref_slice %arg12[%dma_wait3A_263, %dma_wait3A_264] : memref<16x4096xf32, #tpu.memory_space<vmem>> -> memref<4x4096xf32, #tpu.memory_space<vmem>>
    tpu.wait_dma2 semaphore(%arg24 : memref<!tpu.dma_semaphore, #tpu.memory_space<semaphore_mem>>) src(%dma_wait3A_265 : memref<4x4096xf32, #tpu.memory_space<vmem>>) dst(%dma_wait3A_262 : memref<4x4096xf32, #tpu.memory_space<hbm>>)
    %dma_wait3A_266 = arith.constant 4 : i32
    %dma_wait3A_267 = arith.constant 0 : i32
    %dma_wait3A_268 = tpu.memref_slice %arg12[%dma_wait3A_266, %dma_wait3A_267] : memref<16x4096xf32, #tpu.memory_space<vmem>> -> memref<4x4096xf32, #tpu.memory_space<vmem>>
    %dma_wait3A_269 = arith.constant 0 : i32
    %dma_wait3A_270 = tpu.memref_slice %arg6[%add3A_175, %dma_wait3A_269] : memref<512x4096xf32, #tpu.memory_space<hbm>> -> memref<4x4096xf32, #tpu.memory_space<hbm>>
    %dma_wait3A_271 = arith.constant 0 : i32
    %dma_wait3A_272 = tpu.memref_slice %arg6[%add3A_175, %dma_wait3A_271] : memref<512x4096xf32, #tpu.memory_space<hbm>> -> memref<4x4096xf32, #tpu.memory_space<hbm>>
    %dma_wait3A_273 = arith.constant 4 : i32
    %dma_wait3A_274 = arith.constant 0 : i32
    %dma_wait3A_275 = tpu.memref_slice %arg12[%dma_wait3A_273, %dma_wait3A_274] : memref<16x4096xf32, #tpu.memory_space<vmem>> -> memref<4x4096xf32, #tpu.memory_space<vmem>>
    tpu.wait_dma2 semaphore(%arg24 : memref<!tpu.dma_semaphore, #tpu.memory_space<semaphore_mem>>) src(%dma_wait3A_275 : memref<4x4096xf32, #tpu.memory_space<vmem>>) dst(%dma_wait3A_272 : memref<4x4096xf32, #tpu.memory_space<hbm>>)
    %dma_wait3A_276 = arith.constant 8 : i32
    %dma_wait3A_277 = arith.constant 0 : i32
    %dma_wait3A_278 = tpu.memref_slice %arg12[%dma_wait3A_276, %dma_wait3A_277] : memref<16x4096xf32, #tpu.memory_space<vmem>> -> memref<4x4096xf32, #tpu.memory_space<vmem>>
    %dma_wait3A_279 = arith.constant 0 : i32
    %dma_wait3A_280 = tpu.memref_slice %arg6[%add3A_203, %dma_wait3A_279] : memref<512x4096xf32, #tpu.memory_space<hbm>> -> memref<4x4096xf32, #tpu.memory_space<hbm>>
    %dma_wait3A_281 = arith.constant 0 : i32
    %dma_wait3A_282 = tpu.memref_slice %arg6[%add3A_203, %dma_wait3A_281] : memref<512x4096xf32, #tpu.memory_space<hbm>> -> memref<4x4096xf32, #tpu.memory_space<hbm>>
    %dma_wait3A_283 = arith.constant 8 : i32
    %dma_wait3A_284 = arith.constant 0 : i32
    %dma_wait3A_285 = tpu.memref_slice %arg12[%dma_wait3A_283, %dma_wait3A_284] : memref<16x4096xf32, #tpu.memory_space<vmem>> -> memref<4x4096xf32, #tpu.memory_space<vmem>>
    tpu.wait_dma2 semaphore(%arg24 : memref<!tpu.dma_semaphore, #tpu.memory_space<semaphore_mem>>) src(%dma_wait3A_285 : memref<4x4096xf32, #tpu.memory_space<vmem>>) dst(%dma_wait3A_282 : memref<4x4096xf32, #tpu.memory_space<hbm>>)
    %dma_wait3A_286 = arith.constant 12 : i32
    %dma_wait3A_287 = arith.constant 0 : i32
    %dma_wait3A_288 = tpu.memref_slice %arg12[%dma_wait3A_286, %dma_wait3A_287] : memref<16x4096xf32, #tpu.memory_space<vmem>> -> memref<4x4096xf32, #tpu.memory_space<vmem>>
    %dma_wait3A_289 = arith.constant 0 : i32
    %dma_wait3A_290 = tpu.memref_slice %arg6[%add3A_231, %dma_wait3A_289] : memref<512x4096xf32, #tpu.memory_space<hbm>> -> memref<4x4096xf32, #tpu.memory_space<hbm>>
    %dma_wait3A_291 = arith.constant 0 : i32
    %dma_wait3A_292 = tpu.memref_slice %arg6[%add3A_231, %dma_wait3A_291] : memref<512x4096xf32, #tpu.memory_space<hbm>> -> memref<4x4096xf32, #tpu.memory_space<hbm>>
    %dma_wait3A_293 = arith.constant 12 : i32
    %dma_wait3A_294 = arith.constant 0 : i32
    %dma_wait3A_295 = tpu.memref_slice %arg12[%dma_wait3A_293, %dma_wait3A_294] : memref<16x4096xf32, #tpu.memory_space<vmem>> -> memref<4x4096xf32, #tpu.memory_space<vmem>>
    tpu.wait_dma2 semaphore(%arg24 : memref<!tpu.dma_semaphore, #tpu.memory_space<semaphore_mem>>) src(%dma_wait3A_295 : memref<4x4096xf32, #tpu.memory_space<vmem>>) dst(%dma_wait3A_292 : memref<4x4096xf32, #tpu.memory_space<hbm>>)
    %barrier3A_296 = arith.constant 0 : index
    tpu.barrier barrier_id(%barrier3A_296)
    %get3A_297 = arith.constant 0 : i32
    %get3A_298 = arith.index_cast %get3A_297 : i32 to index
    %get3A_299 = memref.load %arg15[%get3A_298] : memref<8xi32, #tpu.memory_space<smem>>
    %eq3A = arith.constant 16384 : i32
    %eq3A_300 = arith.cmpi eq, %get3A_299, %eq3A : i32
    %eq3A_301 = arith.constant 512 : i32
    %eq3A_302 = arith.cmpi eq, %min3A_77, %eq3A_301 : i32
    %and3A = arith.andi %eq3A_300, %eq3A_302 : i1
    %not3A = arith.constant true
    %not3A_303 = arith.xori %and3A, %not3A : i1
    %convert_element_type3A = arith.extui %not3A_303 : i1 to i32
    %cond3A = arith.constant 0 : i32
    %cond3A_304 = arith.cmpi ne, %convert_element_type3A, %cond3A : i32
    scf.if %cond3A_304 {
      "tpu.region"() ({
        %run_scoped3A = tpu.sem_alloc : memref<!tpu.dma_semaphore, #tpu.memory_space<semaphore_mem>>
        tpu.enqueue_dma source(%arg16 : memref<16x16xi32, #tpu.memory_space<vmem_shared>>) target(%arg14 : memref<16x16xi32, #tpu.memory_space<vmem>>) target_semaphore(%run_scoped3A : memref<!tpu.dma_semaphore, #tpu.memory_space<semaphore_mem>>)
        tpu.wait_dma2 semaphore(%run_scoped3A : memref<!tpu.dma_semaphore, #tpu.memory_space<semaphore_mem>>) src(%arg16 : memref<16x16xi32, #tpu.memory_space<vmem_shared>>) dst(%arg14 : memref<16x16xi32, #tpu.memory_space<vmem>>)
        tpu.yield
      }) : () -> ()
      %get3A_305 = arith.constant 0 : i32
      %get3A_306 = arith.index_cast %get3A_305 : i32 to index
      %get3A_307 = arith.constant 0 : index
      %get3A_308 = tpu.vector_load %arg14[%get3A_306, %get3A_307] {strides = array<i32>} : memref<16x16xi32, #tpu.memory_space<vmem>>, vector<16xi32>,
      %slice3A_309 = vector.extract_strided_slice %get3A_308 {offsets = [0], sizes = [1], strides = [1]} : vector<16xi32> to vector<1xi32>
      %squeeze3A_310 = vector.extract %slice3A_309[0] : i32 from vector<1xi32>
      %get3A_311 = arith.constant 1 : i32
      %get3A_312 = arith.index_cast %get3A_311 : i32 to index
      %get3A_313 = arith.constant 0 : index
      %get3A_314 = tpu.vector_load %arg14[%get3A_312, %get3A_313] {strides = array<i32>} : memref<16x16xi32, #tpu.memory_space<vmem>>, vector<16xi32>,
      %slice3A_315 = vector.extract_strided_slice %get3A_314 {offsets = [0], sizes = [1], strides = [1]} : vector<16xi32> to vector<1xi32>
      %squeeze3A_316 = vector.extract %slice3A_315[0] : i32 from vector<1xi32>
      %get3A_317 = arith.constant 2 : i32
      %get3A_318 = arith.index_cast %get3A_317 : i32 to index
      %get3A_319 = arith.constant 0 : index
      %get3A_320 = tpu.vector_load %arg14[%get3A_318, %get3A_319] {strides = array<i32>} : memref<16x16xi32, #tpu.memory_space<vmem>>, vector<16xi32>,
      %slice3A_321 = vector.extract_strided_slice %get3A_320 {offsets = [0], sizes = [1], strides = [1]} : vector<16xi32> to vector<1xi32>
      %squeeze3A_322 = vector.extract %slice3A_321[0] : i32 from vector<1xi32>
      %get3A_323 = arith.constant 3 : i32
      %get3A_324 = arith.index_cast %get3A_323 : i32 to index
      %get3A_325 = arith.constant 0 : index
      %get3A_326 = tpu.vector_load %arg14[%get3A_324, %get3A_325] {strides = array<i32>} : memref<16x16xi32, #tpu.memory_space<vmem>>, vector<16xi32>,
      %slice3A_327 = vector.extract_strided_slice %get3A_326 {offsets = [0], sizes = [1], strides = [1]} : vector<16xi32> to vector<1xi32>
      %squeeze3A_328 = vector.extract %slice3A_327[0] : i32 from vector<1xi32>
      %get3A_329 = arith.constant 4 : i32
      %get3A_330 = arith.index_cast %get3A_329 : i32 to index
      %get3A_331 = arith.constant 0 : index
      %get3A_332 = tpu.vector_load %arg14[%get3A_330, %get3A_331] {strides = array<i32>} : memref<16x16xi32, #tpu.memory_space<vmem>>, vector<16xi32>,
      %slice3A_333 = vector.extract_strided_slice %get3A_332 {offsets = [0], sizes = [1], strides = [1]} : vector<16xi32> to vector<1xi32>
      %squeeze3A_334 = vector.extract %slice3A_333[0] : i32 from vector<1xi32>
      %get3A_335 = arith.constant 5 : i32
      %get3A_336 = arith.index_cast %get3A_335 : i32 to index
      %get3A_337 = arith.constant 0 : index
      %get3A_338 = tpu.vector_load %arg14[%get3A_336, %get3A_337] {strides = array<i32>} : memref<16x16xi32, #tpu.memory_space<vmem>>, vector<16xi32>,
      %slice3A_339 = vector.extract_strided_slice %get3A_338 {offsets = [0], sizes = [1], strides = [1]} : vector<16xi32> to vector<1xi32>
      %squeeze3A_340 = vector.extract %slice3A_339[0] : i32 from vector<1xi32>
      %get3A_341 = arith.constant 6 : i32
      %get3A_342 = arith.index_cast %get3A_341 : i32 to index
      %get3A_343 = arith.constant 0 : index
      %get3A_344 = tpu.vector_load %arg14[%get3A_342, %get3A_343] {strides = array<i32>} : memref<16x16xi32, #tpu.memory_space<vmem>>, vector<16xi32>,
      %slice3A_345 = vector.extract_strided_slice %get3A_344 {offsets = [0], sizes = [1], strides = [1]} : vector<16xi32> to vector<1xi32>
      %squeeze3A_346 = vector.extract %slice3A_345[0] : i32 from vector<1xi32>
      %get3A_347 = arith.constant 7 : i32
      %get3A_348 = arith.index_cast %get3A_347 : i32 to index
      %get3A_349 = arith.constant 0 : index
      %get3A_350 = tpu.vector_load %arg14[%get3A_348, %get3A_349] {strides = array<i32>} : memref<16x16xi32, #tpu.memory_space<vmem>>, vector<16xi32>,
      %slice3A_351 = vector.extract_strided_slice %get3A_350 {offsets = [0], sizes = [1], strides = [1]} : vector<16xi32> to vector<1xi32>
      %squeeze3A_352 = vector.extract %slice3A_351[0] : i32 from vector<1xi32>
      %get3A_353 = arith.constant 8 : i32
      %get3A_354 = arith.index_cast %get3A_353 : i32 to index
      %get3A_355 = arith.constant 0 : index
      %get3A_356 = tpu.vector_load %arg14[%get3A_354, %get3A_355] {strides = array<i32>} : memref<16x16xi32, #tpu.memory_space<vmem>>, vector<16xi32>,
      %slice3A_357 = vector.extract_strided_slice %get3A_356 {offsets = [0], sizes = [1], strides = [1]} : vector<16xi32> to vector<1xi32>
      %squeeze3A_358 = vector.extract %slice3A_357[0] : i32 from vector<1xi32>
      %get3A_359 = arith.constant 9 : i32
      %get3A_360 = arith.index_cast %get3A_359 : i32 to index
      %get3A_361 = arith.constant 0 : index
      %get3A_362 = tpu.vector_load %arg14[%get3A_360, %get3A_361] {strides = array<i32>} : memref<16x16xi32, #tpu.memory_space<vmem>>, vector<16xi32>,
      %slice3A_363 = vector.extract_strided_slice %get3A_362 {offsets = [0], sizes = [1], strides = [1]} : vector<16xi32> to vector<1xi32>
      %squeeze3A_364 = vector.extract %slice3A_363[0] : i32 from vector<1xi32>
      %get3A_365 = arith.constant 10 : i32
      %get3A_366 = arith.index_cast %get3A_365 : i32 to index
      %get3A_367 = arith.constant 0 : index
      %get3A_368 = tpu.vector_load %arg14[%get3A_366, %get3A_367] {strides = array<i32>} : memref<16x16xi32, #tpu.memory_space<vmem>>, vector<16xi32>,
      %slice3A_369 = vector.extract_strided_slice %get3A_368 {offsets = [0], sizes = [1], strides = [1]} : vector<16xi32> to vector<1xi32>
      %squeeze3A_370 = vector.extract %slice3A_369[0] : i32 from vector<1xi32>
      %get3A_371 = arith.constant 11 : i32
      %get3A_372 = arith.index_cast %get3A_371 : i32 to index
      %get3A_373 = arith.constant 0 : index
      %get3A_374 = tpu.vector_load %arg14[%get3A_372, %get3A_373] {strides = array<i32>} : memref<16x16xi32, #tpu.memory_space<vmem>>, vector<16xi32>,
      %slice3A_375 = vector.extract_strided_slice %get3A_374 {offsets = [0], sizes = [1], strides = [1]} : vector<16xi32> to vector<1xi32>
      %squeeze3A_376 = vector.extract %slice3A_375[0] : i32 from vector<1xi32>
      %get3A_377 = arith.constant 12 : i32
      %get3A_378 = arith.index_cast %get3A_377 : i32 to index
      %get3A_379 = arith.constant 0 : index
      %get3A_380 = tpu.vector_load %arg14[%get3A_378, %get3A_379] {strides = array<i32>} : memref<16x16xi32, #tpu.memory_space<vmem>>, vector<16xi32>,
      %slice3A_381 = vector.extract_strided_slice %get3A_380 {offsets = [0], sizes = [1], strides = [1]} : vector<16xi32> to vector<1xi32>
      %squeeze3A_382 = vector.extract %slice3A_381[0] : i32 from vector<1xi32>
      %get3A_383 = arith.constant 13 : i32
      %get3A_384 = arith.index_cast %get3A_383 : i32 to index
      %get3A_385 = arith.constant 0 : index
      %get3A_386 = tpu.vector_load %arg14[%get3A_384, %get3A_385] {strides = array<i32>} : memref<16x16xi32, #tpu.memory_space<vmem>>, vector<16xi32>,
      %slice3A_387 = vector.extract_strided_slice %get3A_386 {offsets = [0], sizes = [1], strides = [1]} : vector<16xi32> to vector<1xi32>
      %squeeze3A_388 = vector.extract %slice3A_387[0] : i32 from vector<1xi32>
      %get3A_389 = arith.constant 14 : i32
      %get3A_390 = arith.index_cast %get3A_389 : i32 to index
      %get3A_391 = arith.constant 0 : index
      %get3A_392 = tpu.vector_load %arg14[%get3A_390, %get3A_391] {strides = array<i32>} : memref<16x16xi32, #tpu.memory_space<vmem>>, vector<16xi32>,
      %slice3A_393 = vector.extract_strided_slice %get3A_392 {offsets = [0], sizes = [1], strides = [1]} : vector<16xi32> to vector<1xi32>
      %squeeze3A_394 = vector.extract %slice3A_393[0] : i32 from vector<1xi32>
      %get3A_395 = arith.constant 15 : i32
      %get3A_396 = arith.index_cast %get3A_395 : i32 to index
      %get3A_397 = arith.constant 0 : index
      %get3A_398 = tpu.vector_load %arg14[%get3A_396, %get3A_397] {strides = array<i32>} : memref<16x16xi32, #tpu.memory_space<vmem>>, vector<16xi32>,
      %slice3A_399 = vector.extract_strided_slice %get3A_398 {offsets = [0], sizes = [1], strides = [1]} : vector<16xi32> to vector<1xi32>
      %squeeze3A_400 = vector.extract %slice3A_399[0] : i32 from vector<1xi32>
      %gt3A = arith.constant 0 : i32
      %gt3A_401 = arith.cmpi sgt, %gt3A, %arg1 : i32
      %jit3A = arith.constant 0 : i32
      %select_n3A = arith.select %gt3A_401, %squeeze3A_310, %jit3A : i32
      %gt3A_402 = arith.constant 1 : i32
      %gt3A_403 = arith.cmpi sgt, %gt3A_402, %arg1 : i32
      %jit3A_404 = arith.constant 0 : i32
      %select_n3A_405 = arith.select %gt3A_403, %squeeze3A_316, %jit3A_404 : i32
      %gt3A_406 = arith.constant 2 : i32
      %gt3A_407 = arith.cmpi sgt, %gt3A_406, %arg1 : i32
      %jit3A_408 = arith.constant 0 : i32
      %select_n3A_409 = arith.select %gt3A_407, %squeeze3A_322, %jit3A_408 : i32
      %gt3A_410 = arith.constant 3 : i32
      %gt3A_411 = arith.cmpi sgt, %gt3A_410, %arg1 : i32
      %jit3A_412 = arith.constant 0 : i32
      %select_n3A_413 = arith.select %gt3A_411, %squeeze3A_328, %jit3A_412 : i32
      %gt3A_414 = arith.constant 4 : i32
      %gt3A_415 = arith.cmpi sgt, %gt3A_414, %arg1 : i32
      %jit3A_416 = arith.constant 0 : i32
      %select_n3A_417 = arith.select %gt3A_415, %squeeze3A_334, %jit3A_416 : i32
      %gt3A_418 = arith.constant 5 : i32
      %gt3A_419 = arith.cmpi sgt, %gt3A_418, %arg1 : i32
      %jit3A_420 = arith.constant 0 : i32
      %select_n3A_421 = arith.select %gt3A_419, %squeeze3A_340, %jit3A_420 : i32
      %gt3A_422 = arith.constant 6 : i32
      %gt3A_423 = arith.cmpi sgt, %gt3A_422, %arg1 : i32
      %jit3A_424 = arith.constant 0 : i32
      %select_n3A_425 = arith.select %gt3A_423, %squeeze3A_346, %jit3A_424 : i32
      %gt3A_426 = arith.constant 7 : i32
      %gt3A_427 = arith.cmpi sgt, %gt3A_426, %arg1 : i32
      %jit3A_428 = arith.constant 0 : i32
      %select_n3A_429 = arith.select %gt3A_427, %squeeze3A_352, %jit3A_428 : i32
      %gt3A_430 = arith.constant 8 : i32
      %gt3A_431 = arith.cmpi sgt, %gt3A_430, %arg1 : i32
      %jit3A_432 = arith.constant 0 : i32
      %select_n3A_433 = arith.select %gt3A_431, %squeeze3A_358, %jit3A_432 : i32
      %gt3A_434 = arith.constant 9 : i32
      %gt3A_435 = arith.cmpi sgt, %gt3A_434, %arg1 : i32
      %jit3A_436 = arith.constant 0 : i32
      %select_n3A_437 = arith.select %gt3A_435, %squeeze3A_364, %jit3A_436 : i32
      %gt3A_438 = arith.constant 10 : i32
      %gt3A_439 = arith.cmpi sgt, %gt3A_438, %arg1 : i32
      %jit3A_440 = arith.constant 0 : i32
      %select_n3A_441 = arith.select %gt3A_439, %squeeze3A_370, %jit3A_440 : i32
      %gt3A_442 = arith.constant 11 : i32
      %gt3A_443 = arith.cmpi sgt, %gt3A_442, %arg1 : i32
      %jit3A_444 = arith.constant 0 : i32
      %select_n3A_445 = arith.select %gt3A_443, %squeeze3A_376, %jit3A_444 : i32
      %gt3A_446 = arith.constant 12 : i32
      %gt3A_447 = arith.cmpi sgt, %gt3A_446, %arg1 : i32
      %jit3A_448 = arith.constant 0 : i32
      %select_n3A_449 = arith.select %gt3A_447, %squeeze3A_382, %jit3A_448 : i32
      %gt3A_450 = arith.constant 13 : i32
      %gt3A_451 = arith.cmpi sgt, %gt3A_450, %arg1 : i32
      %jit3A_452 = arith.constant 0 : i32
      %select_n3A_453 = arith.select %gt3A_451, %squeeze3A_388, %jit3A_452 : i32
      %gt3A_454 = arith.constant 14 : i32
      %gt3A_455 = arith.cmpi sgt, %gt3A_454, %arg1 : i32
      %jit3A_456 = arith.constant 0 : i32
      %select_n3A_457 = arith.select %gt3A_455, %squeeze3A_394, %jit3A_456 : i32
      %gt3A_458 = arith.constant 15 : i32
      %gt3A_459 = arith.cmpi sgt, %gt3A_458, %arg1 : i32
      %jit3A_460 = arith.constant 0 : i32
      %select_n3A_461 = arith.select %gt3A_459, %squeeze3A_400, %jit3A_460 : i32
      %add3A_462 = arith.addi %select_n3A, %select_n3A_405 : i32
      %add3A_463 = arith.addi %add3A_462, %select_n3A_409 : i32
      %add3A_464 = arith.addi %add3A_463, %select_n3A_413 : i32
      %add3A_465 = arith.addi %add3A_464, %select_n3A_417 : i32
      %add3A_466 = arith.addi %add3A_465, %select_n3A_421 : i32
      %add3A_467 = arith.addi %add3A_466, %select_n3A_425 : i32
      %add3A_468 = arith.addi %add3A_467, %select_n3A_429 : i32
      %add3A_469 = arith.addi %add3A_468, %select_n3A_433 : i32
      %add3A_470 = arith.addi %add3A_469, %select_n3A_437 : i32
      %add3A_471 = arith.addi %add3A_470, %select_n3A_441 : i32
      %add3A_472 = arith.addi %add3A_471, %select_n3A_445 : i32
      %add3A_473 = arith.addi %add3A_472, %select_n3A_449 : i32
      %add3A_474 = arith.addi %add3A_473, %select_n3A_453 : i32
      %add3A_475 = arith.addi %add3A_474, %select_n3A_457 : i32
      %add3A_476 = arith.addi %add3A_475, %select_n3A_461 : i32
      %eq3A_477 = arith.constant 0 : i32
      %eq3A_478 = arith.cmpi eq, %eq3A_477, %arg1 : i32
      %jit3A_479 = arith.constant 0 : i32
      %select_n3A_480 = arith.select %eq3A_478, %squeeze3A_310, %jit3A_479 : i32
      %eq3A_481 = arith.constant 1 : i32
      %eq3A_482 = arith.cmpi eq, %eq3A_481, %arg1 : i32
      %jit3A_483 = arith.constant 0 : i32
      %select_n3A_484 = arith.select %eq3A_482, %squeeze3A_316, %jit3A_483 : i32
      %eq3A_485 = arith.constant 2 : i32
      %eq3A_486 = arith.cmpi eq, %eq3A_485, %arg1 : i32
      %jit3A_487 = arith.constant 0 : i32
      %select_n3A_488 = arith.select %eq3A_486, %squeeze3A_322, %jit3A_487 : i32
      %eq3A_489 = arith.constant 3 : i32
      %eq3A_490 = arith.cmpi eq, %eq3A_489, %arg1 : i32
      %jit3A_491 = arith.constant 0 : i32
      %select_n3A_492 = arith.select %eq3A_490, %squeeze3A_328, %jit3A_491 : i32
      %eq3A_493 = arith.constant 4 : i32
      %eq3A_494 = arith.cmpi eq, %eq3A_493, %arg1 : i32
      %jit3A_495 = arith.constant 0 : i32
      %select_n3A_496 = arith.select %eq3A_494, %squeeze3A_334, %jit3A_495 : i32
      %eq3A_497 = arith.constant 5 : i32
      %eq3A_498 = arith.cmpi eq, %eq3A_497, %arg1 : i32
      %jit3A_499 = arith.constant 0 : i32
      %select_n3A_500 = arith.select %eq3A_498, %squeeze3A_340, %jit3A_499 : i32
      %eq3A_501 = arith.constant 6 : i32
      %eq3A_502 = arith.cmpi eq, %eq3A_501, %arg1 : i32
      %jit3A_503 = arith.constant 0 : i32
      %select_n3A_504 = arith.select %eq3A_502, %squeeze3A_346, %jit3A_503 : i32
      %eq3A_505 = arith.constant 7 : i32
      %eq3A_506 = arith.cmpi eq, %eq3A_505, %arg1 : i32
      %jit3A_507 = arith.constant 0 : i32
      %select_n3A_508 = arith.select %eq3A_506, %squeeze3A_352, %jit3A_507 : i32
      %eq3A_509 = arith.constant 8 : i32
      %eq3A_510 = arith.cmpi eq, %eq3A_509, %arg1 : i32
      %jit3A_511 = arith.constant 0 : i32
      %select_n3A_512 = arith.select %eq3A_510, %squeeze3A_358, %jit3A_511 : i32
      %eq3A_513 = arith.constant 9 : i32
      %eq3A_514 = arith.cmpi eq, %eq3A_513, %arg1 : i32
      %jit3A_515 = arith.constant 0 : i32
      %select_n3A_516 = arith.select %eq3A_514, %squeeze3A_364, %jit3A_515 : i32
      %eq3A_517 = arith.constant 10 : i32
      %eq3A_518 = arith.cmpi eq, %eq3A_517, %arg1 : i32
      %jit3A_519 = arith.constant 0 : i32
      %select_n3A_520 = arith.select %eq3A_518, %squeeze3A_370, %jit3A_519 : i32
      %eq3A_521 = arith.constant 11 : i32
      %eq3A_522 = arith.cmpi eq, %eq3A_521, %arg1 : i32
      %jit3A_523 = arith.constant 0 : i32
      %select_n3A_524 = arith.select %eq3A_522, %squeeze3A_376, %jit3A_523 : i32
      %eq3A_525 = arith.constant 12 : i32
      %eq3A_526 = arith.cmpi eq, %eq3A_525, %arg1 : i32
      %jit3A_527 = arith.constant 0 : i32
      %select_n3A_528 = arith.select %eq3A_526, %squeeze3A_382, %jit3A_527 : i32
      %eq3A_529 = arith.constant 13 : i32
      %eq3A_530 = arith.cmpi eq, %eq3A_529, %arg1 : i32
      %jit3A_531 = arith.constant 0 : i32
      %select_n3A_532 = arith.select %eq3A_530, %squeeze3A_388, %jit3A_531 : i32
      %eq3A_533 = arith.constant 14 : i32
      %eq3A_534 = arith.cmpi eq, %eq3A_533, %arg1 : i32
      %jit3A_535 = arith.constant 0 : i32
      %select_n3A_536 = arith.select %eq3A_534, %squeeze3A_394, %jit3A_535 : i32
      %eq3A_537 = arith.constant 15 : i32
      %eq3A_538 = arith.cmpi eq, %eq3A_537, %arg1 : i32
      %jit3A_539 = arith.constant 0 : i32
      %select_n3A_540 = arith.select %eq3A_538, %squeeze3A_400, %jit3A_539 : i32
      %add3A_541 = arith.addi %select_n3A_480, %select_n3A_484 : i32
      %add3A_542 = arith.addi %add3A_541, %select_n3A_488 : i32
      %add3A_543 = arith.addi %add3A_542, %select_n3A_492 : i32
      %add3A_544 = arith.addi %add3A_543, %select_n3A_496 : i32
      %add3A_545 = arith.addi %add3A_544, %select_n3A_500 : i32
      %add3A_546 = arith.addi %add3A_545, %select_n3A_504 : i32
      %add3A_547 = arith.addi %add3A_546, %select_n3A_508 : i32
      %add3A_548 = arith.addi %add3A_547, %select_n3A_512 : i32
      %add3A_549 = arith.addi %add3A_548, %select_n3A_516 : i32
      %add3A_550 = arith.addi %add3A_549, %select_n3A_520 : i32
      %add3A_551 = arith.addi %add3A_550, %select_n3A_524 : i32
      %add3A_552 = arith.addi %add3A_551, %select_n3A_528 : i32
      %add3A_553 = arith.addi %add3A_552, %select_n3A_532 : i32
      %add3A_554 = arith.addi %add3A_553, %select_n3A_536 : i32
      %add3A_555 = arith.addi %add3A_554, %select_n3A_540 : i32
      %sub3A = arith.subi %get3A_299, %add3A_476 : i32
      %sub3A_556 = arith.subi %sub3A, %add3A_555 : i32
      %add3A_557 = arith.constant 1 : i32
      %add3A_558 = arith.addi %arg1, %add3A_557 : i32
      %mul3A_559 = arith.constant 1024 : i32
      %mul3A_560 = arith.muli %add3A_558, %mul3A_559 : i32
      %sub3A_561 = arith.constant 16384 : i32
      %sub3A_562 = arith.subi %sub3A_561, %mul3A_560 : i32
      %sub3A_563 = arith.subi %sub3A_562, %add3A_476 : i32
      %scan3A_564 = arith.constant 0 : i32
      %scan3A_565 = arith.constant 0 : i32
      %scan3A_566 = arith.constant 64 : i32
      %scan3A_567 = arith.addi %scan3A_565, %scan3A_566 : i32
      %scan3A_568 = arith.constant 1 : i32
      scf.for %scan3A_741 = %scan3A_565 to %scan3A_567 step %scan3A_568  : i32 {
        %mul3A_742 = arith.constant 1024 : i32
        %mul3A_743 = arith.muli %arg1, %mul3A_742 : i32
        %mul3A_744 = arith.constant 16 : i32
        %mul3A_745 = arith.muli %scan3A_741, %mul3A_744 : i32
        %add3A_746 = arith.addi %mul3A_743, %mul3A_745 : i32
        %iota3A = tpu.iota {dimensions = array<i32: 0>} : vector<16xi32>
        %add3A_747 = vector.broadcast %add3A_746 : i32 to vector<16xi32>
        %add3A_748 = arith.addi %add3A_747, %iota3A : vector<16xi32>
        %mul3A_749 = arith.constant 16 : i32
        %mul3A_750 = arith.muli %scan3A_741, %mul3A_749 : i32
        %swap3A_751 = arith.index_cast %mul3A_750 : i32 to index
        %swap3A_752 = tpu.vector_load %arg9[%swap3A_751] {strides = array<i32>} : memref<1024xi32, #tpu.memory_space<vmem>>, vector<16xi32>,
        tpu.vector_store %arg9[%swap3A_751], %add3A_748 {strides = array<i32>} : memref<1024xi32, #tpu.memory_space<vmem>>, vector<16xi32>,
      }
      %scan3A_569 = arith.constant 64 : i32
      %eq3A_570 = arith.constant 0 : i32
      %eq3A_571 = arith.cmpi eq, %add3A_476, %eq3A_570 : i32
      %eq3A_572 = arith.constant 0 : i32
      %eq3A_573 = arith.cmpi eq, %sub3A_563, %eq3A_572 : i32
      %and3A_574 = arith.andi %eq3A_571, %eq3A_573 : i1
      %eq3A_575 = arith.constant 1024 : i32
      %eq3A_576 = arith.cmpi eq, %add3A_555, %eq3A_575 : i32
      %eq3A_577 = arith.constant 512 : i32
      %eq3A_578 = arith.cmpi eq, %min3A_77, %eq3A_577 : i32
      %and3A_579 = arith.andi %eq3A_576, %eq3A_578 : i1
      %and3A_580 = arith.andi %and3A_574, %and3A_579 : i1
      %convert_element_type3A_581 = arith.extui %and3A_580 : i1 to i32
      %cond3A_582 = arith.constant 0 : i32
      %cond3A_583 = arith.cmpi ne, %convert_element_type3A_581, %cond3A_582 : i32
      scf.if %cond3A_583 {
        "tpu.region"() ({
          %run_scoped3A = tpu.sem_alloc : memref<!tpu.dma_semaphore, #tpu.memory_space<semaphore_mem>>
          %dma_start3A_741 = arith.constant 512 : i32
          %dma_start3A_742 = tpu.memref_slice %arg9[%dma_start3A_741] : memref<1024xi32, #tpu.memory_space<vmem>> -> memref<512xi32, #tpu.memory_space<vmem>>
          %dma_start3A_743 = arith.constant 0 : i32
          %dma_start3A_744 = tpu.memref_slice %arg17[%dma_start3A_743] : memref<528xi32, #tpu.memory_space<vmem_shared>> -> memref<512xi32, #tpu.memory_space<vmem_shared>>
          %dma_start3A_745 = arith.constant 0 : i32
          %dma_start3A_746 = tpu.memref_slice %arg17[%dma_start3A_745] : memref<528xi32, #tpu.memory_space<vmem_shared>> -> memref<512xi32, #tpu.memory_space<vmem_shared>>
          %dma_start3A_747 = arith.constant 512 : i32
          %dma_start3A_748 = tpu.memref_slice %arg9[%dma_start3A_747] : memref<1024xi32, #tpu.memory_space<vmem>> -> memref<512xi32, #tpu.memory_space<vmem>>
          tpu.enqueue_dma source(%dma_start3A_748 : memref<512xi32, #tpu.memory_space<vmem>>) target(%dma_start3A_746 : memref<512xi32, #tpu.memory_space<vmem_shared>>) target_semaphore(%run_scoped3A : memref<!tpu.dma_semaphore, #tpu.memory_space<semaphore_mem>>)
          %dma_wait3A_749 = arith.constant 512 : i32
          %dma_wait3A_750 = tpu.memref_slice %arg9[%dma_wait3A_749] : memref<1024xi32, #tpu.memory_space<vmem>> -> memref<512xi32, #tpu.memory_space<vmem>>
          %dma_wait3A_751 = arith.constant 0 : i32
          %dma_wait3A_752 = tpu.memref_slice %arg17[%dma_wait3A_751] : memref<528xi32, #tpu.memory_space<vmem_shared>> -> memref<512xi32, #tpu.memory_space<vmem_shared>>
          %dma_wait3A_753 = arith.constant 0 : i32
          %dma_wait3A_754 = tpu.memref_slice %arg17[%dma_wait3A_753] : memref<528xi32, #tpu.memory_space<vmem_shared>> -> memref<512xi32, #tpu.memory_space<vmem_shared>>
          %dma_wait3A_755 = arith.constant 512 : i32
          %dma_wait3A_756 = tpu.memref_slice %arg9[%dma_wait3A_755] : memref<1024xi32, #tpu.memory_space<vmem>> -> memref<512xi32, #tpu.memory_space<vmem>>
          tpu.wait_dma2 semaphore(%run_scoped3A : memref<!tpu.dma_semaphore, #tpu.memory_space<semaphore_mem>>) src(%dma_wait3A_756 : memref<512xi32, #tpu.memory_space<vmem>>) dst(%dma_wait3A_754 : memref<512xi32, #tpu.memory_space<vmem_shared>>)
          tpu.yield
        }) : () -> ()
      } else {
      }
      %add3A_584 = arith.addi %get3A_299, %sub3A_563 : i32
      %min3A_585 = arith.minsi %add3A_476, %add3A_584 : i32
      %lt3A = arith.cmpi slt, %min3A_585, %min3A_77 : i32
      %not3A_586 = arith.constant true
      %not3A_587 = arith.xori %and3A_580, %not3A_586 : i1
      %and3A_588 = arith.andi %lt3A, %not3A_587 : i1
      %convert_element_type3A_589 = arith.extui %and3A_588 : i1 to i32
      %cond3A_590 = arith.constant 0 : i32
      %cond3A_591 = arith.cmpi ne, %convert_element_type3A_589, %cond3A_590 : i32
      scf.if %cond3A_591 {
        %scan3A_741 = arith.constant 0 : i32
        %scan3A_742 = arith.constant 64 : i32
        %scan3A_743 = arith.addi %scan3A_741, %scan3A_742 : i32
        %scan3A_744 = arith.constant 1 : i32
        %scan3A_745 = scf.for %scan3A_753 = %scan3A_741 to %scan3A_743 step %scan3A_744 iter_args(%scan3A_754 = %sub3A_556) -> (i32)  : i32 {
          %mul3A_755 = arith.constant 16 : i32
          %mul3A_756 = arith.muli %scan3A_753, %mul3A_755 : i32
          %get3A_757 = arith.index_cast %mul3A_756 : i32 to index
          %get3A_758 = tpu.vector_load %arg7[%get3A_757] {strides = array<i32>} : memref<1024xi32, #tpu.memory_space<vmem>>, vector<16xi32>,
          %ne3A = arith.constant -100 : i32
          %ne3A_759 = vector.broadcast %ne3A : i32 to vector<16xi32>
          %ne3A_760 = arith.cmpi ne, %get3A_758, %ne3A_759 : vector<16xi32>
          %broadcast_in_dim3A_761 = arith.constant 1 : i32
          %broadcast_in_dim3A_762 = vector.broadcast %broadcast_in_dim3A_761 : i32 to vector<16xi32>
          %broadcast_in_dim3A_763 = arith.constant 0 : i32
          %broadcast_in_dim3A_764 = vector.broadcast %broadcast_in_dim3A_763 : i32 to vector<16xi32>
          %select_n3A_765 = arith.select %ne3A_760, %broadcast_in_dim3A_762, %broadcast_in_dim3A_764 : vector<16xi1>, vector<16xi32>
          %broadcast_in_dim3A_766 = arith.constant true
          %broadcast_in_dim3A_767 = vector.broadcast %broadcast_in_dim3A_766 : i1 to vector<16xi1>
          %masked_cumsum3A = tpu.scan <sum>, %select_n3A_765 masked %broadcast_in_dim3A_767 : vector<16xi32>, vector<16xi1> -> vector<16xi32>
          %add3A_768 = vector.broadcast %scan3A_754 : i32 to vector<16xi32>
          %add3A_769 = arith.addi %add3A_768, %masked_cumsum3A : vector<16xi32>
          %sub3A_770 = vector.broadcast %get3A_299 : i32 to vector<16xi32>
          %sub3A_771 = arith.subi %sub3A_770, %add3A_769 : vector<16xi32>
          %mul3A_772 = arith.constant 16 : i32
          %mul3A_773 = arith.muli %scan3A_753, %mul3A_772 : i32
          %get3A_774 = arith.index_cast %mul3A_773 : i32 to index
          %get3A_775 = tpu.vector_load %arg9[%get3A_774] {strides = array<i32>} : memref<1024xi32, #tpu.memory_space<vmem>>, vector<16xi32>,
          %sub3A_776 = arith.constant 16383 : i32
          %sub3A_777 = vector.broadcast %sub3A_776 : i32 to vector<16xi32>
          %sub3A_778 = arith.subi %sub3A_777, %get3A_775 : vector<16xi32>
          %sub3A_779 = arith.subi %sub3A_778, %sub3A_771 : vector<16xi32>
          %add3A_780 = vector.broadcast %get3A_299 : i32 to vector<16xi32>
          %add3A_781 = arith.addi %add3A_780, %sub3A_779 : vector<16xi32>
          %select_n3A_782 = arith.select %ne3A_760, %sub3A_771, %add3A_781 : vector<16xi1>, vector<16xi32>
          %sub3A_783 = arith.constant 1 : i32
          %sub3A_784 = arith.subi %min3A_77, %sub3A_783 : i32
          %sub3A_785 = vector.broadcast %sub3A_784 : i32 to vector<16xi32>
          %sub3A_786 = arith.subi %sub3A_785, %select_n3A_782 : vector<16xi32>
          %iota3A = tpu.iota {dimensions = array<i32: 0>} : vector<16xi32>
          %add3A_787 = arith.constant 512 : i32
          %add3A_788 = vector.broadcast %add3A_787 : i32 to vector<16xi32>
          %add3A_789 = arith.addi %add3A_788, %iota3A : vector<16xi32>
          %ge3A = arith.constant 0 : i32
          %ge3A_790 = vector.broadcast %ge3A : i32 to vector<16xi32>
          %ge3A_791 = arith.cmpi sge, %sub3A_786, %ge3A_790 : vector<16xi32>
          %lt3A_792 = arith.constant 512 : i32
          %lt3A_793 = vector.broadcast %lt3A_792 : i32 to vector<16xi32>
          %lt3A_794 = arith.cmpi slt, %sub3A_786, %lt3A_793 : vector<16xi32>
          %select_n3A_795 = arith.select %lt3A_794, %sub3A_786, %add3A_789 : vector<16xi1>, vector<16xi32>
          %select_n3A_796 = arith.select %ge3A_791, %select_n3A_795, %add3A_789 : vector<16xi1>, vector<16xi32>
          %jit3A_797 = arith.constant 8 : i32
          %div3A = arith.divsi %scan3A_753, %jit3A_797 : i32
          %sign3A = arith.constant 0 : i32
          %sign3A_798 = arith.cmpi sgt, %scan3A_753, %sign3A : i32
          %sign3A_799 = arith.extui %sign3A_798 : i1 to i32
          %sign3A_800 = arith.constant 0 : i32
          %sign3A_801 = arith.cmpi slt, %scan3A_753, %sign3A_800 : i32
          %sign3A_802 = arith.extui %sign3A_801 : i1 to i32
          %sign3A_803 = arith.subi %sign3A_799, %sign3A_802 : i32
          %sign3A_804 = arith.constant 0 : i32
          %sign3A_805 = arith.cmpi sgt, %jit3A_797, %sign3A_804 : i32
          %sign3A_806 = arith.extui %sign3A_805 : i1 to i32
          %sign3A_807 = arith.constant 0 : i32
          %sign3A_808 = arith.cmpi slt, %jit3A_797, %sign3A_807 : i32
          %sign3A_809 = arith.extui %sign3A_808 : i1 to i32
          %sign3A_810 = arith.subi %sign3A_806, %sign3A_809 : i32
          %ne3A_811 = arith.cmpi ne, %sign3A_803, %sign3A_810 : i32
          %rem3A = arith.remsi %scan3A_753, %jit3A_797 : i32
          %ne3A_812 = arith.constant 0 : i32
          %ne3A_813 = arith.cmpi ne, %rem3A, %ne3A_812 : i32
          %and3A_814 = arith.andi %ne3A_811, %ne3A_813 : i1
          %sub3A_815 = arith.constant 1 : i32
          %sub3A_816 = arith.subi %div3A, %sub3A_815 : i32
          %select_n3A_817 = arith.select %and3A_814, %sub3A_816, %div3A : i32
          %jit3A_818 = arith.constant 8 : i32
          %eq3A_819 = arith.constant 0 : i32
          %eq3A_820 = arith.cmpi eq, %jit3A_818, %eq3A_819 : i32
          %jit3A_821 = arith.constant 1 : i32
          %select_n3A_822 = arith.select %eq3A_820, %jit3A_821, %jit3A_818 : i32
          %rem3A_823 = arith.remsi %scan3A_753, %select_n3A_822 : i32
          %ne3A_824 = arith.constant 0 : i32
          %ne3A_825 = arith.cmpi ne, %rem3A_823, %ne3A_824 : i32
          %lt3A_826 = arith.constant 0 : i32
          %lt3A_827 = arith.cmpi slt, %rem3A_823, %lt3A_826 : i32
          %lt3A_828 = arith.constant 0 : i32
          %lt3A_829 = arith.cmpi slt, %select_n3A_822, %lt3A_828 : i32
          %ne3A_830 = arith.xori %lt3A_827, %lt3A_829 : i1
          %and3A_831 = arith.andi %ne3A_830, %ne3A_825 : i1
          %add3A_832 = arith.addi %rem3A_823, %select_n3A_822 : i32
          %select_n3A_833 = arith.select %and3A_831, %add3A_832, %rem3A_823 : i32
          %mul3A_834 = arith.constant 16 : i32
          %mul3A_835 = arith.muli %select_n3A_833, %mul3A_834 : i32
          %swap3A_836 = arith.index_cast %select_n3A_817 : i32 to index
          %swap3A_837 = arith.index_cast %mul3A_835 : i32 to index
          %swap3A_838 = tpu.vector_load %arg10[%swap3A_836, %swap3A_837] {strides = array<i32>} : memref<8x128xi32, #tpu.memory_space<vmem>>, vector<16xi32>,
          tpu.vector_store %arg10[%swap3A_836, %swap3A_837], %select_n3A_796 {strides = array<i32>} : memref<8x128xi32, #tpu.memory_space<vmem>>, vector<16xi32>,
          %reduce_sum3A_839 = arith.constant true
          %reduce_sum3A_840 = vector.broadcast %reduce_sum3A_839 : i1 to vector<16xi1>
          %reduce_sum3A_841 = tpu.scan <sum>, %select_n3A_765 masked %reduce_sum3A_840 : vector<16xi32>, vector<16xi1> -> vector<16xi32>
          %reduce_sum3A_842 = vector.extract %reduce_sum3A_841[15] : i32 from vector<16xi32>
          %add3A_843 = arith.addi %scan3A_754, %reduce_sum3A_842 : i32
          scf.yield %add3A_843 : i32
        }
        %scan3A_746 = arith.constant 64 : i32
        %scan3A_747 = arith.constant 0 : i32
        %scan3A_748 = arith.constant 0 : i32
        %scan3A_749 = arith.constant 8 : i32
        %scan3A_750 = arith.addi %scan3A_748, %scan3A_749 : i32
        %scan3A_751 = arith.constant 1 : i32
        scf.for %scan3A_753 = %scan3A_748 to %scan3A_750 step %scan3A_751  : i32 {
          %mul3A_754 = arith.constant 128 : i32
          %mul3A_755 = arith.muli %scan3A_753, %mul3A_754 : i32
          %dma_start3A_756 = tpu.memref_slice %arg9[%mul3A_755] : memref<1024xi32, #tpu.memory_space<vmem>> -> memref<128xi32, #tpu.memory_space<vmem>>
          %dma_start3A_757 = arith.constant 0 : i32
          %dma_start3A_758 = tpu.memref_slice %arg10[%scan3A_753, %dma_start3A_757] : memref<8x128xi32, #tpu.memory_space<vmem>> -> memref<1x128xi32, #tpu.memory_space<vmem>>
          %dma_start3A_759 = tpu.memref_squeeze %dma_start3A_758 : memref<1x128xi32, #tpu.memory_space<vmem>> -> memref<128xi32, #tpu.memory_space<vmem>>
          %dma_start3A_760 = arith.constant 0 : i32
          %dma_start3A_761 = tpu.memref_slice %arg17[%dma_start3A_760] : memref<528xi32, #tpu.memory_space<vmem_shared>> -> memref<528xi32, #tpu.memory_space<vmem_shared>>
          tpu.enqueue_indirect_dma source(%dma_start3A_756 : memref<128xi32, #tpu.memory_space<vmem>>) target(%dma_start3A_761 : memref<528xi32, #tpu.memory_space<vmem_shared>>) offsets(%dma_start3A_759 : memref<128xi32, #tpu.memory_space<vmem>>) semaphore(%arg25 : memref<!tpu.dma_semaphore, #tpu.memory_space<semaphore_mem>>)
          %dma_wait3A_762 = tpu.memref_slice %arg9[%mul3A_755] : memref<1024xi32, #tpu.memory_space<vmem>> -> memref<128xi32, #tpu.memory_space<vmem>>
          %dma_wait3A_763 = arith.constant 0 : i32
          %dma_wait3A_764 = tpu.memref_slice %arg10[%scan3A_753, %dma_wait3A_763] : memref<8x128xi32, #tpu.memory_space<vmem>> -> memref<1x128xi32, #tpu.memory_space<vmem>>
          %dma_wait3A_765 = tpu.memref_squeeze %dma_wait3A_764 : memref<1x128xi32, #tpu.memory_space<vmem>> -> memref<128xi32, #tpu.memory_space<vmem>>
          %dma_wait3A_766 = arith.constant 0 : i32
          %dma_wait3A_767 = tpu.memref_slice %arg17[%dma_wait3A_766] : memref<528xi32, #tpu.memory_space<vmem_shared>> -> memref<528xi32, #tpu.memory_space<vmem_shared>>
          tpu.wait_indirect_dma semaphore(%arg25 : memref<!tpu.dma_semaphore, #tpu.memory_space<semaphore_mem>>) src(%dma_wait3A_762 : memref<128xi32, #tpu.memory_space<vmem>>) dst(%dma_wait3A_767 : memref<528xi32, #tpu.memory_space<vmem_shared>>)
        }
        %scan3A_752 = arith.constant 8 : i32
      } else {
      }
      %barrier3A_592 = arith.constant 0 : index
      tpu.barrier barrier_id(%barrier3A_592)
      "tpu.region"() ({
        %run_scoped3A = tpu.sem_alloc : memref<!tpu.dma_semaphore, #tpu.memory_space<semaphore_mem>>
        %dma_start3A_741 = tpu.memref_slice %arg17[%add3A] : memref<528xi32, #tpu.memory_space<vmem_shared>> -> memref<16xi32, #tpu.memory_space<vmem_shared>>
        %dma_start3A_742 = tpu.memref_slice %arg17[%add3A] : memref<528xi32, #tpu.memory_space<vmem_shared>> -> memref<16xi32, #tpu.memory_space<vmem_shared>>
        tpu.enqueue_dma source(%dma_start3A_742 : memref<16xi32, #tpu.memory_space<vmem_shared>>) target(%arg11 : memref<16xi32, #tpu.memory_space<vmem>>) target_semaphore(%run_scoped3A : memref<!tpu.dma_semaphore, #tpu.memory_space<semaphore_mem>>)
        %dma_wait3A_743 = tpu.memref_slice %arg17[%add3A] : memref<528xi32, #tpu.memory_space<vmem_shared>> -> memref<16xi32, #tpu.memory_space<vmem_shared>>
        %dma_wait3A_744 = tpu.memref_slice %arg17[%add3A] : memref<528xi32, #tpu.memory_space<vmem_shared>> -> memref<16xi32, #tpu.memory_space<vmem_shared>>
        tpu.wait_dma2 semaphore(%run_scoped3A : memref<!tpu.dma_semaphore, #tpu.memory_space<semaphore_mem>>) src(%dma_wait3A_744 : memref<16xi32, #tpu.memory_space<vmem_shared>>) dst(%arg11 : memref<16xi32, #tpu.memory_space<vmem>>)
        tpu.yield
      }) : () -> ()
      %dma_start3A_593 = arith.constant 0 : i32
      %dma_start3A_594 = arith.constant 0 : i32
      %dma_start3A_595 = tpu.memref_slice %arg12[%dma_start3A_593, %dma_start3A_594] : memref<16x4096xf32, #tpu.memory_space<vmem>> -> memref<8x4096xf32, #tpu.memory_space<vmem>>
      %dma_start3A_596 = arith.constant 0 : i32
      %dma_start3A_597 = tpu.memref_slice %arg11[%dma_start3A_596] : memref<16xi32, #tpu.memory_space<vmem>> -> memref<8xi32, #tpu.memory_space<vmem>>
      %dma_start3A_598 = arith.constant 0 : i32
      %dma_start3A_599 = arith.constant 0 : i32
      %dma_start3A_600 = tpu.memref_slice %arg2[%dma_start3A_598, %dma_start3A_599] : memref<16384x4096xf32, #tpu.memory_space<hbm>> -> memref<16384x4096xf32, #tpu.memory_space<hbm>>
      tpu.enqueue_indirect_dma source(%dma_start3A_600 : memref<16384x4096xf32, #tpu.memory_space<hbm>>) target(%dma_start3A_595 : memref<8x4096xf32, #tpu.memory_space<vmem>>) offsets(%dma_start3A_597 : memref<8xi32, #tpu.memory_space<vmem>>) semaphore(%arg20 : memref<!tpu.dma_semaphore, #tpu.memory_space<semaphore_mem>>)
      %dma_start3A_601 = arith.constant 8 : i32
      %dma_start3A_602 = arith.constant 0 : i32
      %dma_start3A_603 = tpu.memref_slice %arg12[%dma_start3A_601, %dma_start3A_602] : memref<16x4096xf32, #tpu.memory_space<vmem>> -> memref<8x4096xf32, #tpu.memory_space<vmem>>
      %dma_start3A_604 = arith.constant 8 : i32
      %dma_start3A_605 = tpu.memref_slice %arg11[%dma_start3A_604] : memref<16xi32, #tpu.memory_space<vmem>> -> memref<8xi32, #tpu.memory_space<vmem>>
      %dma_start3A_606 = arith.constant 0 : i32
      %dma_start3A_607 = arith.constant 0 : i32
      %dma_start3A_608 = tpu.memref_slice %arg2[%dma_start3A_606, %dma_start3A_607] : memref<16384x4096xf32, #tpu.memory_space<hbm>> -> memref<16384x4096xf32, #tpu.memory_space<hbm>>
      tpu.enqueue_indirect_dma source(%dma_start3A_608 : memref<16384x4096xf32, #tpu.memory_space<hbm>>) target(%dma_start3A_603 : memref<8x4096xf32, #tpu.memory_space<vmem>>) offsets(%dma_start3A_605 : memref<8xi32, #tpu.memory_space<vmem>>) semaphore(%arg21 : memref<!tpu.dma_semaphore, #tpu.memory_space<semaphore_mem>>)
      %dma_wait3A_609 = arith.constant 0 : i32
      %dma_wait3A_610 = arith.constant 0 : i32
      %dma_wait3A_611 = tpu.memref_slice %arg12[%dma_wait3A_609, %dma_wait3A_610] : memref<16x4096xf32, #tpu.memory_space<vmem>> -> memref<8x4096xf32, #tpu.memory_space<vmem>>
      %dma_wait3A_612 = arith.constant 0 : i32
      %dma_wait3A_613 = tpu.memref_slice %arg11[%dma_wait3A_612] : memref<16xi32, #tpu.memory_space<vmem>> -> memref<8xi32, #tpu.memory_space<vmem>>
      %dma_wait3A_614 = arith.constant 0 : i32
      %dma_wait3A_615 = arith.constant 0 : i32
      %dma_wait3A_616 = tpu.memref_slice %arg2[%dma_wait3A_614, %dma_wait3A_615] : memref<16384x4096xf32, #tpu.memory_space<hbm>> -> memref<16384x4096xf32, #tpu.memory_space<hbm>>
      tpu.wait_indirect_dma semaphore(%arg20 : memref<!tpu.dma_semaphore, #tpu.memory_space<semaphore_mem>>) src(%dma_wait3A_616 : memref<16384x4096xf32, #tpu.memory_space<hbm>>) dst(%dma_wait3A_611 : memref<8x4096xf32, #tpu.memory_space<vmem>>)
      %dma_wait3A_617 = arith.constant 8 : i32
      %dma_wait3A_618 = arith.constant 0 : i32
      %dma_wait3A_619 = tpu.memref_slice %arg12[%dma_wait3A_617, %dma_wait3A_618] : memref<16x4096xf32, #tpu.memory_space<vmem>> -> memref<8x4096xf32, #tpu.memory_space<vmem>>
      %dma_wait3A_620 = arith.constant 8 : i32
      %dma_wait3A_621 = tpu.memref_slice %arg11[%dma_wait3A_620] : memref<16xi32, #tpu.memory_space<vmem>> -> memref<8xi32, #tpu.memory_space<vmem>>
      %dma_wait3A_622 = arith.constant 0 : i32
      %dma_wait3A_623 = arith.constant 0 : i32
      %dma_wait3A_624 = tpu.memref_slice %arg2[%dma_wait3A_622, %dma_wait3A_623] : memref<16384x4096xf32, #tpu.memory_space<hbm>> -> memref<16384x4096xf32, #tpu.memory_space<hbm>>
      tpu.wait_indirect_dma semaphore(%arg21 : memref<!tpu.dma_semaphore, #tpu.memory_space<semaphore_mem>>) src(%dma_wait3A_624 : memref<16384x4096xf32, #tpu.memory_space<hbm>>) dst(%dma_wait3A_619 : memref<8x4096xf32, #tpu.memory_space<vmem>>)
      %broadcast_in_dim3A_625 = arith.constant 0.000000e+00 : f32
      %broadcast_in_dim3A_626 = vector.broadcast %broadcast_in_dim3A_625 : f32 to vector<16xf32>
      %add3A_627 = arith.constant 0 : i32
      %add3A_628 = arith.addi %add3A, %add3A_627 : i32
      %dma_start3A_629 = arith.constant 0 : i32
      %dma_start3A_630 = arith.constant 0 : i32
      %dma_start3A_631 = tpu.memref_slice %arg12[%dma_start3A_629, %dma_start3A_630] : memref<16x4096xf32, #tpu.memory_space<vmem>> -> memref<4x4096xf32, #tpu.memory_space<vmem>>
      %dma_start3A_632 = arith.constant 0 : i32
      %dma_start3A_633 = tpu.memref_slice %arg6[%add3A_628, %dma_start3A_632] : memref<512x4096xf32, #tpu.memory_space<hbm>> -> memref<4x4096xf32, #tpu.memory_space<hbm>>
      %dma_start3A_634 = arith.constant 0 : i32
      %dma_start3A_635 = tpu.memref_slice %arg6[%add3A_628, %dma_start3A_634] : memref<512x4096xf32, #tpu.memory_space<hbm>> -> memref<4x4096xf32, #tpu.memory_space<hbm>>
      %dma_start3A_636 = arith.constant 0 : i32
      %dma_start3A_637 = arith.constant 0 : i32
      %dma_start3A_638 = tpu.memref_slice %arg12[%dma_start3A_636, %dma_start3A_637] : memref<16x4096xf32, #tpu.memory_space<vmem>> -> memref<4x4096xf32, #tpu.memory_space<vmem>>
      tpu.enqueue_dma source(%dma_start3A_638 : memref<4x4096xf32, #tpu.memory_space<vmem>>) target(%dma_start3A_635 : memref<4x4096xf32, #tpu.memory_space<hbm>>) target_semaphore(%arg24 : memref<!tpu.dma_semaphore, #tpu.memory_space<semaphore_mem>>)
      %scan3A_639 = arith.constant 0 : i32
      %scan3A_640 = arith.constant 64 : i32
      %scan3A_641 = arith.addi %scan3A_639, %scan3A_640 : i32
      %scan3A_642 = arith.constant 1 : i32
      %scan3A_643 = scf.for %scan3A_741 = %scan3A_639 to %scan3A_641 step %scan3A_642 iter_args(%scan3A_742 = %broadcast_in_dim3A_626) -> (vector<16xf32>)  : i32 {
        %mul3A_743 = arith.constant 4 : i32
        %mul3A_744 = arith.muli %scan3A_741, %mul3A_743 : i32
        %mul3A_745 = arith.constant 16 : i32
        %mul3A_746 = arith.muli %mul3A_744, %mul3A_745 : i32
        %add3A_747 = arith.constant 0 : i32
        %add3A_748 = arith.addi %mul3A_746, %add3A_747 : i32
        %get3A_749 = arith.constant 0 : i32
        %get3A_750 = arith.index_cast %get3A_749 : i32 to index
        %get3A_751 = arith.index_cast %add3A_748 : i32 to index
        %get3A_752 = tpu.vector_load %arg12[%get3A_750, %get3A_751] {strides = array<i32>} : memref<16x4096xf32, #tpu.memory_space<vmem>>, vector<16xf32>,
        %add3A_753 = arith.addf %scan3A_742, %get3A_752 : vector<16xf32>
        %add3A_754 = arith.constant 16 : i32
        %add3A_755 = arith.addi %mul3A_746, %add3A_754 : i32
        %get3A_756 = arith.constant 0 : i32
        %get3A_757 = arith.index_cast %get3A_756 : i32 to index
        %get3A_758 = arith.index_cast %add3A_755 : i32 to index
        %get3A_759 = tpu.vector_load %arg12[%get3A_757, %get3A_758] {strides = array<i32>} : memref<16x4096xf32, #tpu.memory_space<vmem>>, vector<16xf32>,
        %add3A_760 = arith.addf %add3A_753, %get3A_759 : vector<16xf32>
        %add3A_761 = arith.constant 32 : i32
        %add3A_762 = arith.addi %mul3A_746, %add3A_761 : i32
        %get3A_763 = arith.constant 0 : i32
        %get3A_764 = arith.index_cast %get3A_763 : i32 to index
        %get3A_765 = arith.index_cast %add3A_762 : i32 to index
        %get3A_766 = tpu.vector_load %arg12[%get3A_764, %get3A_765] {strides = array<i32>} : memref<16x4096xf32, #tpu.memory_space<vmem>>, vector<16xf32>,
        %add3A_767 = arith.addf %add3A_760, %get3A_766 : vector<16xf32>
        %add3A_768 = arith.constant 48 : i32
        %add3A_769 = arith.addi %mul3A_746, %add3A_768 : i32
        %get3A_770 = arith.constant 0 : i32
        %get3A_771 = arith.index_cast %get3A_770 : i32 to index
        %get3A_772 = arith.index_cast %add3A_769 : i32 to index
        %get3A_773 = tpu.vector_load %arg12[%get3A_771, %get3A_772] {strides = array<i32>} : memref<16x4096xf32, #tpu.memory_space<vmem>>, vector<16xf32>,
        %add3A_774 = arith.addf %add3A_767, %get3A_773 : vector<16xf32>
        %add3A_775 = arith.constant 0 : i32
        %add3A_776 = arith.addi %mul3A_746, %add3A_775 : i32
        %get3A_777 = arith.constant 1 : i32
        %get3A_778 = arith.index_cast %get3A_777 : i32 to index
        %get3A_779 = arith.index_cast %add3A_776 : i32 to index
        %get3A_780 = tpu.vector_load %arg12[%get3A_778, %get3A_779] {strides = array<i32>} : memref<16x4096xf32, #tpu.memory_space<vmem>>, vector<16xf32>,
        %add3A_781 = arith.addf %add3A_774, %get3A_780 : vector<16xf32>
        %add3A_782 = arith.constant 16 : i32
        %add3A_783 = arith.addi %mul3A_746, %add3A_782 : i32
        %get3A_784 = arith.constant 1 : i32
        %get3A_785 = arith.index_cast %get3A_784 : i32 to index
        %get3A_786 = arith.index_cast %add3A_783 : i32 to index
        %get3A_787 = tpu.vector_load %arg12[%get3A_785, %get3A_786] {strides = array<i32>} : memref<16x4096xf32, #tpu.memory_space<vmem>>, vector<16xf32>,
        %add3A_788 = arith.addf %add3A_781, %get3A_787 : vector<16xf32>
        %add3A_789 = arith.constant 32 : i32
        %add3A_790 = arith.addi %mul3A_746, %add3A_789 : i32
        %get3A_791 = arith.constant 1 : i32
        %get3A_792 = arith.index_cast %get3A_791 : i32 to index
        %get3A_793 = arith.index_cast %add3A_790 : i32 to index
        %get3A_794 = tpu.vector_load %arg12[%get3A_792, %get3A_793] {strides = array<i32>} : memref<16x4096xf32, #tpu.memory_space<vmem>>, vector<16xf32>,
        %add3A_795 = arith.addf %add3A_788, %get3A_794 : vector<16xf32>
        %add3A_796 = arith.constant 48 : i32
        %add3A_797 = arith.addi %mul3A_746, %add3A_796 : i32
        %get3A_798 = arith.constant 1 : i32
        %get3A_799 = arith.index_cast %get3A_798 : i32 to index
        %get3A_800 = arith.index_cast %add3A_797 : i32 to index
        %get3A_801 = tpu.vector_load %arg12[%get3A_799, %get3A_800] {strides = array<i32>} : memref<16x4096xf32, #tpu.memory_space<vmem>>, vector<16xf32>,
        %add3A_802 = arith.addf %add3A_795, %get3A_801 : vector<16xf32>
        %add3A_803 = arith.constant 0 : i32
        %add3A_804 = arith.addi %mul3A_746, %add3A_803 : i32
        %get3A_805 = arith.constant 2 : i32
        %get3A_806 = arith.index_cast %get3A_805 : i32 to index
        %get3A_807 = arith.index_cast %add3A_804 : i32 to index
        %get3A_808 = tpu.vector_load %arg12[%get3A_806, %get3A_807] {strides = array<i32>} : memref<16x4096xf32, #tpu.memory_space<vmem>>, vector<16xf32>,
        %add3A_809 = arith.addf %add3A_802, %get3A_808 : vector<16xf32>
        %add3A_810 = arith.constant 16 : i32
        %add3A_811 = arith.addi %mul3A_746, %add3A_810 : i32
        %get3A_812 = arith.constant 2 : i32
        %get3A_813 = arith.index_cast %get3A_812 : i32 to index
        %get3A_814 = arith.index_cast %add3A_811 : i32 to index
        %get3A_815 = tpu.vector_load %arg12[%get3A_813, %get3A_814] {strides = array<i32>} : memref<16x4096xf32, #tpu.memory_space<vmem>>, vector<16xf32>,
        %add3A_816 = arith.addf %add3A_809, %get3A_815 : vector<16xf32>
        %add3A_817 = arith.constant 32 : i32
        %add3A_818 = arith.addi %mul3A_746, %add3A_817 : i32
        %get3A_819 = arith.constant 2 : i32
        %get3A_820 = arith.index_cast %get3A_819 : i32 to index
        %get3A_821 = arith.index_cast %add3A_818 : i32 to index
        %get3A_822 = tpu.vector_load %arg12[%get3A_820, %get3A_821] {strides = array<i32>} : memref<16x4096xf32, #tpu.memory_space<vmem>>, vector<16xf32>,
        %add3A_823 = arith.addf %add3A_816, %get3A_822 : vector<16xf32>
        %add3A_824 = arith.constant 48 : i32
        %add3A_825 = arith.addi %mul3A_746, %add3A_824 : i32
        %get3A_826 = arith.constant 2 : i32
        %get3A_827 = arith.index_cast %get3A_826 : i32 to index
        %get3A_828 = arith.index_cast %add3A_825 : i32 to index
        %get3A_829 = tpu.vector_load %arg12[%get3A_827, %get3A_828] {strides = array<i32>} : memref<16x4096xf32, #tpu.memory_space<vmem>>, vector<16xf32>,
        %add3A_830 = arith.addf %add3A_823, %get3A_829 : vector<16xf32>
        %add3A_831 = arith.constant 0 : i32
        %add3A_832 = arith.addi %mul3A_746, %add3A_831 : i32
        %get3A_833 = arith.constant 3 : i32
        %get3A_834 = arith.index_cast %get3A_833 : i32 to index
        %get3A_835 = arith.index_cast %add3A_832 : i32 to index
        %get3A_836 = tpu.vector_load %arg12[%get3A_834, %get3A_835] {strides = array<i32>} : memref<16x4096xf32, #tpu.memory_space<vmem>>, vector<16xf32>,
        %add3A_837 = arith.addf %add3A_830, %get3A_836 : vector<16xf32>
        %add3A_838 = arith.constant 16 : i32
        %add3A_839 = arith.addi %mul3A_746, %add3A_838 : i32
        %get3A_840 = arith.constant 3 : i32
        %get3A_841 = arith.index_cast %get3A_840 : i32 to index
        %get3A_842 = arith.index_cast %add3A_839 : i32 to index
        %get3A_843 = tpu.vector_load %arg12[%get3A_841, %get3A_842] {strides = array<i32>} : memref<16x4096xf32, #tpu.memory_space<vmem>>, vector<16xf32>,
        %add3A_844 = arith.addf %add3A_837, %get3A_843 : vector<16xf32>
        %add3A_845 = arith.constant 32 : i32
        %add3A_846 = arith.addi %mul3A_746, %add3A_845 : i32
        %get3A_847 = arith.constant 3 : i32
        %get3A_848 = arith.index_cast %get3A_847 : i32 to index
        %get3A_849 = arith.index_cast %add3A_846 : i32 to index
        %get3A_850 = tpu.vector_load %arg12[%get3A_848, %get3A_849] {strides = array<i32>} : memref<16x4096xf32, #tpu.memory_space<vmem>>, vector<16xf32>,
        %add3A_851 = arith.addf %add3A_844, %get3A_850 : vector<16xf32>
        %add3A_852 = arith.constant 48 : i32
        %add3A_853 = arith.addi %mul3A_746, %add3A_852 : i32
        %get3A_854 = arith.constant 3 : i32
        %get3A_855 = arith.index_cast %get3A_854 : i32 to index
        %get3A_856 = arith.index_cast %add3A_853 : i32 to index
        %get3A_857 = tpu.vector_load %arg12[%get3A_855, %get3A_856] {strides = array<i32>} : memref<16x4096xf32, #tpu.memory_space<vmem>>, vector<16xf32>,
        %add3A_858 = arith.addf %add3A_851, %get3A_857 : vector<16xf32>
        scf.yield %add3A_858 : vector<16xf32>
      }
      %scan3A_644 = arith.constant 64 : i32
      %add3A_645 = arith.constant 4 : i32
      %add3A_646 = arith.addi %add3A, %add3A_645 : i32
      %dma_start3A_647 = arith.constant 4 : i32
      %dma_start3A_648 = arith.constant 0 : i32
      %dma_start3A_649 = tpu.memref_slice %arg12[%dma_start3A_647, %dma_start3A_648] : memref<16x4096xf32, #tpu.memory_space<vmem>> -> memref<4x4096xf32, #tpu.memory_space<vmem>>
      %dma_start3A_650 = arith.constant 0 : i32
      %dma_start3A_651 = tpu.memref_slice %arg6[%add3A_646, %dma_start3A_650] : memref<512x4096xf32, #tpu.memory_space<hbm>> -> memref<4x4096xf32, #tpu.memory_space<hbm>>
      %dma_start3A_652 = arith.constant 0 : i32
      %dma_start3A_653 = tpu.memref_slice %arg6[%add3A_646, %dma_start3A_652] : memref<512x4096xf32, #tpu.memory_space<hbm>> -> memref<4x4096xf32, #tpu.memory_space<hbm>>
      %dma_start3A_654 = arith.constant 4 : i32
      %dma_start3A_655 = arith.constant 0 : i32
      %dma_start3A_656 = tpu.memref_slice %arg12[%dma_start3A_654, %dma_start3A_655] : memref<16x4096xf32, #tpu.memory_space<vmem>> -> memref<4x4096xf32, #tpu.memory_space<vmem>>
      tpu.enqueue_dma source(%dma_start3A_656 : memref<4x4096xf32, #tpu.memory_space<vmem>>) target(%dma_start3A_653 : memref<4x4096xf32, #tpu.memory_space<hbm>>) target_semaphore(%arg24 : memref<!tpu.dma_semaphore, #tpu.memory_space<semaphore_mem>>)
      %scan3A_657 = arith.constant 0 : i32
      %scan3A_658 = arith.constant 64 : i32
      %scan3A_659 = arith.addi %scan3A_657, %scan3A_658 : i32
      %scan3A_660 = arith.constant 1 : i32
      %scan3A_661 = scf.for %scan3A_741 = %scan3A_657 to %scan3A_659 step %scan3A_660 iter_args(%scan3A_742 = %scan3A_643) -> (vector<16xf32>)  : i32 {
        %mul3A_743 = arith.constant 4 : i32
        %mul3A_744 = arith.muli %scan3A_741, %mul3A_743 : i32
        %mul3A_745 = arith.constant 16 : i32
        %mul3A_746 = arith.muli %mul3A_744, %mul3A_745 : i32
        %add3A_747 = arith.constant 0 : i32
        %add3A_748 = arith.addi %mul3A_746, %add3A_747 : i32
        %get3A_749 = arith.constant 4 : i32
        %get3A_750 = arith.index_cast %get3A_749 : i32 to index
        %get3A_751 = arith.index_cast %add3A_748 : i32 to index
        %get3A_752 = tpu.vector_load %arg12[%get3A_750, %get3A_751] {strides = array<i32>} : memref<16x4096xf32, #tpu.memory_space<vmem>>, vector<16xf32>,
        %add3A_753 = arith.addf %scan3A_742, %get3A_752 : vector<16xf32>
        %add3A_754 = arith.constant 16 : i32
        %add3A_755 = arith.addi %mul3A_746, %add3A_754 : i32
        %get3A_756 = arith.constant 4 : i32
        %get3A_757 = arith.index_cast %get3A_756 : i32 to index
        %get3A_758 = arith.index_cast %add3A_755 : i32 to index
        %get3A_759 = tpu.vector_load %arg12[%get3A_757, %get3A_758] {strides = array<i32>} : memref<16x4096xf32, #tpu.memory_space<vmem>>, vector<16xf32>,
        %add3A_760 = arith.addf %add3A_753, %get3A_759 : vector<16xf32>
        %add3A_761 = arith.constant 32 : i32
        %add3A_762 = arith.addi %mul3A_746, %add3A_761 : i32
        %get3A_763 = arith.constant 4 : i32
        %get3A_764 = arith.index_cast %get3A_763 : i32 to index
        %get3A_765 = arith.index_cast %add3A_762 : i32 to index
        %get3A_766 = tpu.vector_load %arg12[%get3A_764, %get3A_765] {strides = array<i32>} : memref<16x4096xf32, #tpu.memory_space<vmem>>, vector<16xf32>,
        %add3A_767 = arith.addf %add3A_760, %get3A_766 : vector<16xf32>
        %add3A_768 = arith.constant 48 : i32
        %add3A_769 = arith.addi %mul3A_746, %add3A_768 : i32
        %get3A_770 = arith.constant 4 : i32
        %get3A_771 = arith.index_cast %get3A_770 : i32 to index
        %get3A_772 = arith.index_cast %add3A_769 : i32 to index
        %get3A_773 = tpu.vector_load %arg12[%get3A_771, %get3A_772] {strides = array<i32>} : memref<16x4096xf32, #tpu.memory_space<vmem>>, vector<16xf32>,
        %add3A_774 = arith.addf %add3A_767, %get3A_773 : vector<16xf32>
        %add3A_775 = arith.constant 0 : i32
        %add3A_776 = arith.addi %mul3A_746, %add3A_775 : i32
        %get3A_777 = arith.constant 5 : i32
        %get3A_778 = arith.index_cast %get3A_777 : i32 to index
        %get3A_779 = arith.index_cast %add3A_776 : i32 to index
        %get3A_780 = tpu.vector_load %arg12[%get3A_778, %get3A_779] {strides = array<i32>} : memref<16x4096xf32, #tpu.memory_space<vmem>>, vector<16xf32>,
        %add3A_781 = arith.addf %add3A_774, %get3A_780 : vector<16xf32>
        %add3A_782 = arith.constant 16 : i32
        %add3A_783 = arith.addi %mul3A_746, %add3A_782 : i32
        %get3A_784 = arith.constant 5 : i32
        %get3A_785 = arith.index_cast %get3A_784 : i32 to index
        %get3A_786 = arith.index_cast %add3A_783 : i32 to index
        %get3A_787 = tpu.vector_load %arg12[%get3A_785, %get3A_786] {strides = array<i32>} : memref<16x4096xf32, #tpu.memory_space<vmem>>, vector<16xf32>,
        %add3A_788 = arith.addf %add3A_781, %get3A_787 : vector<16xf32>
        %add3A_789 = arith.constant 32 : i32
        %add3A_790 = arith.addi %mul3A_746, %add3A_789 : i32
        %get3A_791 = arith.constant 5 : i32
        %get3A_792 = arith.index_cast %get3A_791 : i32 to index
        %get3A_793 = arith.index_cast %add3A_790 : i32 to index
        %get3A_794 = tpu.vector_load %arg12[%get3A_792, %get3A_793] {strides = array<i32>} : memref<16x4096xf32, #tpu.memory_space<vmem>>, vector<16xf32>,
        %add3A_795 = arith.addf %add3A_788, %get3A_794 : vector<16xf32>
        %add3A_796 = arith.constant 48 : i32
        %add3A_797 = arith.addi %mul3A_746, %add3A_796 : i32
        %get3A_798 = arith.constant 5 : i32
        %get3A_799 = arith.index_cast %get3A_798 : i32 to index
        %get3A_800 = arith.index_cast %add3A_797 : i32 to index
        %get3A_801 = tpu.vector_load %arg12[%get3A_799, %get3A_800] {strides = array<i32>} : memref<16x4096xf32, #tpu.memory_space<vmem>>, vector<16xf32>,
        %add3A_802 = arith.addf %add3A_795, %get3A_801 : vector<16xf32>
        %add3A_803 = arith.constant 0 : i32
        %add3A_804 = arith.addi %mul3A_746, %add3A_803 : i32
        %get3A_805 = arith.constant 6 : i32
        %get3A_806 = arith.index_cast %get3A_805 : i32 to index
        %get3A_807 = arith.index_cast %add3A_804 : i32 to index
        %get3A_808 = tpu.vector_load %arg12[%get3A_806, %get3A_807] {strides = array<i32>} : memref<16x4096xf32, #tpu.memory_space<vmem>>, vector<16xf32>,
        %add3A_809 = arith.addf %add3A_802, %get3A_808 : vector<16xf32>
        %add3A_810 = arith.constant 16 : i32
        %add3A_811 = arith.addi %mul3A_746, %add3A_810 : i32
        %get3A_812 = arith.constant 6 : i32
        %get3A_813 = arith.index_cast %get3A_812 : i32 to index
        %get3A_814 = arith.index_cast %add3A_811 : i32 to index
        %get3A_815 = tpu.vector_load %arg12[%get3A_813, %get3A_814] {strides = array<i32>} : memref<16x4096xf32, #tpu.memory_space<vmem>>, vector<16xf32>,
        %add3A_816 = arith.addf %add3A_809, %get3A_815 : vector<16xf32>
        %add3A_817 = arith.constant 32 : i32
        %add3A_818 = arith.addi %mul3A_746, %add3A_817 : i32
        %get3A_819 = arith.constant 6 : i32
        %get3A_820 = arith.index_cast %get3A_819 : i32 to index
        %get3A_821 = arith.index_cast %add3A_818 : i32 to index
        %get3A_822 = tpu.vector_load %arg12[%get3A_820, %get3A_821] {strides = array<i32>} : memref<16x4096xf32, #tpu.memory_space<vmem>>, vector<16xf32>,
        %add3A_823 = arith.addf %add3A_816, %get3A_822 : vector<16xf32>
        %add3A_824 = arith.constant 48 : i32
        %add3A_825 = arith.addi %mul3A_746, %add3A_824 : i32
        %get3A_826 = arith.constant 6 : i32
        %get3A_827 = arith.index_cast %get3A_826 : i32 to index
        %get3A_828 = arith.index_cast %add3A_825 : i32 to index
        %get3A_829 = tpu.vector_load %arg12[%get3A_827, %get3A_828] {strides = array<i32>} : memref<16x4096xf32, #tpu.memory_space<vmem>>, vector<16xf32>,
        %add3A_830 = arith.addf %add3A_823, %get3A_829 : vector<16xf32>
        %add3A_831 = arith.constant 0 : i32
        %add3A_832 = arith.addi %mul3A_746, %add3A_831 : i32
        %get3A_833 = arith.constant 7 : i32
        %get3A_834 = arith.index_cast %get3A_833 : i32 to index
        %get3A_835 = arith.index_cast %add3A_832 : i32 to index
        %get3A_836 = tpu.vector_load %arg12[%get3A_834, %get3A_835] {strides = array<i32>} : memref<16x4096xf32, #tpu.memory_space<vmem>>, vector<16xf32>,
        %add3A_837 = arith.addf %add3A_830, %get3A_836 : vector<16xf32>
        %add3A_838 = arith.constant 16 : i32
        %add3A_839 = arith.addi %mul3A_746, %add3A_838 : i32
        %get3A_840 = arith.constant 7 : i32
        %get3A_841 = arith.index_cast %get3A_840 : i32 to index
        %get3A_842 = arith.index_cast %add3A_839 : i32 to index
        %get3A_843 = tpu.vector_load %arg12[%get3A_841, %get3A_842] {strides = array<i32>} : memref<16x4096xf32, #tpu.memory_space<vmem>>, vector<16xf32>,
        %add3A_844 = arith.addf %add3A_837, %get3A_843 : vector<16xf32>
        %add3A_845 = arith.constant 32 : i32
        %add3A_846 = arith.addi %mul3A_746, %add3A_845 : i32
        %get3A_847 = arith.constant 7 : i32
        %get3A_848 = arith.index_cast %get3A_847 : i32 to index
        %get3A_849 = arith.index_cast %add3A_846 : i32 to index
        %get3A_850 = tpu.vector_load %arg12[%get3A_848, %get3A_849] {strides = array<i32>} : memref<16x4096xf32, #tpu.memory_space<vmem>>, vector<16xf32>,
        %add3A_851 = arith.addf %add3A_844, %get3A_850 : vector<16xf32>
        %add3A_852 = arith.constant 48 : i32
        %add3A_853 = arith.addi %mul3A_746, %add3A_852 : i32
        %get3A_854 = arith.constant 7 : i32
        %get3A_855 = arith.index_cast %get3A_854 : i32 to index
        %get3A_856 = arith.index_cast %add3A_853 : i32 to index
        %get3A_857 = tpu.vector_load %arg12[%get3A_855, %get3A_856] {strides = array<i32>} : memref<16x4096xf32, #tpu.memory_space<vmem>>, vector<16xf32>,
        %add3A_858 = arith.addf %add3A_851, %get3A_857 : vector<16xf32>
        scf.yield %add3A_858 : vector<16xf32>
      }
      %scan3A_662 = arith.constant 64 : i32
      %add3A_663 = arith.constant 8 : i32
      %add3A_664 = arith.addi %add3A, %add3A_663 : i32
      %dma_start3A_665 = arith.constant 8 : i32
      %dma_start3A_666 = arith.constant 0 : i32
      %dma_start3A_667 = tpu.memref_slice %arg12[%dma_start3A_665, %dma_start3A_666] : memref<16x4096xf32, #tpu.memory_space<vmem>> -> memref<4x4096xf32, #tpu.memory_space<vmem>>
      %dma_start3A_668 = arith.constant 0 : i32
      %dma_start3A_669 = tpu.memref_slice %arg6[%add3A_664, %dma_start3A_668] : memref<512x4096xf32, #tpu.memory_space<hbm>> -> memref<4x4096xf32, #tpu.memory_space<hbm>>
      %dma_start3A_670 = arith.constant 0 : i32
      %dma_start3A_671 = tpu.memref_slice %arg6[%add3A_664, %dma_start3A_670] : memref<512x4096xf32, #tpu.memory_space<hbm>> -> memref<4x4096xf32, #tpu.memory_space<hbm>>
      %dma_start3A_672 = arith.constant 8 : i32
      %dma_start3A_673 = arith.constant 0 : i32
      %dma_start3A_674 = tpu.memref_slice %arg12[%dma_start3A_672, %dma_start3A_673] : memref<16x4096xf32, #tpu.memory_space<vmem>> -> memref<4x4096xf32, #tpu.memory_space<vmem>>
      tpu.enqueue_dma source(%dma_start3A_674 : memref<4x4096xf32, #tpu.memory_space<vmem>>) target(%dma_start3A_671 : memref<4x4096xf32, #tpu.memory_space<hbm>>) target_semaphore(%arg24 : memref<!tpu.dma_semaphore, #tpu.memory_space<semaphore_mem>>)
      %scan3A_675 = arith.constant 0 : i32
      %scan3A_676 = arith.constant 64 : i32
      %scan3A_677 = arith.addi %scan3A_675, %scan3A_676 : i32
      %scan3A_678 = arith.constant 1 : i32
      %scan3A_679 = scf.for %scan3A_741 = %scan3A_675 to %scan3A_677 step %scan3A_678 iter_args(%scan3A_742 = %scan3A_661) -> (vector<16xf32>)  : i32 {
        %mul3A_743 = arith.constant 4 : i32
        %mul3A_744 = arith.muli %scan3A_741, %mul3A_743 : i32
        %mul3A_745 = arith.constant 16 : i32
        %mul3A_746 = arith.muli %mul3A_744, %mul3A_745 : i32
        %add3A_747 = arith.constant 0 : i32
        %add3A_748 = arith.addi %mul3A_746, %add3A_747 : i32
        %get3A_749 = arith.constant 8 : i32
        %get3A_750 = arith.index_cast %get3A_749 : i32 to index
        %get3A_751 = arith.index_cast %add3A_748 : i32 to index
        %get3A_752 = tpu.vector_load %arg12[%get3A_750, %get3A_751] {strides = array<i32>} : memref<16x4096xf32, #tpu.memory_space<vmem>>, vector<16xf32>,
        %add3A_753 = arith.addf %scan3A_742, %get3A_752 : vector<16xf32>
        %add3A_754 = arith.constant 16 : i32
        %add3A_755 = arith.addi %mul3A_746, %add3A_754 : i32
        %get3A_756 = arith.constant 8 : i32
        %get3A_757 = arith.index_cast %get3A_756 : i32 to index
        %get3A_758 = arith.index_cast %add3A_755 : i32 to index
        %get3A_759 = tpu.vector_load %arg12[%get3A_757, %get3A_758] {strides = array<i32>} : memref<16x4096xf32, #tpu.memory_space<vmem>>, vector<16xf32>,
        %add3A_760 = arith.addf %add3A_753, %get3A_759 : vector<16xf32>
        %add3A_761 = arith.constant 32 : i32
        %add3A_762 = arith.addi %mul3A_746, %add3A_761 : i32
        %get3A_763 = arith.constant 8 : i32
        %get3A_764 = arith.index_cast %get3A_763 : i32 to index
        %get3A_765 = arith.index_cast %add3A_762 : i32 to index
        %get3A_766 = tpu.vector_load %arg12[%get3A_764, %get3A_765] {strides = array<i32>} : memref<16x4096xf32, #tpu.memory_space<vmem>>, vector<16xf32>,
        %add3A_767 = arith.addf %add3A_760, %get3A_766 : vector<16xf32>
        %add3A_768 = arith.constant 48 : i32
        %add3A_769 = arith.addi %mul3A_746, %add3A_768 : i32
        %get3A_770 = arith.constant 8 : i32
        %get3A_771 = arith.index_cast %get3A_770 : i32 to index
        %get3A_772 = arith.index_cast %add3A_769 : i32 to index
        %get3A_773 = tpu.vector_load %arg12[%get3A_771, %get3A_772] {strides = array<i32>} : memref<16x4096xf32, #tpu.memory_space<vmem>>, vector<16xf32>,
        %add3A_774 = arith.addf %add3A_767, %get3A_773 : vector<16xf32>
        %add3A_775 = arith.constant 0 : i32
        %add3A_776 = arith.addi %mul3A_746, %add3A_775 : i32
        %get3A_777 = arith.constant 9 : i32
        %get3A_778 = arith.index_cast %get3A_777 : i32 to index
        %get3A_779 = arith.index_cast %add3A_776 : i32 to index
        %get3A_780 = tpu.vector_load %arg12[%get3A_778, %get3A_779] {strides = array<i32>} : memref<16x4096xf32, #tpu.memory_space<vmem>>, vector<16xf32>,
        %add3A_781 = arith.addf %add3A_774, %get3A_780 : vector<16xf32>
        %add3A_782 = arith.constant 16 : i32
        %add3A_783 = arith.addi %mul3A_746, %add3A_782 : i32
        %get3A_784 = arith.constant 9 : i32
        %get3A_785 = arith.index_cast %get3A_784 : i32 to index
        %get3A_786 = arith.index_cast %add3A_783 : i32 to index
        %get3A_787 = tpu.vector_load %arg12[%get3A_785, %get3A_786] {strides = array<i32>} : memref<16x4096xf32, #tpu.memory_space<vmem>>, vector<16xf32>,
        %add3A_788 = arith.addf %add3A_781, %get3A_787 : vector<16xf32>
        %add3A_789 = arith.constant 32 : i32
        %add3A_790 = arith.addi %mul3A_746, %add3A_789 : i32
        %get3A_791 = arith.constant 9 : i32
        %get3A_792 = arith.index_cast %get3A_791 : i32 to index
        %get3A_793 = arith.index_cast %add3A_790 : i32 to index
        %get3A_794 = tpu.vector_load %arg12[%get3A_792, %get3A_793] {strides = array<i32>} : memref<16x4096xf32, #tpu.memory_space<vmem>>, vector<16xf32>,
        %add3A_795 = arith.addf %add3A_788, %get3A_794 : vector<16xf32>
        %add3A_796 = arith.constant 48 : i32
        %add3A_797 = arith.addi %mul3A_746, %add3A_796 : i32
        %get3A_798 = arith.constant 9 : i32
        %get3A_799 = arith.index_cast %get3A_798 : i32 to index
        %get3A_800 = arith.index_cast %add3A_797 : i32 to index
        %get3A_801 = tpu.vector_load %arg12[%get3A_799, %get3A_800] {strides = array<i32>} : memref<16x4096xf32, #tpu.memory_space<vmem>>, vector<16xf32>,
        %add3A_802 = arith.addf %add3A_795, %get3A_801 : vector<16xf32>
        %add3A_803 = arith.constant 0 : i32
        %add3A_804 = arith.addi %mul3A_746, %add3A_803 : i32
        %get3A_805 = arith.constant 10 : i32
        %get3A_806 = arith.index_cast %get3A_805 : i32 to index
        %get3A_807 = arith.index_cast %add3A_804 : i32 to index
        %get3A_808 = tpu.vector_load %arg12[%get3A_806, %get3A_807] {strides = array<i32>} : memref<16x4096xf32, #tpu.memory_space<vmem>>, vector<16xf32>,
        %add3A_809 = arith.addf %add3A_802, %get3A_808 : vector<16xf32>
        %add3A_810 = arith.constant 16 : i32
        %add3A_811 = arith.addi %mul3A_746, %add3A_810 : i32
        %get3A_812 = arith.constant 10 : i32
        %get3A_813 = arith.index_cast %get3A_812 : i32 to index
        %get3A_814 = arith.index_cast %add3A_811 : i32 to index
        %get3A_815 = tpu.vector_load %arg12[%get3A_813, %get3A_814] {strides = array<i32>} : memref<16x4096xf32, #tpu.memory_space<vmem>>, vector<16xf32>,
        %add3A_816 = arith.addf %add3A_809, %get3A_815 : vector<16xf32>
        %add3A_817 = arith.constant 32 : i32
        %add3A_818 = arith.addi %mul3A_746, %add3A_817 : i32
        %get3A_819 = arith.constant 10 : i32
        %get3A_820 = arith.index_cast %get3A_819 : i32 to index
        %get3A_821 = arith.index_cast %add3A_818 : i32 to index
        %get3A_822 = tpu.vector_load %arg12[%get3A_820, %get3A_821] {strides = array<i32>} : memref<16x4096xf32, #tpu.memory_space<vmem>>, vector<16xf32>,
        %add3A_823 = arith.addf %add3A_816, %get3A_822 : vector<16xf32>
        %add3A_824 = arith.constant 48 : i32
        %add3A_825 = arith.addi %mul3A_746, %add3A_824 : i32
        %get3A_826 = arith.constant 10 : i32
        %get3A_827 = arith.index_cast %get3A_826 : i32 to index
        %get3A_828 = arith.index_cast %add3A_825 : i32 to index
        %get3A_829 = tpu.vector_load %arg12[%get3A_827, %get3A_828] {strides = array<i32>} : memref<16x4096xf32, #tpu.memory_space<vmem>>, vector<16xf32>,
        %add3A_830 = arith.addf %add3A_823, %get3A_829 : vector<16xf32>
        %add3A_831 = arith.constant 0 : i32
        %add3A_832 = arith.addi %mul3A_746, %add3A_831 : i32
        %get3A_833 = arith.constant 11 : i32
        %get3A_834 = arith.index_cast %get3A_833 : i32 to index
        %get3A_835 = arith.index_cast %add3A_832 : i32 to index
        %get3A_836 = tpu.vector_load %arg12[%get3A_834, %get3A_835] {strides = array<i32>} : memref<16x4096xf32, #tpu.memory_space<vmem>>, vector<16xf32>,
        %add3A_837 = arith.addf %add3A_830, %get3A_836 : vector<16xf32>
        %add3A_838 = arith.constant 16 : i32
        %add3A_839 = arith.addi %mul3A_746, %add3A_838 : i32
        %get3A_840 = arith.constant 11 : i32
        %get3A_841 = arith.index_cast %get3A_840 : i32 to index
        %get3A_842 = arith.index_cast %add3A_839 : i32 to index
        %get3A_843 = tpu.vector_load %arg12[%get3A_841, %get3A_842] {strides = array<i32>} : memref<16x4096xf32, #tpu.memory_space<vmem>>, vector<16xf32>,
        %add3A_844 = arith.addf %add3A_837, %get3A_843 : vector<16xf32>
        %add3A_845 = arith.constant 32 : i32
        %add3A_846 = arith.addi %mul3A_746, %add3A_845 : i32
        %get3A_847 = arith.constant 11 : i32
        %get3A_848 = arith.index_cast %get3A_847 : i32 to index
        %get3A_849 = arith.index_cast %add3A_846 : i32 to index
        %get3A_850 = tpu.vector_load %arg12[%get3A_848, %get3A_849] {strides = array<i32>} : memref<16x4096xf32, #tpu.memory_space<vmem>>, vector<16xf32>,
        %add3A_851 = arith.addf %add3A_844, %get3A_850 : vector<16xf32>
        %add3A_852 = arith.constant 48 : i32
        %add3A_853 = arith.addi %mul3A_746, %add3A_852 : i32
        %get3A_854 = arith.constant 11 : i32
        %get3A_855 = arith.index_cast %get3A_854 : i32 to index
        %get3A_856 = arith.index_cast %add3A_853 : i32 to index
        %get3A_857 = tpu.vector_load %arg12[%get3A_855, %get3A_856] {strides = array<i32>} : memref<16x4096xf32, #tpu.memory_space<vmem>>, vector<16xf32>,
        %add3A_858 = arith.addf %add3A_851, %get3A_857 : vector<16xf32>
        scf.yield %add3A_858 : vector<16xf32>
      }
      %scan3A_680 = arith.constant 64 : i32
      %add3A_681 = arith.constant 12 : i32
      %add3A_682 = arith.addi %add3A, %add3A_681 : i32
      %dma_start3A_683 = arith.constant 12 : i32
      %dma_start3A_684 = arith.constant 0 : i32
      %dma_start3A_685 = tpu.memref_slice %arg12[%dma_start3A_683, %dma_start3A_684] : memref<16x4096xf32, #tpu.memory_space<vmem>> -> memref<4x4096xf32, #tpu.memory_space<vmem>>
      %dma_start3A_686 = arith.constant 0 : i32
      %dma_start3A_687 = tpu.memref_slice %arg6[%add3A_682, %dma_start3A_686] : memref<512x4096xf32, #tpu.memory_space<hbm>> -> memref<4x4096xf32, #tpu.memory_space<hbm>>
      %dma_start3A_688 = arith.constant 0 : i32
      %dma_start3A_689 = tpu.memref_slice %arg6[%add3A_682, %dma_start3A_688] : memref<512x4096xf32, #tpu.memory_space<hbm>> -> memref<4x4096xf32, #tpu.memory_space<hbm>>
      %dma_start3A_690 = arith.constant 12 : i32
      %dma_start3A_691 = arith.constant 0 : i32
      %dma_start3A_692 = tpu.memref_slice %arg12[%dma_start3A_690, %dma_start3A_691] : memref<16x4096xf32, #tpu.memory_space<vmem>> -> memref<4x4096xf32, #tpu.memory_space<vmem>>
      tpu.enqueue_dma source(%dma_start3A_692 : memref<4x4096xf32, #tpu.memory_space<vmem>>) target(%dma_start3A_689 : memref<4x4096xf32, #tpu.memory_space<hbm>>) target_semaphore(%arg24 : memref<!tpu.dma_semaphore, #tpu.memory_space<semaphore_mem>>)
      %scan3A_693 = arith.constant 0 : i32
      %scan3A_694 = arith.constant 64 : i32
      %scan3A_695 = arith.addi %scan3A_693, %scan3A_694 : i32
      %scan3A_696 = arith.constant 1 : i32
      %scan3A_697 = scf.for %scan3A_741 = %scan3A_693 to %scan3A_695 step %scan3A_696 iter_args(%scan3A_742 = %scan3A_679) -> (vector<16xf32>)  : i32 {
        %mul3A_743 = arith.constant 4 : i32
        %mul3A_744 = arith.muli %scan3A_741, %mul3A_743 : i32
        %mul3A_745 = arith.constant 16 : i32
        %mul3A_746 = arith.muli %mul3A_744, %mul3A_745 : i32
        %add3A_747 = arith.constant 0 : i32
        %add3A_748 = arith.addi %mul3A_746, %add3A_747 : i32
        %get3A_749 = arith.constant 12 : i32
        %get3A_750 = arith.index_cast %get3A_749 : i32 to index
        %get3A_751 = arith.index_cast %add3A_748 : i32 to index
        %get3A_752 = tpu.vector_load %arg12[%get3A_750, %get3A_751] {strides = array<i32>} : memref<16x4096xf32, #tpu.memory_space<vmem>>, vector<16xf32>,
        %add3A_753 = arith.addf %scan3A_742, %get3A_752 : vector<16xf32>
        %add3A_754 = arith.constant 16 : i32
        %add3A_755 = arith.addi %mul3A_746, %add3A_754 : i32
        %get3A_756 = arith.constant 12 : i32
        %get3A_757 = arith.index_cast %get3A_756 : i32 to index
        %get3A_758 = arith.index_cast %add3A_755 : i32 to index
        %get3A_759 = tpu.vector_load %arg12[%get3A_757, %get3A_758] {strides = array<i32>} : memref<16x4096xf32, #tpu.memory_space<vmem>>, vector<16xf32>,
        %add3A_760 = arith.addf %add3A_753, %get3A_759 : vector<16xf32>
        %add3A_761 = arith.constant 32 : i32
        %add3A_762 = arith.addi %mul3A_746, %add3A_761 : i32
        %get3A_763 = arith.constant 12 : i32
        %get3A_764 = arith.index_cast %get3A_763 : i32 to index
        %get3A_765 = arith.index_cast %add3A_762 : i32 to index
        %get3A_766 = tpu.vector_load %arg12[%get3A_764, %get3A_765] {strides = array<i32>} : memref<16x4096xf32, #tpu.memory_space<vmem>>, vector<16xf32>,
        %add3A_767 = arith.addf %add3A_760, %get3A_766 : vector<16xf32>
        %add3A_768 = arith.constant 48 : i32
        %add3A_769 = arith.addi %mul3A_746, %add3A_768 : i32
        %get3A_770 = arith.constant 12 : i32
        %get3A_771 = arith.index_cast %get3A_770 : i32 to index
        %get3A_772 = arith.index_cast %add3A_769 : i32 to index
        %get3A_773 = tpu.vector_load %arg12[%get3A_771, %get3A_772] {strides = array<i32>} : memref<16x4096xf32, #tpu.memory_space<vmem>>, vector<16xf32>,
        %add3A_774 = arith.addf %add3A_767, %get3A_773 : vector<16xf32>
        %add3A_775 = arith.constant 0 : i32
        %add3A_776 = arith.addi %mul3A_746, %add3A_775 : i32
        %get3A_777 = arith.constant 13 : i32
        %get3A_778 = arith.index_cast %get3A_777 : i32 to index
        %get3A_779 = arith.index_cast %add3A_776 : i32 to index
        %get3A_780 = tpu.vector_load %arg12[%get3A_778, %get3A_779] {strides = array<i32>} : memref<16x4096xf32, #tpu.memory_space<vmem>>, vector<16xf32>,
        %add3A_781 = arith.addf %add3A_774, %get3A_780 : vector<16xf32>
        %add3A_782 = arith.constant 16 : i32
        %add3A_783 = arith.addi %mul3A_746, %add3A_782 : i32
        %get3A_784 = arith.constant 13 : i32
        %get3A_785 = arith.index_cast %get3A_784 : i32 to index
        %get3A_786 = arith.index_cast %add3A_783 : i32 to index
        %get3A_787 = tpu.vector_load %arg12[%get3A_785, %get3A_786] {strides = array<i32>} : memref<16x4096xf32, #tpu.memory_space<vmem>>, vector<16xf32>,
        %add3A_788 = arith.addf %add3A_781, %get3A_787 : vector<16xf32>
        %add3A_789 = arith.constant 32 : i32
        %add3A_790 = arith.addi %mul3A_746, %add3A_789 : i32
        %get3A_791 = arith.constant 13 : i32
        %get3A_792 = arith.index_cast %get3A_791 : i32 to index
        %get3A_793 = arith.index_cast %add3A_790 : i32 to index
        %get3A_794 = tpu.vector_load %arg12[%get3A_792, %get3A_793] {strides = array<i32>} : memref<16x4096xf32, #tpu.memory_space<vmem>>, vector<16xf32>,
        %add3A_795 = arith.addf %add3A_788, %get3A_794 : vector<16xf32>
        %add3A_796 = arith.constant 48 : i32
        %add3A_797 = arith.addi %mul3A_746, %add3A_796 : i32
        %get3A_798 = arith.constant 13 : i32
        %get3A_799 = arith.index_cast %get3A_798 : i32 to index
        %get3A_800 = arith.index_cast %add3A_797 : i32 to index
        %get3A_801 = tpu.vector_load %arg12[%get3A_799, %get3A_800] {strides = array<i32>} : memref<16x4096xf32, #tpu.memory_space<vmem>>, vector<16xf32>,
        %add3A_802 = arith.addf %add3A_795, %get3A_801 : vector<16xf32>
        %add3A_803 = arith.constant 0 : i32
        %add3A_804 = arith.addi %mul3A_746, %add3A_803 : i32
        %get3A_805 = arith.constant 14 : i32
        %get3A_806 = arith.index_cast %get3A_805 : i32 to index
        %get3A_807 = arith.index_cast %add3A_804 : i32 to index
        %get3A_808 = tpu.vector_load %arg12[%get3A_806, %get3A_807] {strides = array<i32>} : memref<16x4096xf32, #tpu.memory_space<vmem>>, vector<16xf32>,
        %add3A_809 = arith.addf %add3A_802, %get3A_808 : vector<16xf32>
        %add3A_810 = arith.constant 16 : i32
        %add3A_811 = arith.addi %mul3A_746, %add3A_810 : i32
        %get3A_812 = arith.constant 14 : i32
        %get3A_813 = arith.index_cast %get3A_812 : i32 to index
        %get3A_814 = arith.index_cast %add3A_811 : i32 to index
        %get3A_815 = tpu.vector_load %arg12[%get3A_813, %get3A_814] {strides = array<i32>} : memref<16x4096xf32, #tpu.memory_space<vmem>>, vector<16xf32>,
        %add3A_816 = arith.addf %add3A_809, %get3A_815 : vector<16xf32>
        %add3A_817 = arith.constant 32 : i32
        %add3A_818 = arith.addi %mul3A_746, %add3A_817 : i32
        %get3A_819 = arith.constant 14 : i32
        %get3A_820 = arith.index_cast %get3A_819 : i32 to index
        %get3A_821 = arith.index_cast %add3A_818 : i32 to index
        %get3A_822 = tpu.vector_load %arg12[%get3A_820, %get3A_821] {strides = array<i32>} : memref<16x4096xf32, #tpu.memory_space<vmem>>, vector<16xf32>,
        %add3A_823 = arith.addf %add3A_816, %get3A_822 : vector<16xf32>
        %add3A_824 = arith.constant 48 : i32
        %add3A_825 = arith.addi %mul3A_746, %add3A_824 : i32
        %get3A_826 = arith.constant 14 : i32
        %get3A_827 = arith.index_cast %get3A_826 : i32 to index
        %get3A_828 = arith.index_cast %add3A_825 : i32 to index
        %get3A_829 = tpu.vector_load %arg12[%get3A_827, %get3A_828] {strides = array<i32>} : memref<16x4096xf32, #tpu.memory_space<vmem>>, vector<16xf32>,
        %add3A_830 = arith.addf %add3A_823, %get3A_829 : vector<16xf32>
        %add3A_831 = arith.constant 0 : i32
        %add3A_832 = arith.addi %mul3A_746, %add3A_831 : i32
        %get3A_833 = arith.constant 15 : i32
        %get3A_834 = arith.index_cast %get3A_833 : i32 to index
        %get3A_835 = arith.index_cast %add3A_832 : i32 to index
        %get3A_836 = tpu.vector_load %arg12[%get3A_834, %get3A_835] {strides = array<i32>} : memref<16x4096xf32, #tpu.memory_space<vmem>>, vector<16xf32>,
        %add3A_837 = arith.addf %add3A_830, %get3A_836 : vector<16xf32>
        %add3A_838 = arith.constant 16 : i32
        %add3A_839 = arith.addi %mul3A_746, %add3A_838 : i32
        %get3A_840 = arith.constant 15 : i32
        %get3A_841 = arith.index_cast %get3A_840 : i32 to index
        %get3A_842 = arith.index_cast %add3A_839 : i32 to index
        %get3A_843 = tpu.vector_load %arg12[%get3A_841, %get3A_842] {strides = array<i32>} : memref<16x4096xf32, #tpu.memory_space<vmem>>, vector<16xf32>,
        %add3A_844 = arith.addf %add3A_837, %get3A_843 : vector<16xf32>
        %add3A_845 = arith.constant 32 : i32
        %add3A_846 = arith.addi %mul3A_746, %add3A_845 : i32
        %get3A_847 = arith.constant 15 : i32
        %get3A_848 = arith.index_cast %get3A_847 : i32 to index
        %get3A_849 = arith.index_cast %add3A_846 : i32 to index
        %get3A_850 = tpu.vector_load %arg12[%get3A_848, %get3A_849] {strides = array<i32>} : memref<16x4096xf32, #tpu.memory_space<vmem>>, vector<16xf32>,
        %add3A_851 = arith.addf %add3A_844, %get3A_850 : vector<16xf32>
        %add3A_852 = arith.constant 48 : i32
        %add3A_853 = arith.addi %mul3A_746, %add3A_852 : i32
        %get3A_854 = arith.constant 15 : i32
        %get3A_855 = arith.index_cast %get3A_854 : i32 to index
        %get3A_856 = arith.index_cast %add3A_853 : i32 to index
        %get3A_857 = tpu.vector_load %arg12[%get3A_855, %get3A_856] {strides = array<i32>} : memref<16x4096xf32, #tpu.memory_space<vmem>>, vector<16xf32>,
        %add3A_858 = arith.addf %add3A_851, %get3A_857 : vector<16xf32>
        scf.yield %add3A_858 : vector<16xf32>
      }
      %scan3A_698 = arith.constant 64 : i32
      %dma_wait3A_699 = arith.constant 0 : i32
      %dma_wait3A_700 = arith.constant 0 : i32
      %dma_wait3A_701 = tpu.memref_slice %arg12[%dma_wait3A_699, %dma_wait3A_700] : memref<16x4096xf32, #tpu.memory_space<vmem>> -> memref<4x4096xf32, #tpu.memory_space<vmem>>
      %dma_wait3A_702 = arith.constant 0 : i32
      %dma_wait3A_703 = tpu.memref_slice %arg6[%add3A_628, %dma_wait3A_702] : memref<512x4096xf32, #tpu.memory_space<hbm>> -> memref<4x4096xf32, #tpu.memory_space<hbm>>
      %dma_wait3A_704 = arith.constant 0 : i32
      %dma_wait3A_705 = tpu.memref_slice %arg6[%add3A_628, %dma_wait3A_704] : memref<512x4096xf32, #tpu.memory_space<hbm>> -> memref<4x4096xf32, #tpu.memory_space<hbm>>
      %dma_wait3A_706 = arith.constant 0 : i32
      %dma_wait3A_707 = arith.constant 0 : i32
      %dma_wait3A_708 = tpu.memref_slice %arg12[%dma_wait3A_706, %dma_wait3A_707] : memref<16x4096xf32, #tpu.memory_space<vmem>> -> memref<4x4096xf32, #tpu.memory_space<vmem>>
      tpu.wait_dma2 semaphore(%arg24 : memref<!tpu.dma_semaphore, #tpu.memory_space<semaphore_mem>>) src(%dma_wait3A_708 : memref<4x4096xf32, #tpu.memory_space<vmem>>) dst(%dma_wait3A_705 : memref<4x4096xf32, #tpu.memory_space<hbm>>)
      %dma_wait3A_709 = arith.constant 4 : i32
      %dma_wait3A_710 = arith.constant 0 : i32
      %dma_wait3A_711 = tpu.memref_slice %arg12[%dma_wait3A_709, %dma_wait3A_710] : memref<16x4096xf32, #tpu.memory_space<vmem>> -> memref<4x4096xf32, #tpu.memory_space<vmem>>
      %dma_wait3A_712 = arith.constant 0 : i32
      %dma_wait3A_713 = tpu.memref_slice %arg6[%add3A_646, %dma_wait3A_712] : memref<512x4096xf32, #tpu.memory_space<hbm>> -> memref<4x4096xf32, #tpu.memory_space<hbm>>
      %dma_wait3A_714 = arith.constant 0 : i32
      %dma_wait3A_715 = tpu.memref_slice %arg6[%add3A_646, %dma_wait3A_714] : memref<512x4096xf32, #tpu.memory_space<hbm>> -> memref<4x4096xf32, #tpu.memory_space<hbm>>
      %dma_wait3A_716 = arith.constant 4 : i32
      %dma_wait3A_717 = arith.constant 0 : i32
      %dma_wait3A_718 = tpu.memref_slice %arg12[%dma_wait3A_716, %dma_wait3A_717] : memref<16x4096xf32, #tpu.memory_space<vmem>> -> memref<4x4096xf32, #tpu.memory_space<vmem>>
      tpu.wait_dma2 semaphore(%arg24 : memref<!tpu.dma_semaphore, #tpu.memory_space<semaphore_mem>>) src(%dma_wait3A_718 : memref<4x4096xf32, #tpu.memory_space<vmem>>) dst(%dma_wait3A_715 : memref<4x4096xf32, #tpu.memory_space<hbm>>)
      %dma_wait3A_719 = arith.constant 8 : i32
      %dma_wait3A_720 = arith.constant 0 : i32
      %dma_wait3A_721 = tpu.memref_slice %arg12[%dma_wait3A_719, %dma_wait3A_720] : memref<16x4096xf32, #tpu.memory_space<vmem>> -> memref<4x4096xf32, #tpu.memory_space<vmem>>
      %dma_wait3A_722 = arith.constant 0 : i32
      %dma_wait3A_723 = tpu.memref_slice %arg6[%add3A_664, %dma_wait3A_722] : memref<512x4096xf32, #tpu.memory_space<hbm>> -> memref<4x4096xf32, #tpu.memory_space<hbm>>
      %dma_wait3A_724 = arith.constant 0 : i32
      %dma_wait3A_725 = tpu.memref_slice %arg6[%add3A_664, %dma_wait3A_724] : memref<512x4096xf32, #tpu.memory_space<hbm>> -> memref<4x4096xf32, #tpu.memory_space<hbm>>
      %dma_wait3A_726 = arith.constant 8 : i32
      %dma_wait3A_727 = arith.constant 0 : i32
      %dma_wait3A_728 = tpu.memref_slice %arg12[%dma_wait3A_726, %dma_wait3A_727] : memref<16x4096xf32, #tpu.memory_space<vmem>> -> memref<4x4096xf32, #tpu.memory_space<vmem>>
      tpu.wait_dma2 semaphore(%arg24 : memref<!tpu.dma_semaphore, #tpu.memory_space<semaphore_mem>>) src(%dma_wait3A_728 : memref<4x4096xf32, #tpu.memory_space<vmem>>) dst(%dma_wait3A_725 : memref<4x4096xf32, #tpu.memory_space<hbm>>)
      %dma_wait3A_729 = arith.constant 12 : i32
      %dma_wait3A_730 = arith.constant 0 : i32
      %dma_wait3A_731 = tpu.memref_slice %arg12[%dma_wait3A_729, %dma_wait3A_730] : memref<16x4096xf32, #tpu.memory_space<vmem>> -> memref<4x4096xf32, #tpu.memory_space<vmem>>
      %dma_wait3A_732 = arith.constant 0 : i32
      %dma_wait3A_733 = tpu.memref_slice %arg6[%add3A_682, %dma_wait3A_732] : memref<512x4096xf32, #tpu.memory_space<hbm>> -> memref<4x4096xf32, #tpu.memory_space<hbm>>
      %dma_wait3A_734 = arith.constant 0 : i32
      %dma_wait3A_735 = tpu.memref_slice %arg6[%add3A_682, %dma_wait3A_734] : memref<512x4096xf32, #tpu.memory_space<hbm>> -> memref<4x4096xf32, #tpu.memory_space<hbm>>
      %dma_wait3A_736 = arith.constant 12 : i32
      %dma_wait3A_737 = arith.constant 0 : i32
      %dma_wait3A_738 = tpu.memref_slice %arg12[%dma_wait3A_736, %dma_wait3A_737] : memref<16x4096xf32, #tpu.memory_space<vmem>> -> memref<4x4096xf32, #tpu.memory_space<vmem>>
      tpu.wait_dma2 semaphore(%arg24 : memref<!tpu.dma_semaphore, #tpu.memory_space<semaphore_mem>>) src(%dma_wait3A_738 : memref<4x4096xf32, #tpu.memory_space<vmem>>) dst(%dma_wait3A_735 : memref<4x4096xf32, #tpu.memory_space<hbm>>)
      %swap3A_739 = arith.constant 0 : index
      %swap3A_740 = tpu.vector_load %arg13[%swap3A_739] {strides = array<i32>} : memref<16xf32, #tpu.memory_space<vmem>>, vector<16xf32>,
      tpu.vector_store %arg13[%swap3A_739], %scan3A_697 {strides = array<i32>} : memref<16xf32, #tpu.memory_space<vmem>>, vector<16xf32>,
    } else {
    }
    "tpu.region"() ({
      %run_scoped3A = tpu.sem_alloc : memref<!tpu.dma_semaphore, #tpu.memory_space<semaphore_mem>>
      %dma_start3A_305 = arith.constant 0 : i32
      %dma_start3A_306 = tpu.memref_slice %arg5[%arg0, %arg1, %dma_start3A_305] : memref<2x16x16xf32, #tpu.memory_space<hbm>> -> memref<1x1x16xf32, #tpu.memory_space<hbm>>
      %dma_start3A_307 = tpu.memref_squeeze %dma_start3A_306 : memref<1x1x16xf32, #tpu.memory_space<hbm>> -> memref<16xf32, #tpu.memory_space<hbm>>
      %dma_start3A_308 = arith.constant 0 : i32
      %dma_start3A_309 = tpu.memref_slice %arg5[%arg0, %arg1, %dma_start3A_308] : memref<2x16x16xf32, #tpu.memory_space<hbm>> -> memref<1x1x16xf32, #tpu.memory_space<hbm>>
      %dma_start3A_310 = tpu.memref_squeeze %dma_start3A_309 : memref<1x1x16xf32, #tpu.memory_space<hbm>> -> memref<16xf32, #tpu.memory_space<hbm>>
      tpu.enqueue_dma source(%arg13 : memref<16xf32, #tpu.memory_space<vmem>>) target(%dma_start3A_310 : memref<16xf32, #tpu.memory_space<hbm>>) target_semaphore(%run_scoped3A : memref<!tpu.dma_semaphore, #tpu.memory_space<semaphore_mem>>)
      %dma_wait3A_311 = arith.constant 0 : i32
      %dma_wait3A_312 = tpu.memref_slice %arg5[%arg0, %arg1, %dma_wait3A_311] : memref<2x16x16xf32, #tpu.memory_space<hbm>> -> memref<1x1x16xf32, #tpu.memory_space<hbm>>
      %dma_wait3A_313 = tpu.memref_squeeze %dma_wait3A_312 : memref<1x1x16xf32, #tpu.memory_space<hbm>> -> memref<16xf32, #tpu.memory_space<hbm>>
      %dma_wait3A_314 = arith.constant 0 : i32
      %dma_wait3A_315 = tpu.memref_slice %arg5[%arg0, %arg1, %dma_wait3A_314] : memref<2x16x16xf32, #tpu.memory_space<hbm>> -> memref<1x1x16xf32, #tpu.memory_space<hbm>>
      %dma_wait3A_316 = tpu.memref_squeeze %dma_wait3A_315 : memref<1x1x16xf32, #tpu.memory_space<hbm>> -> memref<16xf32, #tpu.memory_space<hbm>>
      tpu.wait_dma2 semaphore(%run_scoped3A : memref<!tpu.dma_semaphore, #tpu.memory_space<semaphore_mem>>) src(%arg13 : memref<16xf32, #tpu.memory_space<vmem>>) dst(%dma_wait3A_316 : memref<16xf32, #tpu.memory_space<hbm>>)
      tpu.yield
    }) : () -> ()
    return
  }
}

</mosaic_0001>

<sc_bundles>
// kernel: kernel.3.cloned.1.call-start
scs
__scs_entry_jumppad:
0x0: {  	(pc) =	sbr.rel $0x88, $3  }
0x1: {  	(tag) =	ssettag $0x0;
	lr =	simm.s32 $0x1  }
0x2: {  	[smem:$0x3F9E] =	sst lr;
	_ =	strace $0xD0000000  }
0x3: {  	_ = 	snop  }
0x4: {  	_ = 	snop  }
0x5: {  	_ = 	snop  }
0x6: {  	_ = 	snop  }
0x7: {  	_ = 	snop  }
__scs_overlays_trampoline_lowered:
0x8: {  	[smem:$0x3FAD] =	sst s0  }
0x9: {  	[smem:$0x3FAE] =	sst s1  }
0xa: {  	[smem:$0x3FAF] =	sst s2  }
0xb: {  	[smem:$0x3FB0] =	sst s3  }
0xc: {  	[smem:$0x3FB1] =	sst s4  }
0xd: {  	[smem:$0x3FB2] =	sst s5  }
0xe: {  	[smem:$0x3FB3] =	sst s6  }
0xf: {  	[smem:$0x3FB4] =	sst s7  }
0x10: {  	[smem:$0x3FB5] =	sst s8  }
0x11: {  	[smem:$0x3FB6] =	sst s9;
	s0 =	simm.s32 @!p0 $0x0  }
0x12: {  	s1 =	sld [smem:$0x3F9C];
	s0 =	simm.s32 @p0 $0x1  }
0x13: {  	[smem:$0x3FB7] =	sst s0;
	s0 =	simm.s32 @!p1 $0x0  }
0x14: {  	s2 =	sld [smem:$0x3F9B];
	s0 =	simm.s32 @p1 $0x1  }
0x15: {  	[smem:$0x3FB8] =	sst s0;
	s0 =	simm.s32 @!p2 $0x0  }
0x16: {  	s3 =	sld [smem:$0x3FDB];
	s0 =	simm.s32 @p2 $0x1  }
0x17: {  	s4 =	simm.s32 $0x1BF5;
	[smem:$0x3FBA] =	sst s0  }
0x18: {  	s0 =	sld [smem:$0x3F9D];
	_ =	swait.ge [sflag:s4], $0x0  }
0x19: {  	s7 =	sld [smem:$0x3F9E]  }
0x1a: {  	s8 =	sadd.s32 $0xFFFFE003, lr  }
0x1b: {  	s9 =	sadd.s32 $0xFFFFFEF7, lr;
	s5 =	simm.s32 $0xFFFFFFFF;
	p2 =	slt.u32 s8, $0xFFFFF086  }
0x1c: {  	p1 =	slt.u32 s9, $0xF7A;
	s5 =	simm.s32 @!p2 $0x0  }
0x1d: {  	s5 =	simm.s32 @p1 $0x1;
	p0 =	seq.s32 s7, s2  }
0x1e: {  	s7 =	smul.u32 @!p0 $0xF7A, s2;
	p2 =	seq.s32 @!p0 s5, $0x0  }
0x1f: {  	s9 =	smul.u32 $0xF7A, s1;
	s8 =	simm.s32 @!p0 $0x1BF5;
	p2 =	por !p2, p0  }
0x20: {  	[sflag:s8] =	ssyncset.s32 @!p0 $0xFFFFF086;
	s6 =	sadd.s32 @!p0 s3, s7;
	s7 =	simm.s32 @!p0 $0x108  }
0x21: {  	s3 =	sadd.s32 s3, s9;
	s6 =	sadd.s32 @!p0 $0x88, s6;
	s7 =	simm.s32 @p2 $0x1082  }
0x22: {  	[simem:s7], [sflag:s8] =	dma.local @!p0 [hbm:s6], $0xF7A  }
0x23: {  	s9 =	sor.u32 $0xD0000000, s2;
	s6 =	simm.s32 $0x108;
	_ =	swait.ge @!p0 [sflag:s8], $0x0  }
0x24: {  	s3 =	sadd.s32 $0x88, s3;
	s6 =	simm.s32 @!p1 $0x1082;
	[sflag:s4] =	ssyncset.s32 $0xFFFFF086  }
0x25: {  	[simem:s6], [sflag:s4] =	dma.local [hbm:s3], $0xF7A  }
0x26: {  	[smem:$0x3F9E] =	sst s1;
	(tag) =	ssettag s2;
	_ =	strace s9  }
0x27: {  	s1 =	sld [smem:$0x3FAE]  }
0x28: {  	s2 =	sld [smem:$0x3FAF]  }
0x29: {  	s4 =	sld [smem:$0x3FB1]  }
0x2a: {  	p0 =	seq.s32 s5, $0x0;
	s5 =	sld [smem:$0x3FB2]  }
0x2b: {  	s6 =	sld [smem:$0x3FB3]  }
0x2c: {  	s7 =	sld [smem:$0x3FB4]  }
0x2d: {  	s3 =	simm.s32 $0x108;
	s8 =	sld [smem:$0x3FB5]  }
0x2e: {  	s3 =	simm.s32 @!p0 $0x1082;
	s9 =	sld [smem:$0x3FB6]  }
0x2f: {  	lr =	sadd.s32 s0, s3;
	s0 =	sld [smem:$0x3FAD]  }
0x30: {  	s3 =	sld [smem:$0x3FB0]  }
0x31: {  	[smem:$0x3FB9] =	sst s10  }
0x32: {  	s10 =	sld [smem:$0x3FB7];
	_ =	sdelay $0x3  }
0x33: {  	p0 =	seq.s32 s10, $0x1;
	s10 =	sld [smem:$0x3FB9];
	_ =	sdelay $0x3  }
0x34: {  	[smem:$0x3FB9] =	sst s10  }
0x35: {  	s10 =	sld [smem:$0x3FB8];
	_ =	sdelay $0x3  }
0x36: {  	p1 =	seq.s32 s10, $0x1;
	s10 =	sld [smem:$0x3FB9];
	_ =	sdelay $0x3  }
0x37: {  	[smem:$0x3FB9] =	sst s10  }
0x38: {  	s10 =	sld [smem:$0x3FBA]  }
0x39: {  	_ = 	snop;
	(pc) =	sbr.ind lr, $3  }
0x3a: {  	_ = 	snop  }
0x3b: {  	_ = 	snop  }
0x3c: {  	p2 =	seq.s32 s10, $0x1;
	s10 =	sld [smem:$0x3FB9]  }
0x3d: {  	_ =	shalt  }
0x3e: {  	_ =	shalt  }
0x3f: {  	_ =	shalt  }
0x40: {  	_ =	shalt  }
0x41: {  	_ =	shalt  }
0x42: {  	_ =	shalt  }
0x43: {  	_ =	shalt  }
0x44: {  	_ =	shalt  }
0x45: {  	_ =	shalt  }
0x46: {  	_ =	shalt  }
0x47: {  	_ =	shalt  }
0x48: {  	_ =	shalt  }
0x49: {  	_ =	shalt  }
0x4a: {  	_ =	shalt  }
0x4b: {  	_ =	shalt  }
0x4c: {  	_ =	shalt  }
0x4d: {  	_ =	shalt  }
0x4e: {  	_ =	shalt  }
0x4f: {  	_ =	shalt  }
0x50: {  	_ =	shalt  }
0x51: {  	_ =	shalt  }
0x52: {  	_ =	shalt  }
0x53: {  	_ =	shalt  }
0x54: {  	_ =	shalt  }
0x55: {  	_ =	shalt  }
0x56: {  	_ =	shalt  }
0x57: {  	_ =	shalt  }
0x58: {  	_ =	shalt  }
0x59: {  	_ =	shalt  }
0x5a: {  	_ =	shalt  }
0x5b: {  	_ =	shalt  }
0x5c: {  	_ =	shalt  }
0x5d: {  	_ =	shalt  }
0x5e: {  	_ =	shalt  }
0x5f: {  	_ =	shalt  }
0x60: {  	_ =	shalt  }
0x61: {  	_ =	shalt  }
0x62: {  	_ =	shalt  }
0x63: {  	_ =	shalt  }
0x64: {  	_ =	shalt  }
0x65: {  	_ =	shalt  }
0x66: {  	_ =	shalt  }
0x67: {  	_ =	shalt  }
0x68: {  	_ =	shalt  }
0x69: {  	_ =	shalt  }
0x6a: {  	_ =	shalt  }
0x6b: {  	_ =	shalt  }
0x6c: {  	_ =	shalt  }
0x6d: {  	_ =	shalt  }
0x6e: {  	_ =	shalt  }
0x6f: {  	_ =	shalt  }
0x70: {  	_ =	shalt  }
0x71: {  	_ =	shalt  }
0x72: {  	_ =	shalt  }
0x73: {  	_ =	shalt  }
0x74: {  	_ =	shalt  }
0x75: {  	_ =	shalt  }
0x76: {  	_ =	shalt  }
0x77: {  	_ =	shalt  }
0x78: {  	_ =	shalt  }
0x79: {  	_ =	shalt  }
0x7a: {  	_ =	shalt  }
0x7b: {  	_ =	shalt  }
0x7c: {  	_ =	shalt  }
0x7d: {  	_ =	shalt  }
0x7e: {  	_ =	shalt  }
0x7f: {  	_ =	shalt  }
0x80: {  	_ =	shalt  }
0x81: {  	_ =	shalt  }
0x82: {  	_ =	shalt  }
0x83: {  	_ =	shalt  }
0x84: {  	_ =	shalt  }
0x85: {  	_ =	shalt  }
0x86: {  	_ =	shalt  }
0x87: {  	_ =	shalt  }
.Lfunc_end0:
.L_simem_size_0:
called_computation_lowered:
.L_overlay_start_0:
0x88: {  	s2 =	sld [smem:$0x3FD9]  }
0x89: {  	s3 =	sld [smem:$0x3FFE];
	_ =	sdelay $0x1  }
0x8a: {  	s1 =	srdreg.scid  }
0x8b: {  	s0 =	sand.u32 $0x1, s1  }
0x8c: {  	s14 =	sshll.u32 s0, $0xA;
	s2 =	sadd.s32 s3, s2  }
0x8d: {  	s2 =	sadd.s32 s2, s14  }
0x8e: {  	[smem:$0x3FC5] =	sst s2  }
0x8f: {  	_ = 	snop  }
0x90: {  	s2 =	sld [smem:$0x3FD0];
	_ =	sdelay $0x1  }
0x91: {  	s15 =	sld [smem:$0x3FC9]  }
0x92: {  	s5 =	simm.s32 $0xA;
	s6 =	simm.s32 $0x10;
	s4 =	sld [smem:$0x3FC8]  }
0x93: {  	[smem:s6], [sflag:s5] =	dma.local [hbm:s2], $0x1  }
0x94: {  	_ =	swait.eq [sflag:s5], $0x1  }
0x95: {  	[sflag:s5] =	ssyncset.done $0x0  }
0x96: {  	s16 =	sld [smem:$0x10];
	[sflag:s5] =	ssyncadd.s32 $0xFFFFFFFF  }
0x97: {  	s17 =	sld [smem:$0x11];
	(tm) =	ssettm $0x1  }
0x98: {  	s18 =	sld [smem:$0x3FFB];
	_ =	sdelay $0x3  }
0x99: {  	_ =	strace s18  }
0x9a: {  	s6 =	sld [smem:$0x3FFC];
	_ =	sdelay $0x3  }
0x9b: {  	_ =	strace s6  }
0x9c: {  	s6 =	sld [smem:$0x3FFD];
	_ =	sdelay $0x3  }
0x9d: {  	_ =	strace s6  }
0x9e: {  	_ =	strace $0x8FFFFFFF  }
0x9f: {  	s19 =	sld [smem:$0x3FDB];
	_ =	sdelay $0x1  }
0xa0: {  	s7 =	simm.s32 $_scs_section_size  }
0xa1: {  	s8 =	simm.s32 $_size__tile_overlayer_lowered;
	s9 =	simm.s32 $_tile_overlayer_lowered  }
0xa2: {  	s22 =	simm.s32 $0x1BFF;
	s21 =	sshll.u32 s9, $0x1;
	s6 =	sadd.s32 s7, s19  }
0xa3: {  	s10 =	simm.s32 $0x0;
	s20 =	sshll.u32 s8, $0x1;
	s8 =	sadd.s32 s21, s6  }
0xa4: {  	[timem:s10], [sflag:s22] =	dma.local [hbm:s8], s20  }
0xa5: {  	_ =	swait.ge [sflag:s22], s20  }
0xa6: {  	s7 =	ssub.s32 $0x0, s20;
	[sflag:s22] =	ssyncset.done $0x0  }
0xa7: {  	[sflag:s22] =	ssyncadd.s32 s7;
	_ =	sdelay $0x1  }
0xa8: {  	s23 =	simm.s32 $0x1B8B  }
0xa9: {  	_ =	swait.ge [sflag:s23], $0x1  }
0xaa: {  	[sflag:s23] =	ssyncset.done $0x0  }
0xab: {  	s25 =	simm.s32 $0x1B8E;
	s24 =	sld [smem:$0x3FFE];
	[sflag:s23] =	ssyncadd.s32 $0xFFFFFFFF  }
0xac: {  	s26 =	simm.s32 $execute0_lowered;
	[smem:$0x3FD2] =	sst s25  }
0xad: {  	s8 =	sshll.u32 s26, $0x1;
	_ =	strace $0x80000046;
	[dreg:$0x1] =	wrdreg $0xFFFFFFFF  }
0xae: {  	s28 =	simm.s32 $_size_execute0_lowered;
	s6 =	sadd.s32 s6, s8;
	[dreg:$0x0] =	wrdreg $0x0  }
0xaf: {  	s8 =	sshll.u32 s28, $0x1;
	[dreg:$0x2] =	wrdreg s6  }
0xb0: {  	[dreg:$0x3] =	wrdreg s8  }
0xb1: {  	[dreg:$0x4] =	wrdreg $0xC0  }
0xb2: {  	_ =	task [dreg:s10], $0x5FFFF  }
0xb3: {  	[dreg:$0x1] =	wrdreg $0xFFFFFFFF  }
0xb4: {  	[dreg:$0x0] =	wrdreg $0x60  }
0xb5: {  	[dreg:$0x2] =	wrdreg s15  }
0xb6: {  	[dreg:$0x3] =	wrdreg s4  }
0xb7: {  	[dreg:$0x4] =	wrdreg s16  }
0xb8: {  	[dreg:$0x5] =	wrdreg s24  }
0xb9: {  	[dreg:$0x6] =	wrdreg s17  }
0xba: {  	[dreg:$0x7] =	wrdreg $0x115800  }
0xbb: {  	[dreg:$0x8] =	wrdreg $0x115900  }
0xbc: {  	[dreg:$0x9] =	wrdreg $0x9  }
0xbd: {  	_ =	task.clear_ibuf [dreg:s10], $0xAFFFF;
	_ =	strace $0x90000046  }
0xbe: {  	s29 =	simm.s32 $0x9;
	_ =	strace $0x80000048  }
0xbf: {  	_ =	swait.ge [sflag:s29], $0x1  }
0xc0: {  	[sflag:s29] =	ssyncadd.s32 $0xFFFFFFFF  }
0xc1: {  	_ =	strace $0x90000048  }
0xc2: {  	_ =	sfence  }
0xc3: {  	s30 =	sld [smem:$0x0];
	_ =	sdelay $0x2  }
0xc4: {  	s31 =	sshll.u32 s1, $0xD;
	s1 =	sshrl.u32 s1, $0x2  }
0xc5: {  	s3 =	sand.u32 $0x4000, s31;
	s1 =	sadd.s32 s1, s30  }
0xc6: {  	s0 =	sor.u32 s3, s0;
	s1 =	sshll.u32 s1, $0x11  }
0xc7: {  	s0 =	sor.u32 s1, s0  }
0xc8: {  	s0 =	sadd.s32 $0x8F2B, s0  }
0xc9: {  	[sflag:s0] =	ssyncadd.remote.s32 $0x1  }
0xca: {  	_ =	sfence.sel $0xFFFF  }
0xcb: {  	[dreg:$0x0] =	wrdreg $0xFFFFFFFF;
	(pc) =	sbr.abs _section_cstart, $3  }
0xcc: {  	[dreg:$0x1] =	wrdreg $0xFFFFFFFF  }
0xcd: {  	_ =	task.clear_ibuf [dreg:s10], $0x2FFFF;
	_ =	strace $0x9FFFFFFF  }
0xce: {  	(tm) =	ssettm $0x7FFFFFFF  }
0xcf: {  	_ =	shalt  }
tec
execute0_lowered:
.L_overlay_start_1:
0x0: {  	(tag) =	ssettag $0x1  }
0x1: {  	s14 =	rddreg [dreg:$0x0]  }
0x2: {  	s0 =	rddreg [dreg:$0x1]  }
0x3: {  	s18 =	rddreg [dreg:$0x2]  }
0x4: {  	s1 =	rddreg [dreg:$0x3]  }
0x5: {  	s2 =	rddreg [dreg:$0x4]  }
0x6: {  	s15 =	rddreg [dreg:$0x5]  }
0x7: {  	s19 =	rddreg [dreg:$0x6]  }
0x8: {  	s6 =	simm.s32 $0x0;
	s3 =	srdreg.scid;
	s20 =	stileid.u32  }
0x9: {  	[smem:$0x7FF] =	sst s6;
	s3 =	sand.u32 $0x1, s3;
	s4 =	sshll.u32 s20, $0x7  }
0xa: {  	s8 =	sshll.u32 s20, $0x4;
	s29 =	sshll.u32 s20, $0xA;
	s31 =	sadd.s32 $0x100, s14  }
0xb: {  	p0 =	seq.s32 s20, $0xE;
	_ =	strace $0x80000047;
	[dreg:$0x8] =	wrdreg s29  }
0xc: {  	p1 =	slt.u32 s20, $0xE;
	s21 =	sadd.s32 $0x600, s14;
	[dreg:$0xc] =	wrdreg s31  }
0xd: {  	p4 =	slt.u32 s20, $0x5;
	s22 =	sadd.s32 $0x700, s14;
	[dreg:$0x13] =	wrdreg s21  }
0xe: {  	p5 =	slt.u32 s20, $0x4;
	s23 =	sadd.s32 $0x800, s14;
	[dreg:$0x14] =	wrdreg s22  }
0xf: {  	p6 =	slt.u32 s20, $0x3;
	s24 =	sadd.s32 $0x900, s14;
	[dreg:$0x15] =	wrdreg s23  }
0x10: {  	s25 =	sadd.s32 $0xA00, s14;
	s5 =	sshll.u32 s3, $0xB;
	[dreg:$0x16] =	wrdreg s24  }
0x11: {  	s7 =	sshll.u32 s3, $0x8;
	s3 =	ssub.s32 $0x2, s3;
	[dreg:$0x17] =	wrdreg s25  }
0x12: {  	s29 =	sadd.s32 $0xD00, s14;
	s31 =	sadd.s32 $0xF00, s14;
	s24 =	simm.s32 $0xA  }
0x13: {  	s7 =	sor.u32 s8, s7;
	s8 =	sadd.s32 s0, s4;
	s0 =	simm.s32 @!p0 $0x0  }
0x14: {  	s25 =	simm.s32 $0x19;
	s0 =	simm.s32 @p0 $0x1;
	p0 =	seq.s32 s20, $0xD  }
0x15: {  	s5 =	sor.u32 s4, s5;
	[smem:$0x7E7] =	sst s0;
	s0 =	simm.s32 @!p0 $0x0  }
0x16: {  	[dreg:$0x1a] =	wrdreg s29;
	s0 =	simm.s32 @p0 $0x1;
	p0 =	seq.s32 s20, $0xC  }
0x17: {  	s26 =	sshrl.u32 s3, $0x1;
	[smem:$0x7E8] =	sst s0;
	s0 =	simm.s32 @!p0 $0x0  }
0x18: {  	[dreg:$0x1c] =	wrdreg s31;
	s0 =	simm.s32 @p0 $0x1;
	p0 =	seq.s32 s20, $0xB  }
0x19: {  	s5 =	sshrl.u32 s5, $0x3;
	[smem:$0x7E9] =	sst s0;
	s0 =	simm.s32 @!p0 $0x0  }
0x1a: {  	s12 =	sshll.u32 s7, $0x9;
	s0 =	simm.s32 @p0 $0x1;
	p0 =	seq.s32 s20, $0xA  }
0x1b: {  	s3 =	ssub.s32 s3, s26;
	[smem:$0x7EA] =	sst s0;
	s0 =	simm.s32 @!p0 $0x0  }
0x1c: {  	s30 =	sadd.s32 s7, s19;
	s0 =	simm.s32 @p0 $0x1;
	p0 =	seq.s32 s20, $0x9  }
0x1d: {  	s7 =	sadd.s32 $0x400, s14;
	[smem:$0x7EB] =	sst s0;
	s0 =	simm.s32 @!p0 $0x0  }
0x1e: {  	s19 =	sadd.s32 $0x500, s14;
	s0 =	simm.s32 @p0 $0x1;
	p0 =	seq.s32 s20, $0x8  }
0x1f: {  	s26 =	sadd.s32 $0xB00, s14;
	[smem:$0x7EC] =	sst s0;
	s0 =	simm.s32 @!p0 $0x0  }
0x20: {  	[dreg:$0x9] =	wrdreg s8;
	s0 =	simm.s32 @p0 $0x1;
	p0 =	seq.s32 s20, $0x7  }
0x21: {  	s1 =	sadd.s32 s5, s1;
	[smem:$0x7ED] =	sst s0;
	s0 =	simm.s32 @!p0 $0x0  }
0x22: {  	s28 =	sadd.s32 s12, s14;
	s0 =	simm.s32 @p0 $0x1;
	p0 =	seq.s32 s20, $0x6  }
0x23: {  	s12 =	sadd.s32 s2, s12;
	[smem:$0x7EE] =	sst s0;
	s0 =	simm.s32 @!p0 $0x0  }
0x24: {  	[dreg:$0xb] =	wrdreg s30;
	s0 =	simm.s32 @p0 $0x1;
	p0 =	seq.s32 s20, $0x5  }
0x25: {  	s2 =	sadd.s32 s4, s15;
	[smem:$0x7EF] =	sst s0;
	s0 =	simm.s32 @!p0 $0x0  }
0x26: {  	[dreg:$0xf] =	wrdreg s7;
	s0 =	simm.s32 @p0 $0x1;
	p0 =	seq.s32 s20, $0x4  }
0x27: {  	s4 =	sadd.s32 $0x200, s14;
	[smem:$0x7F0] =	sst s0;
	s0 =	simm.s32 @!p0 $0x0  }
0x28: {  	[dreg:$0x10] =	wrdreg s19;
	s0 =	simm.s32 @p0 $0x1;
	p0 =	seq.s32 s20, $0x3  }
0x29: {  	s5 =	sadd.s32 $0x300, s14;
	[smem:$0x7F1] =	sst s0;
	s0 =	simm.s32 @!p0 $0x0  }
0x2a: {  	[dreg:$0x18] =	wrdreg s26;
	s0 =	simm.s32 @p0 $0x1;
	p0 =	seq.s32 s20, $0x2  }
0x2b: {  	s3 =	smax.u32 s3, $0x1;
	[smem:$0x7F2] =	sst s0;
	s0 =	simm.s32 @!p0 $0x0  }
0x2c: {  	s30 =	sadd.s32 $0xE00, s14;
	s0 =	simm.s32 @p0 $0x1;
	p0 =	seq.s32 s20, $0x1  }
0x2d: {  	s7 =	simm.s32 $0x0;
	[smem:$0x7F3] =	sst s0;
	s0 =	simm.s32 @!p0 $0x0  }
0x2e: {  	s9 =	sadd.s32 $0x7C0000, s28;
	s10 =	sadd.s32 $0x7C0040, s28;
	s0 =	simm.s32 @p0 $0x1  }
0x2f: {  	s11 =	sadd.s32 $0x7C1000, s28;
	[smem:$0x7F4] =	sst s0;
	s0 =	simm.s32 @!p1 $0x0  }
0x30: {  	s13 =	sadd.s32 $0x7C1040, s28;
	s0 =	simm.s32 @p1 $0x1;
	p1 =	slt.u32 s20, $0xD  }
0x31: {  	s15 =	sadd.s32 $0x40, s12;
	[smem:$0x7F5] =	sst s0;
	s0 =	simm.s32 @!p1 $0x0  }
0x32: {  	[dreg:$0xd] =	wrdreg s4;
	s0 =	simm.s32 @p1 $0x1;
	p1 =	slt.u32 s20, $0xC  }
0x33: {  	s16 =	sadd.s32 $0x1000, s12;
	[smem:$0x7F6] =	sst s0;
	s0 =	simm.s32 @!p1 $0x0  }
0x34: {  	[dreg:$0xe] =	wrdreg s5;
	s0 =	simm.s32 @p1 $0x1;
	p1 =	slt.u32 s20, $0xB  }
0x35: {  	s17 =	sadd.s32 $0x1040, s12;
	[smem:$0x7F7] =	sst s0;
	s0 =	simm.s32 @!p1 $0x0  }
0x36: {  	s1 =	sadd.s32 $0x400, s1;
	s0 =	simm.s32 @p1 $0x1;
	p1 =	slt.u32 s20, $0xA  }
0x37: {  	s28 =	sadd.s32 $0xC00, s14;
	[smem:$0x7F8] =	sst s0;
	s0 =	simm.s32 @!p1 $0x0  }
0x38: {  	[dreg:$0x1b] =	wrdreg s30;
	s0 =	simm.s32 @p1 $0x1;
	p1 =	slt.u32 s20, $0x9  }
0x39: {  	s4 =	simm.s32 $0x400;
	[smem:$0x7F9] =	sst s0;
	s0 =	simm.s32 @!p1 $0x0  }
0x3a: {  	[dreg:$0xa] =	wrdreg s2;
	s0 =	simm.s32 @p1 $0x1;
	p1 =	slt.u32 s20, $0x8  }
0x3b: {  	s5 =	simm.s32 $0x1;
	[smem:$0x7FA] =	sst s0;
	s0 =	simm.s32 @!p1 $0x0  }
0x3c: {  	[dreg:$0x12] =	wrdreg s3;
	s0 =	simm.s32 @p1 $0x1;
	p1 =	slt.u32 s20, $0x7  }
.Ltmp0:
0x3d: {  	[smem:$0x7FB] =	sst s0;
	s0 =	simm.s32 @!p1 $0x0;
	(pc) =	sbr.rel .LBB2_1-.Ltmp0, $4  }
0x3e: {  	[dreg:$0x19] =	wrdreg s28;
	s0 =	simm.s32 @p1 $0x1;
	p1 =	slt.u32 s20, $0x6  }
0x3f: {  	v0 =	vlaneseq.u32;
	s14 =	simm.s32 $0x9;
	[smem:$0x7FC] =	sst s0;
	s0 =	simm.s32 @!p1 $0x0  }
0x40: {  	v1 =	vimm.s32 $0x0;
	vm0 =	vmmov $0xffff;
	v3 =	vshrl.u32 v0, $0x3;
	[dreg:$0x11] =	wrdreg s1;
	p0 =	seq.s32 s20, $0xF;
	s0 =	simm.s32 @p1 $0x1  }
0x41: {  	v2 =	vand.u32 $0x7, v0;
	v4 =	vor.u32 $0x200, v0;
	v3 =	vmul.u32 $0x8, v3;
	p1 =	slt.u32 s20, $0x2;
	[smem:$0x7FD] =	sst s0;
	s0 =	simm.s32 $0x7  }
.LBB2_53:
0x42: {  	s7 =	sadd.s32 $0x1, s7  }
0x43: {  	p2 =	sne.s32 s7, s3  }
.Ltmp1:
0x44: {  	s19 =	simm.s32 $0x10D00;
	(pc) =	sbr.rel @!p2 .LBB2_54-.Ltmp1, $4  }
0x45: {  	[hbm4b:s1+s6] =	stream.linear.scatter [tilespmem:s19], [sflag:$0x19], $0x80, $0x38;
	[tilespmem:$0x115B8] =	vst v63  }
0x46: {  	_ =	swait.ge [sflag:s25], $0x80  }
0x47: {  	[sflag:s25] =	ssyncset.done $0x0  }
0x48: {  	[sflag:s25] =	ssyncadd.s32 $0xFFFFFF80  }
.LBB2_1:
0x49: {  	[tilespmem:s6], [sflag:$0x1] =	stream.linear.gather [hbm4b:s8+s6], $0x400, $0x38;
	[tilespmem:$0x115B8] =	vst v63  }
0x4a: {  	s19 =	simm.s32 $0xD00  }
0x4b: {  	s20 =	simm.s32 $0x80;
	s22 =	sadd.s32 $0x0, s9;
	s21 =	simm.s32 $0x1100  }
0x4c: {  	[tilespmem:s4], [sflag:$0x1] =	stream.linear.gather [hbm4b:s18+s6], $0x80, $0x38;
	[tilespmem:$0x115B8] =	vst v63  }
.LBB2_2:
0x4d: {  	[tilespmem:s19], [sflag:$0x3] =	stream.linear.gather [hbm4b:s22+s6], $0x200, $0x38;
	[tilespmem:$0x115B8] =	vst v63  }
0x4e: {  	s22 =	smov.u32 s20;
	s19 =	smov.u32 s21;
	p2 =	sne.s32 s20, $0xF80  }
.Ltmp2:
0x4f: {  	s20 =	sadd.s32 $0x80, s20;
	(pc) =	sbr.rel @p2 .LBB2_2-.Ltmp2, $2  }
0x50: {  	_ =	sdelay $0x2  }
0x51: {  	s21 =	sadd.s32 $0x400, s21;
	s22 =	sadd.s32 s22, s9  }
0x52: {  	[tilespmem:s19], [sflag:$0x3] =	stream.linear.gather [hbm4b:s22+s6], $0x200, $0x38;
	[tilespmem:$0x115B8] =	vst v63  }
0x53: {  	s19 =	simm.s32 $0xF00  }
0x54: {  	s20 =	simm.s32 $0x80;
	s22 =	sadd.s32 $0x0, s10;
	s21 =	simm.s32 $0x1300  }
.LBB2_4:
0x55: {  	[tilespmem:s19], [sflag:$0x4] =	stream.linear.gather [hbm4b:s22+s6], $0x200, $0x38;
	[tilespmem:$0x115B8] =	vst v63  }
0x56: {  	s22 =	smov.u32 s20;
	s19 =	smov.u32 s21;
	p2 =	sne.s32 s20, $0xF80  }
.Ltmp3:
0x57: {  	s20 =	sadd.s32 $0x80, s20;
	(pc) =	sbr.rel @p2 .LBB2_4-.Ltmp3, $2  }
0x58: {  	_ =	sdelay $0x2  }
0x59: {  	s21 =	sadd.s32 $0x400, s21;
	s22 =	sadd.s32 s22, s10  }
0x5a: {  	[tilespmem:s19], [sflag:$0x4] =	stream.linear.gather [hbm4b:s22+s6], $0x200, $0x38;
	[tilespmem:$0x115B8] =	vst v63  }
0x5b: {  	s19 =	simm.s32 $0x8D00  }
0x5c: {  	s20 =	simm.s32 $0x80;
	s22 =	sadd.s32 $0x0, s11;
	s21 =	simm.s32 $0x9100  }
.LBB2_6:
0x5d: {  	[tilespmem:s19], [sflag:$0x5] =	stream.linear.gather [hbm4b:s22+s6], $0x200, $0x38;
	[tilespmem:$0x115B8] =	vst v63  }
0x5e: {  	s22 =	smov.u32 s20;
	s19 =	smov.u32 s21;
	p2 =	sne.s32 s20, $0xF80  }
.Ltmp4:
0x5f: {  	s20 =	sadd.s32 $0x80, s20;
	(pc) =	sbr.rel @p2 .LBB2_6-.Ltmp4, $2  }
0x60: {  	_ =	sdelay $0x2  }
0x61: {  	s21 =	sadd.s32 $0x400, s21;
	s22 =	sadd.s32 s22, s11  }
0x62: {  	[tilespmem:s19], [sflag:$0x5] =	stream.linear.gather [hbm4b:s22+s6], $0x200, $0x38;
	[tilespmem:$0x115B8] =	vst v63  }
0x63: {  	s19 =	simm.s32 $0x8F00  }
0x64: {  	s20 =	simm.s32 $0x80;
	s22 =	sadd.s32 $0x0, s13;
	s21 =	simm.s32 $0x9300  }
.LBB2_8:
0x65: {  	[tilespmem:s19], [sflag:$0x6] =	stream.linear.gather [hbm4b:s22+s6], $0x200, $0x38;
	[tilespmem:$0x115B8] =	vst v63  }
0x66: {  	s22 =	smov.u32 s20;
	s19 =	smov.u32 s21;
	p2 =	sne.s32 s20, $0xF80  }
.Ltmp5:
0x67: {  	s20 =	sadd.s32 $0x80, s20;
	(pc) =	sbr.rel @p2 .LBB2_8-.Ltmp5, $2  }
0x68: {  	_ =	sdelay $0x2  }
0x69: {  	s21 =	sadd.s32 $0x400, s21;
	s22 =	sadd.s32 s22, s13  }
0x6a: {  	[tilespmem:s19], [sflag:$0x6] =	stream.linear.gather [hbm4b:s22+s6], $0x200, $0x38;
	[tilespmem:$0x115B8] =	vst v63  }
0x6b: {  	s31 =	simm.s32 $0x0  }
0x6c: {  	[smem:$0x0] =	sst s31  }
0x6d: {  	[bflag:$0x0] =	sbarrier.arrive $0xFFFF  }
0x6e: {  	_ =	swait.ge [sflag:s5], $0x400  }
0x6f: {  	[sflag:s5] =	ssyncset.done $0x0  }
0x70: {  	[sflag:s5] =	ssyncadd.s32 $0xFFFFFC00  }
0x71: {  	_ =	swait.ge [sflag:s5], $0x80  }
0x72: {  	[sflag:s5] =	ssyncset.done $0x0  }
0x73: {  	s21 =	simm.s32 $0x0;
	[sflag:s5] =	ssyncadd.s32 $0xFFFFFF80  }
0x74: {  	v5 =	vld [tilespmem:s21+$0x0]  }
0x75: {  	v7 =	vld [tilespmem:s21+$0x10]  }
0x76: {  	v9 =	vld [tilespmem:s21+$0x20]  }
0x77: {  	v8 =	vld [tilespmem:s21+$0x30]  }
0x78: {  	v6 =	vld [tilespmem:s21+$0x40]  }
0x79: {  	vm1 =	vne.s32 v5, $0xFFFFFF9C;
	v5 =	vld [tilespmem:s21+$0x50]  }
0x7a: {  	v10 =	vimm.s32 $0x0;
	v11 =	vsel vm1, $0x1, v1;
	vm1 =	vne.s32 v7, $0xFFFFFF9C;
	v7 =	vld [tilespmem:s21+$0x60]  }
0x7b: {  	s19 =	simm.s32 $0x80;
	s20 =	simm.s32 $0x400;
	v10 =	vadd.s32 v11, v10;
	v11 =	vsel vm1, $0x1, v1;
	vm1 =	vne.s32 v9, $0xFFFFFF9C;
	v9 =	vld [tilespmem:s21+$0x70]  }
.LBB2_10:
0x7c: {  	p2 =	sne.s32 s20, $0xE00;
	v12 =	vld [tilespmem:s19+$0x0];
	v10 =	vadd.s32 v11, v10;
	v11 =	vsel vm1, $0x1, v1;
	vm1 =	vne.s32 v8, $0xFFFFFF9C  }
0x7d: {  	v13 =	vld [tilespmem:s19+$0x10];
	v8 =	vadd.s32 v11, v10;
	v10 =	vsel vm1, $0x1, v1;
	vm1 =	vne.s32 v6, $0xFFFFFF9C  }
0x7e: {  	v14 =	vld [tilespmem:s19+$0x20];
	v6 =	vadd.s32 v10, v8;
	v10 =	vsel vm1, $0x1, v1;
	vm1 =	vne.s32 v5, $0xFFFFFF9C  }
.Ltmp6:
0x7f: {  	v8 =	vld [tilespmem:s19+$0x30];
	v5 =	vadd.s32 v10, v6;
	v10 =	vsel vm1, $0x1, v1;
	vm1 =	vne.s32 v7, $0xFFFFFF9C;
	(pc) =	sbr.rel @p2 .LBB2_10-.Ltmp6, $4  }
0x80: {  	v6 =	vld [tilespmem:s19+$0x40];
	v7 =	vadd.s32 v10, v5;
	v10 =	vsel vm1, $0x1, v1;
	vm1 =	vne.s32 v9, $0xFFFFFF9C  }
0x81: {  	vm2 =	vne.s32 v12, $0xFFFFFF9C;
	v5 =	vld [tilespmem:s19+$0x50];
	v9 =	vadd.s32 v10, v7;
	v10 =	vsel vm1, $0x1, v1  }
0x82: {  	v11 =	vsel vm2, $0x1, v1;
	vm1 =	vne.s32 v13, $0xFFFFFF9C;
	v7 =	vld [tilespmem:s19+$0x60];
	v9 =	vadd.s32 v10, v9  }
0x83: {  	v10 =	vadd.s32 v11, v9;
	v11 =	vsel vm1, $0x1, v1;
	vm1 =	vne.s32 v14, $0xFFFFFF9C;
	v9 =	vld [tilespmem:s19+$0x70];
	s19 =	sshra.s32 s20, $0x2;
	s20 =	sadd.s32 $0x200, s20  }
0x84: {  	v12 =	vld [tilespmem:s19+$0x0];
	v10 =	vadd.s32 v11, v10;
	v52 =	vsel vm1, $0x1, v1;
	vm1 =	vne.s32 v8, $0xFFFFFF9C  }
0x85: {  	v53 =	vld [tilespmem:s19+$0x10];
	v10 =	vadd.s32 v52, v10;
	v54 =	vsel vm1, $0x1, v1;
	vm1 =	vne.s32 v6, $0xFFFFFF9C  }
0x86: {  	v6 =	vld [tilespmem:s19+$0x20];
	v10 =	vadd.s32 v54, v10;
	v55 =	vsel vm1, $0x1, v1;
	vm1 =	vne.s32 v5, $0xFFFFFF9C  }
0x87: {  	v5 =	vld [tilespmem:s19+$0x30];
	v10 =	vadd.s32 v55, v10;
	v56 =	vsel vm1, $0x1, v1;
	vm1 =	vne.s32 v7, $0xFFFFFF9C  }
0x88: {  	v7 =	vld [tilespmem:s19+$0x40];
	v10 =	vadd.s32 v56, v10;
	v57 =	vsel vm1, $0x1, v1;
	vm1 =	vne.s32 v9, $0xFFFFFF9C  }
0x89: {  	v58 =	vld [tilespmem:s19+$0x50];
	vm2 =	vne.s32 v12, $0xFFFFFF9C;
	v10 =	vadd.s32 v57, v10;
	v59 =	vsel vm1, $0x1, v1  }
0x8a: {  	v60 =	vld [tilespmem:s19+$0x60];
	vm1 =	vne.s32 v53, $0xFFFFFF9C;
	v12 =	vsel vm2, $0x1, v1;
	v10 =	vadd.s32 v59, v10  }
0x8b: {  	v61 =	vsel vm1, $0x1, v1;
	vm1 =	vne.s32 v6, $0xFFFFFF9C;
	v6 =	vld [tilespmem:s19+$0x70];
	v10 =	vadd.s32 v12, v10  }
0x8c: {  	v62 =	vsel vm1, $0x1, v1;
	vm1 =	vne.s32 v5, $0xFFFFFF9C;
	v10 =	vadd.s32 v61, v10  }
0x8d: {  	v63 =	vsel vm1, $0x1, v1;
	vm1 =	vne.s32 v7, $0xFFFFFF9C;
	v5 =	vadd.s32 v62, v10  }
0x8e: {  	v7 =	vsel vm1, $0x1, v1;
	vm1 =	vne.s32 v58, $0xFFFFFF9C;
	v5 =	vadd.s32 v63, v5  }
0x8f: {  	v5 =	vadd.s32 v7, v5;
	v7 =	vsel vm1, $0x1, v1;
	vm1 =	vne.s32 v60, $0xFFFFFF9C  }
0x90: {  	v5 =	vadd.s32 v7, v5;
	v7 =	vsel vm1, $0x1, v1;
	vm1 =	vne.s32 v6, $0xFFFFFF9C  }
0x91: {  	v5 =	vadd.s32 v7, v5;
	v6 =	vsel vm1, $0x1, v1  }
0x92: {  	v5 =	vadd.s32 v6, v5  }
0x93: {  	(xrf0) =	vadd.scan.msk.s32 $0xffff, v5;
	_ =	sdelay $0x5  }
0x94: {  	v5, _, _ =	vpop (xrf0)  }
0x95: {  	(v2sf) =	vpush v5, $0xF;
	_ =	sdelay $0xa  }
0x96: {  	v6 =	vbroadcast v5, $0xF;
	_ =	sdelay $0x1  }
0x97: {  	v5 =	vld [tilespmem:$0x400];
	[tilespmem:$0x400] =	vst v6  }
0x98: {  	[spmem:s2] =	stream.linear.scatter [tilespmem:s4], [sflag:$0x2], $0x80, $0x38;
	[tilespmem:$0x115B8] =	vst v63  }
0x99: {  	s19 =	simm.s32 $0x0;
	[sflag:s14] =	ssyncset.done $0x0;
	s20 =	spop (v2sf)  }
0x9a: {  	[smem:s19], [sflag:$0x9] =	smem.add.s32 s20  }
0x9b: {  	_ =	swait.done [sflag:s14]  }
0x9c: {  	[sflag:s14] =	ssyncset.s32 $0x0  }
0x9d: {  	[sflag:s14] =	ssyncset.done $0x0  }
0x9e: {  	s21 =	simm.s32 $0x10000;
	[sflag:s24] =	ssyncset.done $0x0  }
0x9f: {  	[smem:s21], [sflag:$0xA] =	smem.add.s32 s20  }
0xa0: {  	_ =	swait.done [sflag:s24]  }
0xa1: {  	[sflag:s24] =	ssyncset.s32 $0x0  }
0xa2: {  	s28 =	simm.s32 $0xB;
	[sflag:s24] =	ssyncset.done $0x0  }
0xa3: {  	s22 =	simm.s32 $0x20000;
	[sflag:s28] =	ssyncset.done $0x0  }
0xa4: {  	[smem:s22], [sflag:$0xB] =	smem.add.s32 s20  }
0xa5: {  	_ =	swait.done [sflag:s28]  }
0xa6: {  	[sflag:s28] =	ssyncset.s32 $0x0  }
0xa7: {  	s29 =	simm.s32 $0xC;
	[sflag:s28] =	ssyncset.done $0x0  }
0xa8: {  	s30 =	simm.s32 $0x30000;
	[sflag:s29] =	ssyncset.done $0x0  }
0xa9: {  	[smem:s30], [sflag:$0xC] =	smem.add.s32 s20  }
0xaa: {  	_ =	swait.done [sflag:s29]  }
0xab: {  	[sflag:s29] =	ssyncset.s32 $0x0  }
0xac: {  	s31 =	simm.s32 $0xD;
	[sflag:s29] =	ssyncset.done $0x0  }
0xad: {  	s23 =	simm.s32 $0x40000;
	[sflag:s31] =	ssyncset.done $0x0  }
0xae: {  	[smem:s23], [sflag:$0xD] =	smem.add.s32 s20  }
0xaf: {  	_ =	swait.done [sflag:s31]  }
0xb0: {  	[sflag:s31] =	ssyncset.s32 $0x0  }
0xb1: {  	s26 =	simm.s32 $0xE;
	[sflag:s31] =	ssyncset.done $0x0  }
0xb2: {  	s28 =	simm.s32 $0x50000;
	[sflag:s26] =	ssyncset.done $0x0  }
0xb3: {  	[smem:s28], [sflag:$0xE] =	smem.add.s32 s20  }
0xb4: {  	_ =	swait.done [sflag:s26]  }
0xb5: {  	[sflag:s26] =	ssyncset.s32 $0x0  }
0xb6: {  	s29 =	simm.s32 $0xF;
	[sflag:s26] =	ssyncset.done $0x0  }
0xb7: {  	s30 =	simm.s32 $0x60000;
	[sflag:s29] =	ssyncset.done $0x0  }
0xb8: {  	[smem:s30], [sflag:$0xF] =	smem.add.s32 s20  }
0xb9: {  	_ =	swait.done [sflag:s29]  }
0xba: {  	[sflag:s29] =	ssyncset.s32 $0x0  }
0xbb: {  	s31 =	simm.s32 $0x10;
	[sflag:s29] =	ssyncset.done $0x0  }
0xbc: {  	s23 =	simm.s32 $0x70000;
	[sflag:s31] =	ssyncset.done $0x0  }
0xbd: {  	[smem:s23], [sflag:$0x10] =	smem.add.s32 s20  }
0xbe: {  	_ =	swait.done [sflag:s31]  }
0xbf: {  	[sflag:s31] =	ssyncset.s32 $0x0  }
0xc0: {  	s26 =	simm.s32 $0x11;
	[sflag:s31] =	ssyncset.done $0x0  }
0xc1: {  	s28 =	simm.s32 $0x80000;
	[sflag:s26] =	ssyncset.done $0x0  }
0xc2: {  	[smem:s28], [sflag:$0x11] =	smem.add.s32 s20  }
0xc3: {  	_ =	swait.done [sflag:s26]  }
0xc4: {  	[sflag:s26] =	ssyncset.s32 $0x0  }
0xc5: {  	s29 =	simm.s32 $0x12;
	[sflag:s26] =	ssyncset.done $0x0  }
0xc6: {  	s30 =	simm.s32 $0x90000;
	[sflag:s29] =	ssyncset.done $0x0  }
0xc7: {  	[smem:s30], [sflag:$0x12] =	smem.add.s32 s20  }
0xc8: {  	_ =	swait.done [sflag:s29]  }
0xc9: {  	[sflag:s29] =	ssyncset.s32 $0x0  }
0xca: {  	s31 =	simm.s32 $0x13;
	[sflag:s29] =	ssyncset.done $0x0  }
0xcb: {  	s23 =	simm.s32 $0xA0000;
	[sflag:s31] =	ssyncset.done $0x0  }
0xcc: {  	[smem:s23], [sflag:$0x13] =	smem.add.s32 s20  }
0xcd: {  	_ =	swait.done [sflag:s31]  }
0xce: {  	[sflag:s31] =	ssyncset.s32 $0x0  }
0xcf: {  	s26 =	simm.s32 $0x14;
	[sflag:s31] =	ssyncset.done $0x0  }
0xd0: {  	s28 =	simm.s32 $0xB0000;
	[sflag:s26] =	ssyncset.done $0x0  }
0xd1: {  	[smem:s28], [sflag:$0x14] =	smem.add.s32 s20  }
0xd2: {  	_ =	swait.done [sflag:s26]  }
0xd3: {  	[sflag:s26] =	ssyncset.s32 $0x0  }
0xd4: {  	s29 =	simm.s32 $0x15;
	[sflag:s26] =	ssyncset.done $0x0  }
0xd5: {  	s30 =	simm.s32 $0xC0000;
	[sflag:s29] =	ssyncset.done $0x0  }
0xd6: {  	[smem:s30], [sflag:$0x15] =	smem.add.s32 s20  }
0xd7: {  	_ =	swait.done [sflag:s29]  }
0xd8: {  	[sflag:s29] =	ssyncset.s32 $0x0  }
0xd9: {  	s31 =	simm.s32 $0x16;
	[sflag:s29] =	ssyncset.done $0x0  }
0xda: {  	s23 =	simm.s32 $0xD0000;
	[sflag:s31] =	ssyncset.done $0x0  }
0xdb: {  	[smem:s23], [sflag:$0x16] =	smem.add.s32 s20  }
0xdc: {  	_ =	swait.done [sflag:s31]  }
0xdd: {  	[sflag:s31] =	ssyncset.s32 $0x0  }
0xde: {  	s26 =	simm.s32 $0x17;
	[sflag:s31] =	ssyncset.done $0x0  }
0xdf: {  	s28 =	simm.s32 $0xE0000;
	[sflag:s26] =	ssyncset.done $0x0  }
0xe0: {  	[smem:s28], [sflag:$0x17] =	smem.add.s32 s20  }
0xe1: {  	_ =	swait.done [sflag:s26]  }
0xe2: {  	[sflag:s26] =	ssyncset.s32 $0x0  }
0xe3: {  	s29 =	simm.s32 $0x18;
	[sflag:s26] =	ssyncset.done $0x0  }
0xe4: {  	s30 =	simm.s32 $0xF0000;
	[sflag:s29] =	ssyncset.done $0x0  }
0xe5: {  	[smem:s30], [sflag:$0x18] =	smem.add.s32 s20  }
0xe6: {  	_ =	swait.done [sflag:s29]  }
0xe7: {  	[sflag:s29] =	ssyncset.s32 $0x0  }
0xe8: {  	s31 =	simm.s32 $0x3;
	[sflag:s29] =	ssyncset.done $0x0  }
0xe9: {  	_ =	swait.ge [sflag:s31], $0x4000  }
0xea: {  	[sflag:s31] =	ssyncset.done $0x0  }
0xeb: {  	s21 =	simm.s32 $0x0;
	s20 =	simm.s32 $0xD00;
	[sflag:s31] =	ssyncadd.s32 $0xFFFFC000  }
.LBB2_12:
0xec: {  	p2 =	sne.s32 s21, $0xF80  }
.Ltmp7:
0xed: {  	_ = 	snop;
	(pc) =	sbr.rel @p2 .LBB2_12-.Ltmp7, $4  }
0xee: {  	_ = 	snop  }
0xef: {  	s22 =	sadd.s32 s21, s12  }
0xf0: {  	[hbm4b:s22+s19] =	stream.linear.scatter [tilespmem:s20], [sflag:$0x7], $0x200, $0x38;
	[tilespmem:$0x115B8] =	vst v63  }
0xf1: {  	s21 =	sadd.s32 $0x80, s21;
	s20 =	sadd.s32 $0x400, s20  }
0xf2: {  	s20 =	sand.u32 $0x40, s19;
	s30 =	sand.u32 $0x7C00, s19  }
0xf3: {  	s21 =	sor.u32 s20, s30  }
0xf4: {  	v6 =	vld [tilespmem:s21+$0xD00];
	_ =	sdelay $0x1  }
0xf5: {  	v7 =	vld [tilespmem:s21+$0xD10];
	_ =	sdelay $0x1  }
0xf6: {  	v8 =	vimm.f32 $0.0e+00;
	v9 =	vld [tilespmem:s21+$0xD20]  }
0xf7: {  	v6 =	vadd.f32 v6, v8  }
0xf8: {  	v8 =	vld [tilespmem:s21+$0xD30]  }
0xf9: {  	v6 =	vadd.f32 v7, v6  }
0xfa: {  	v7 =	vld [tilespmem:s21+$0xD80]  }
0xfb: {  	v6 =	vadd.f32 v9, v6  }
0xfc: {  	v9 =	vld [tilespmem:s21+$0xD90]  }
0xfd: {  	v6 =	vadd.f32 v8, v6  }
0xfe: {  	v8 =	vld [tilespmem:s21+$0xDA0]  }
0xff: {  	v6 =	vadd.f32 v7, v6  }
0x100: {  	v7 =	vld [tilespmem:s21+$0xDB0]  }
0x101: {  	v6 =	vadd.f32 v9, v6  }
0x102: {  	v9 =	vld [tilespmem:s21+$0xE00]  }
0x103: {  	v6 =	vadd.f32 v8, v6  }
0x104: {  	v8 =	vld [tilespmem:s21+$0xE10]  }
0x105: {  	v6 =	vadd.f32 v7, v6  }
0x106: {  	v7 =	vld [tilespmem:s21+$0xE20]  }
0x107: {  	v6 =	vadd.f32 v9, v6  }
0x108: {  	v9 =	vld [tilespmem:s21+$0xE30]  }
0x109: {  	v6 =	vadd.f32 v8, v6  }
0x10a: {  	v8 =	vld [tilespmem:s21+$0xE80]  }
0x10b: {  	v7 =	vadd.f32 v7, v6  }
0x10c: {  	v6 =	vld [tilespmem:s21+$0xE90]  }
0x10d: {  	v9 =	vadd.f32 v9, v7  }
0x10e: {  	v7 =	vld [tilespmem:s21+$0xEA0]  }
0x10f: {  	s31 =	simm.s32 $0x40;
	s19 =	simm.s32 $0x200;
	v9 =	vadd.f32 v8, v9  }
0x110: {  	s22 =	sand.u32 $0x40, s31;
	s23 =	sand.u32 $0x7C00, s19;
	s20 =	simm.s32 $0x80;
	v8 =	vld [tilespmem:s21+$0xEB0]  }
.LBB2_14:
0x111: {  	p2 =	sne.s32 s20, $0xFC0;
	s21 =	sor.u32 s22, s23;
	v6 =	vadd.f32 v6, v9  }
0x112: {  	v9 =	vld [tilespmem:s21+$0xD00]  }
0x113: {  	v6 =	vadd.f32 v7, v6  }
0x114: {  	v7 =	vld [tilespmem:s21+$0xD10]  }
0x115: {  	v6 =	vadd.f32 v8, v6  }
0x116: {  	v8 =	vld [tilespmem:s21+$0xD20]  }
0x117: {  	v6 =	vadd.f32 v9, v6  }
0x118: {  	v9 =	vld [tilespmem:s21+$0xD30]  }
0x119: {  	v6 =	vadd.f32 v7, v6  }
0x11a: {  	v7 =	vld [tilespmem:s21+$0xD80]  }
0x11b: {  	v6 =	vadd.f32 v8, v6  }
0x11c: {  	v8 =	vld [tilespmem:s21+$0xD90]  }
0x11d: {  	v6 =	vadd.f32 v9, v6  }
0x11e: {  	v9 =	vld [tilespmem:s21+$0xDA0]  }
0x11f: {  	v6 =	vadd.f32 v7, v6  }
0x120: {  	v7 =	vld [tilespmem:s21+$0xDB0]  }
0x121: {  	v6 =	vadd.f32 v8, v6  }
0x122: {  	v8 =	vld [tilespmem:s21+$0xE00]  }
0x123: {  	v6 =	vadd.f32 v9, v6  }
0x124: {  	v9 =	vld [tilespmem:s21+$0xE10]  }
0x125: {  	v6 =	vadd.f32 v7, v6  }
0x126: {  	v7 =	vld [tilespmem:s21+$0xE20]  }
0x127: {  	v6 =	vadd.f32 v8, v6  }
0x128: {  	v8 =	vld [tilespmem:s21+$0xE30]  }
0x129: {  	v6 =	vadd.f32 v9, v6  }
0x12a: {  	v9 =	vld [tilespmem:s21+$0xE80]  }
0x12b: {  	v7 =	vadd.f32 v7, v6  }
.Ltmp8:
0x12c: {  	v6 =	vld [tilespmem:s21+$0xE90];
	(pc) =	sbr.rel @p2 .LBB2_14-.Ltmp8, $4  }
0x12d: {  	v8 =	vadd.f32 v8, v7  }
0x12e: {  	v7 =	vld [tilespmem:s21+$0xEA0]  }
0x12f: {  	s19 =	sadd.s32 $0x200, s19;
	v9 =	vadd.f32 v9, v8  }
0x130: {  	s22 =	sand.u32 $0x40, s20;
	s20 =	sadd.s32 $0x40, s20;
	s23 =	sand.u32 $0x7C00, s19;
	v8 =	vld [tilespmem:s21+$0xEB0]  }
0x131: {  	s19 =	sor.u32 s22, s23;
	v6 =	vadd.f32 v6, v9  }
0x132: {  	v58 =	vld [tilespmem:s19+$0xD00]  }
0x133: {  	v6 =	vadd.f32 v7, v6  }
0x134: {  	v7 =	vld [tilespmem:s19+$0xD10]  }
0x135: {  	v6 =	vadd.f32 v8, v6  }
0x136: {  	v8 =	vld [tilespmem:s19+$0xD20]  }
0x137: {  	v6 =	vadd.f32 v58, v6  }
0x138: {  	v59 =	vld [tilespmem:s19+$0xD30]  }
0x139: {  	v6 =	vadd.f32 v7, v6  }
0x13a: {  	v7 =	vld [tilespmem:s19+$0xD80]  }
0x13b: {  	v6 =	vadd.f32 v8, v6  }
0x13c: {  	v8 =	vld [tilespmem:s19+$0xD90]  }
0x13d: {  	v6 =	vadd.f32 v59, v6  }
0x13e: {  	v60 =	vld [tilespmem:s19+$0xDA0]  }
0x13f: {  	v6 =	vadd.f32 v7, v6  }
0x140: {  	v7 =	vld [tilespmem:s19+$0xDB0]  }
0x141: {  	v6 =	vadd.f32 v8, v6  }
0x142: {  	v8 =	vld [tilespmem:s19+$0xE00]  }
0x143: {  	v6 =	vadd.f32 v60, v6  }
0x144: {  	v61 =	vld [tilespmem:s19+$0xE10]  }
0x145: {  	v6 =	vadd.f32 v7, v6  }
0x146: {  	v7 =	vld [tilespmem:s19+$0xE20]  }
0x147: {  	v6 =	vadd.f32 v8, v6  }
0x148: {  	v8 =	vld [tilespmem:s19+$0xE30]  }
0x149: {  	v6 =	vadd.f32 v61, v6  }
0x14a: {  	v62 =	vld [tilespmem:s19+$0xE80]  }
0x14b: {  	v6 =	vadd.f32 v7, v6  }
0x14c: {  	v7 =	vld [tilespmem:s19+$0xE90]  }
0x14d: {  	v6 =	vadd.f32 v8, v6  }
0x14e: {  	v8 =	vld [tilespmem:s19+$0xEA0]  }
0x14f: {  	v6 =	vadd.f32 v62, v6  }
0x150: {  	v63 =	vld [tilespmem:s19+$0xEB0]  }
0x151: {  	v6 =	vadd.f32 v7, v6  }
0x152: {  	s31 =	simm.s32 $0x4  }
0x153: {  	_ =	swait.ge [sflag:s31], $0x4000;
	v6 =	vadd.f32 v8, v6  }
0x154: {  	s20 =	simm.s32 $0xF00;
	[sflag:s31] =	ssyncset.done $0x0  }
0x155: {  	s21 =	simm.s32 $0x0;
	s19 =	simm.s32 $0x0;
	[sflag:s31] =	ssyncadd.s32 $0xFFFFC000;
	v6 =	vadd.f32 v63, v6  }
.LBB2_16:
0x156: {  	p2 =	sne.s32 s21, $0xF80  }
.Ltmp9:
0x157: {  	_ = 	snop;
	(pc) =	sbr.rel @p2 .LBB2_16-.Ltmp9, $4  }
0x158: {  	_ = 	snop  }
0x159: {  	s22 =	sadd.s32 s21, s15  }
0x15a: {  	[hbm4b:s22+s19] =	stream.linear.scatter [tilespmem:s20], [sflag:$0x7], $0x200, $0x38;
	[tilespmem:$0x115B8] =	vst v63  }
0x15b: {  	s21 =	sadd.s32 $0x80, s21;
	s20 =	sadd.s32 $0x400, s20  }
0x15c: {  	p2 =	por $0x0, $0x0;
	s19 =	simm.s32 $0x1  }
0x15d: {  	s19 =	simm.s32 @!p2 $0x0  }
0x15e: {  	s19 =	sshll.u32 s19, $0x6  }
0x15f: {  	s19 =	sadd.s32 $0x0, s19  }
0x160: {  	s20 =	sor.u32 $0x200, s19  }
0x161: {  	v7 =	vld [tilespmem:s20+$0xD00]  }
0x162: {  	s23 =	sor.u32 $0x210, s19  }
0x163: {  	v8 =	vld [tilespmem:s23+$0xD00]  }
0x164: {  	s26 =	sor.u32 $0x220, s19  }
0x165: {  	v9 =	vld [tilespmem:s26+$0xD00]  }
0x166: {  	s28 =	sor.u32 $0x230, s19;
	v6 =	vadd.f32 v7, v6  }
0x167: {  	v7 =	vld [tilespmem:s28+$0xD00]  }
0x168: {  	s29 =	sor.u32 $0x280, s19;
	v6 =	vadd.f32 v8, v6  }
0x169: {  	v8 =	vld [tilespmem:s29+$0xD00]  }
0x16a: {  	s30 =	sor.u32 $0x290, s19;
	v6 =	vadd.f32 v9, v6  }
0x16b: {  	v9 =	vld [tilespmem:s30+$0xD00]  }
0x16c: {  	s31 =	sor.u32 $0x2A0, s19;
	v6 =	vadd.f32 v7, v6  }
0x16d: {  	v7 =	vld [tilespmem:s31+$0xD00]  }
0x16e: {  	s21 =	sor.u32 $0x2B0, s19;
	v6 =	vadd.f32 v8, v6  }
0x16f: {  	v8 =	vld [tilespmem:s21+$0xD00]  }
0x170: {  	s22 =	sor.u32 $0x300, s19;
	v6 =	vadd.f32 v9, v6  }
0x171: {  	v9 =	vld [tilespmem:s22+$0xD00]  }
0x172: {  	s23 =	sor.u32 $0x310, s19;
	v6 =	vadd.f32 v7, v6  }
0x173: {  	v7 =	vld [tilespmem:s23+$0xD00]  }
0x174: {  	s26 =	sor.u32 $0x320, s19;
	v6 =	vadd.f32 v8, v6  }
0x175: {  	v8 =	vld [tilespmem:s26+$0xD00]  }
0x176: {  	s28 =	sor.u32 $0x330, s19;
	v6 =	vadd.f32 v9, v6  }
0x177: {  	v9 =	vld [tilespmem:s28+$0xD00]  }
0x178: {  	s29 =	sor.u32 $0x380, s19;
	v6 =	vadd.f32 v7, v6  }
0x179: {  	v7 =	vld [tilespmem:s29+$0xD00]  }
0x17a: {  	s30 =	sor.u32 $0x390, s19;
	v8 =	vadd.f32 v8, v6  }
0x17b: {  	v6 =	vld [tilespmem:s30+$0xD00]  }
0x17c: {  	p2 =	por !p2, !p2;
	s31 =	sor.u32 $0x3A0, s19;
	s22 =	simm.s32 $0x1;
	v9 =	vadd.f32 v9, v8  }
0x17d: {  	s20 =	simm.s32 $0x200;
	s21 =	simm.s32 $0x80;
	s22 =	simm.s32 @!p2 $0x0;
	v8 =	vld [tilespmem:s31+$0xD00]  }
.LBB2_18:
0x17e: {  	p3 =	sne.s32 s21, $0xFC0;
	s22 =	sshll.u32 s22, $0x6;
	v7 =	vadd.f32 v7, v9;
	s23 =	sor.u32 $0x3B0, s19  }
0x17f: {  	s19 =	sadd.s32 s22, s20;
	v9 =	vld [tilespmem:s23+$0xD00]  }
0x180: {  	s22 =	sor.u32 $0x200, s19;
	v6 =	vadd.f32 v6, v7  }
0x181: {  	v7 =	vld [tilespmem:s22+$0xD00]  }
0x182: {  	s22 =	sor.u32 $0x210, s19;
	v6 =	vadd.f32 v8, v6  }
0x183: {  	v8 =	vld [tilespmem:s22+$0xD00]  }
0x184: {  	s22 =	sor.u32 $0x220, s19;
	v6 =	vadd.f32 v9, v6  }
0x185: {  	v9 =	vld [tilespmem:s22+$0xD00]  }
0x186: {  	s22 =	sor.u32 $0x230, s19;
	v6 =	vadd.f32 v7, v6  }
0x187: {  	v7 =	vld [tilespmem:s22+$0xD00]  }
0x188: {  	s22 =	sor.u32 $0x280, s19;
	v6 =	vadd.f32 v8, v6  }
0x189: {  	v8 =	vld [tilespmem:s22+$0xD00]  }
0x18a: {  	s22 =	sor.u32 $0x290, s19;
	v6 =	vadd.f32 v9, v6  }
0x18b: {  	v9 =	vld [tilespmem:s22+$0xD00]  }
0x18c: {  	s22 =	sor.u32 $0x2A0, s19;
	v6 =	vadd.f32 v7, v6  }
0x18d: {  	v7 =	vld [tilespmem:s22+$0xD00]  }
0x18e: {  	s22 =	sor.u32 $0x2B0, s19;
	v6 =	vadd.f32 v8, v6  }
0x18f: {  	v8 =	vld [tilespmem:s22+$0xD00]  }
0x190: {  	s22 =	sor.u32 $0x300, s19;
	v6 =	vadd.f32 v9, v6  }
0x191: {  	v9 =	vld [tilespmem:s22+$0xD00]  }
0x192: {  	s22 =	sor.u32 $0x310, s19;
	v6 =	vadd.f32 v7, v6  }
0x193: {  	v7 =	vld [tilespmem:s22+$0xD00]  }
0x194: {  	s22 =	sor.u32 $0x320, s19;
	v6 =	vadd.f32 v8, v6  }
0x195: {  	v8 =	vld [tilespmem:s22+$0xD00]  }
0x196: {  	s22 =	sor.u32 $0x330, s19;
	v6 =	vadd.f32 v9, v6  }
0x197: {  	v9 =	vld [tilespmem:s22+$0xD00]  }
0x198: {  	s22 =	sor.u32 $0x380, s19;
	v6 =	vadd.f32 v7, v6  }
.Ltmp10:
0x199: {  	v7 =	vld [tilespmem:s22+$0xD00];
	(pc) =	sbr.rel @p3 .LBB2_18-.Ltmp10, $4  }
0x19a: {  	s22 =	sor.u32 $0x390, s19;
	v8 =	vadd.f32 v8, v6  }
0x19b: {  	v6 =	vld [tilespmem:s22+$0xD00]  }
0x19c: {  	p2 =	por !p2, !p2;
	s23 =	sor.u32 $0x3A0, s19;
	s22 =	simm.s32 $0x1;
	v9 =	vadd.f32 v9, v8  }
0x19d: {  	s21 =	sadd.s32 $0x40, s21;
	s20 =	sadd.s32 $0x200, s20;
	s22 =	simm.s32 @!p2 $0x0;
	v8 =	vld [tilespmem:s23+$0xD00]  }
0x19e: {  	s21 =	sshll.u32 s22, $0x6;
	v7 =	vadd.f32 v7, v9;
	s19 =	sor.u32 $0x3B0, s19  }
0x19f: {  	s20 =	sadd.s32 s21, s20;
	v58 =	vld [tilespmem:s19+$0xD00]  }
0x1a0: {  	s31 =	sor.u32 $0x200, s20;
	v6 =	vadd.f32 v6, v7  }
0x1a1: {  	v7 =	vld [tilespmem:s31+$0xD00]  }
0x1a2: {  	s21 =	sor.u32 $0x210, s20;
	v6 =	vadd.f32 v8, v6  }
0x1a3: {  	v8 =	vld [tilespmem:s21+$0xD00]  }
0x1a4: {  	s22 =	sor.u32 $0x220, s20;
	v6 =	vadd.f32 v58, v6  }
0x1a5: {  	v59 =	vld [tilespmem:s22+$0xD00]  }
0x1a6: {  	s23 =	sor.u32 $0x230, s20;
	v6 =	vadd.f32 v7, v6  }
0x1a7: {  	v7 =	vld [tilespmem:s23+$0xD00]  }
0x1a8: {  	s26 =	sor.u32 $0x280, s20;
	v6 =	vadd.f32 v8, v6  }
0x1a9: {  	v8 =	vld [tilespmem:s26+$0xD00]  }
0x1aa: {  	s28 =	sor.u32 $0x290, s20;
	v6 =	vadd.f32 v59, v6  }
0x1ab: {  	v60 =	vld [tilespmem:s28+$0xD00]  }
0x1ac: {  	s29 =	sor.u32 $0x2A0, s20;
	v6 =	vadd.f32 v7, v6  }
0x1ad: {  	v7 =	vld [tilespmem:s29+$0xD00]  }
0x1ae: {  	s30 =	sor.u32 $0x2B0, s20;
	v6 =	vadd.f32 v8, v6  }
0x1af: {  	v8 =	vld [tilespmem:s30+$0xD00]  }
0x1b0: {  	s31 =	sor.u32 $0x300, s20;
	v6 =	vadd.f32 v60, v6  }
0x1b1: {  	v61 =	vld [tilespmem:s31+$0xD00]  }
0x1b2: {  	s21 =	sor.u32 $0x310, s20;
	v6 =	vadd.f32 v7, v6  }
0x1b3: {  	v7 =	vld [tilespmem:s21+$0xD00]  }
0x1b4: {  	s22 =	sor.u32 $0x320, s20;
	v6 =	vadd.f32 v8, v6  }
0x1b5: {  	v8 =	vld [tilespmem:s22+$0xD00]  }
0x1b6: {  	s23 =	sor.u32 $0x330, s20;
	v6 =	vadd.f32 v61, v6  }
0x1b7: {  	v62 =	vld [tilespmem:s23+$0xD00]  }
0x1b8: {  	s26 =	sor.u32 $0x380, s20;
	v6 =	vadd.f32 v7, v6  }
0x1b9: {  	v7 =	vld [tilespmem:s26+$0xD00]  }
0x1ba: {  	s28 =	sor.u32 $0x390, s20;
	v6 =	vadd.f32 v8, v6  }
0x1bb: {  	v8 =	vld [tilespmem:s28+$0xD00]  }
0x1bc: {  	s29 =	sor.u32 $0x3A0, s20;
	v6 =	vadd.f32 v62, v6  }
0x1bd: {  	v63 =	vld [tilespmem:s29+$0xD00]  }
0x1be: {  	s30 =	sor.u32 $0x3B0, s20;
	v6 =	vadd.f32 v7, v6  }
0x1bf: {  	v7 =	vld [tilespmem:s30+$0xD00]  }
0x1c0: {  	v6 =	vadd.f32 v8, v6  }
0x1c1: {  	s31 =	simm.s32 $0x5  }
0x1c2: {  	s19 =	simm.s32 $0x0;
	_ =	swait.ge [sflag:s31], $0x4000;
	v6 =	vadd.f32 v63, v6  }
0x1c3: {  	s23 =	sadd.s32 $0x0, s16;
	s20 =	simm.s32 $0x8D00;
	[sflag:s31] =	ssyncset.done $0x0  }
0x1c4: {  	s21 =	simm.s32 $0x80;
	s22 =	simm.s32 $0x9100;
	[sflag:s31] =	ssyncadd.s32 $0xFFFFC000;
	v6 =	vadd.f32 v7, v6  }
.LBB2_20:
0x1c5: {  	[hbm4b:s23+s19] =	stream.linear.scatter [tilespmem:s20], [sflag:$0x7], $0x200, $0x38;
	[tilespmem:$0x115B8] =	vst v63  }
0x1c6: {  	s23 =	smov.u32 s21;
	s20 =	smov.u32 s22;
	p2 =	sne.s32 s21, $0xF80  }
.Ltmp11:
0x1c7: {  	s21 =	sadd.s32 $0x80, s21;
	(pc) =	sbr.rel @p2 .LBB2_20-.Ltmp11, $2  }
0x1c8: {  	_ =	sdelay $0x2  }
0x1c9: {  	s22 =	sadd.s32 $0x400, s22;
	s23 =	sadd.s32 s23, s16  }
0x1ca: {  	[hbm4b:s23+s19] =	stream.linear.scatter [tilespmem:s20], [sflag:$0x7], $0x200, $0x38;
	[tilespmem:$0x115B8] =	vst v63  }
0x1cb: {  	s20 =	sand.u32 $0x7C00, s19  }
0x1cc: {  	s19 =	sand.u32 $0x40, s19;
	s21 =	sadd.s32 $0x8D00, s20  }
0x1cd: {  	s22 =	sor.u32 s19, s21  }
0x1ce: {  	v7 =	vld [tilespmem:s22+$0x0];
	s22 =	sor.u32 $0x10, s19  }
0x1cf: {  	s28 =	sor.u32 s22, s21  }
0x1d0: {  	s23 =	sor.u32 $0x20, s19;
	v8 =	vld [tilespmem:s28+$0x0]  }
0x1d1: {  	s26 =	sor.u32 s23, s21  }
0x1d2: {  	v9 =	vld [tilespmem:s26+$0x0];
	s26 =	sor.u32 $0x30, s19  }
0x1d3: {  	s21 =	sor.u32 s26, s21;
	v6 =	vadd.f32 v7, v6  }
0x1d4: {  	s29 =	sadd.s32 $0x8D80, s20;
	v7 =	vld [tilespmem:s21+$0x0]  }
0x1d5: {  	s28 =	sor.u32 s19, s29;
	v6 =	vadd.f32 v8, v6  }
0x1d6: {  	v8 =	vld [tilespmem:s28+$0x0]  }
0x1d7: {  	s30 =	sor.u32 s22, s29;
	v6 =	vadd.f32 v9, v6  }
0x1d8: {  	v9 =	vld [tilespmem:s30+$0x0]  }
0x1d9: {  	s31 =	sor.u32 s23, s29;
	v6 =	vadd.f32 v7, v6  }
0x1da: {  	v7 =	vld [tilespmem:s31+$0x0]  }
0x1db: {  	s21 =	sor.u32 s26, s29;
	v6 =	vadd.f32 v8, v6  }
0x1dc: {  	v8 =	vld [tilespmem:s21+$0x0];
	s21 =	sadd.s32 $0x8E00, s20  }
0x1dd: {  	s29 =	sor.u32 s19, s21;
	v6 =	vadd.f32 v9, v6  }
0x1de: {  	v9 =	vld [tilespmem:s29+$0x0]  }
0x1df: {  	s30 =	sor.u32 s22, s21;
	v6 =	vadd.f32 v7, v6  }
0x1e0: {  	v7 =	vld [tilespmem:s30+$0x0]  }
0x1e1: {  	s31 =	sor.u32 s23, s21;
	v6 =	vadd.f32 v8, v6  }
0x1e2: {  	v8 =	vld [tilespmem:s31+$0x0]  }
0x1e3: {  	s21 =	sor.u32 s26, s21;
	v6 =	vadd.f32 v9, v6  }
0x1e4: {  	s29 =	sadd.s32 $0x8E80, s20;
	v9 =	vld [tilespmem:s21+$0x0]  }
0x1e5: {  	s19 =	sor.u32 s19, s29;
	v6 =	vadd.f32 v7, v6  }
0x1e6: {  	v10 =	vld [tilespmem:s19+$0x0]  }
0x1e7: {  	s30 =	sor.u32 s22, s29;
	v6 =	vadd.f32 v8, v6  }
0x1e8: {  	v7 =	vld [tilespmem:s30+$0x0]  }
0x1e9: {  	s31 =	sor.u32 s23, s29;
	v8 =	vadd.f32 v9, v6  }
0x1ea: {  	s20 =	simm.s32 $0x200;
	s26 =	sor.u32 s26, s29;
	v6 =	vld [tilespmem:s31+$0x0]  }
0x1eb: {  	s19 =	sand.u32 $0x7C00, s20;
	s22 =	simm.s32 $0x80;
	s21 =	simm.s32 $0x40;
	v8 =	vadd.f32 v10, v8  }
.LBB2_22:
0x1ec: {  	p2 =	sne.s32 s22, $0xFC0;
	s23 =	sand.u32 $0x40, s21;
	s30 =	sadd.s32 $0x8D00, s19;
	v9 =	vld [tilespmem:s26+$0x0]  }
0x1ed: {  	s21 =	smov.u32 s22;
	s26 =	sor.u32 s23, s30;
	v7 =	vadd.f32 v7, v8  }
0x1ee: {  	s28 =	sor.u32 $0x10, s23;
	v8 =	vld [tilespmem:s26+$0x0]  }
0x1ef: {  	s26 =	sor.u32 s28, s30;
	v6 =	vadd.f32 v6, v7  }
0x1f0: {  	s29 =	sor.u32 $0x20, s23;
	v7 =	vld [tilespmem:s26+$0x0]  }
0x1f1: {  	s26 =	sor.u32 s29, s30;
	v6 =	vadd.f32 v9, v6  }
0x1f2: {  	v9 =	vld [tilespmem:s26+$0x0];
	s26 =	sor.u32 $0x30, s23  }
0x1f3: {  	v6 =	vadd.f32 v8, v6;
	s30 =	sor.u32 s26, s30  }
0x1f4: {  	v8 =	vld [tilespmem:s30+$0x0];
	s30 =	sadd.s32 $0x8D80, s19  }
0x1f5: {  	v6 =	vadd.f32 v7, v6;
	s31 =	sor.u32 s23, s30  }
0x1f6: {  	v7 =	vld [tilespmem:s31+$0x0]  }
0x1f7: {  	s31 =	sor.u32 s28, s30;
	v6 =	vadd.f32 v9, v6  }
0x1f8: {  	v9 =	vld [tilespmem:s31+$0x0]  }
0x1f9: {  	s31 =	sor.u32 s29, s30;
	v6 =	vadd.f32 v8, v6  }
0x1fa: {  	v8 =	vld [tilespmem:s31+$0x0]  }
0x1fb: {  	s30 =	sor.u32 s26, s30;
	v6 =	vadd.f32 v7, v6  }
0x1fc: {  	v7 =	vld [tilespmem:s30+$0x0];
	s30 =	sadd.s32 $0x8E00, s19  }
0x1fd: {  	v6 =	vadd.f32 v9, v6;
	s31 =	sor.u32 s23, s30  }
0x1fe: {  	v9 =	vld [tilespmem:s31+$0x0]  }
0x1ff: {  	s31 =	sor.u32 s28, s30;
	v6 =	vadd.f32 v8, v6  }
0x200: {  	v8 =	vld [tilespmem:s31+$0x0]  }
0x201: {  	s31 =	sor.u32 s29, s30;
	v6 =	vadd.f32 v7, v6  }
0x202: {  	v7 =	vld [tilespmem:s31+$0x0]  }
0x203: {  	s30 =	sor.u32 s26, s30;
	v6 =	vadd.f32 v9, v6  }
0x204: {  	v9 =	vld [tilespmem:s30+$0x0];
	s30 =	sadd.s32 $0x8E80, s19  }
0x205: {  	v6 =	vadd.f32 v8, v6;
	s19 =	sor.u32 s23, s30  }
0x206: {  	v8 =	vld [tilespmem:s19+$0x0]  }
.Ltmp12:
0x207: {  	s19 =	sor.u32 s28, s30;
	v6 =	vadd.f32 v7, v6;
	(pc) =	sbr.rel @p2 .LBB2_22-.Ltmp12, $4  }
0x208: {  	v7 =	vld [tilespmem:s19+$0x0]  }
0x209: {  	s19 =	sor.u32 s29, s30;
	v9 =	vadd.f32 v9, v6  }
0x20a: {  	s20 =	sadd.s32 $0x200, s20;
	v6 =	vld [tilespmem:s19+$0x0]  }
0x20b: {  	s22 =	sadd.s32 $0x40, s22;
	s26 =	sor.u32 s26, s30;
	s19 =	sand.u32 $0x7C00, s20;
	v8 =	vadd.f32 v8, v9  }
0x20c: {  	s20 =	sand.u32 $0x40, s21;
	s31 =	sadd.s32 $0x8D00, s19;
	v9 =	vld [tilespmem:s26+$0x0]  }
0x20d: {  	s22 =	sor.u32 s20, s31;
	v7 =	vadd.f32 v7, v8  }
0x20e: {  	v8 =	vld [tilespmem:s22+$0x0];
	s22 =	sor.u32 $0x10, s20  }
0x20f: {  	s23 =	sor.u32 s22, s31;
	v6 =	vadd.f32 v6, v7  }
0x210: {  	v7 =	vld [tilespmem:s23+$0x0];
	s23 =	sor.u32 $0x20, s20  }
0x211: {  	s28 =	sor.u32 s23, s31;
	v6 =	vadd.f32 v9, v6  }
0x212: {  	s26 =	sor.u32 $0x30, s20;
	v59 =	vld [tilespmem:s28+$0x0]  }
0x213: {  	s21 =	sor.u32 s26, s31;
	v6 =	vadd.f32 v8, v6  }
0x214: {  	s29 =	sadd.s32 $0x8D80, s19;
	v8 =	vld [tilespmem:s21+$0x0]  }
0x215: {  	s28 =	sor.u32 s20, s29;
	v6 =	vadd.f32 v7, v6  }
0x216: {  	v7 =	vld [tilespmem:s28+$0x0]  }
0x217: {  	s30 =	sor.u32 s22, s29;
	v6 =	vadd.f32 v59, v6  }
0x218: {  	v60 =	vld [tilespmem:s30+$0x0]  }
0x219: {  	s31 =	sor.u32 s23, s29;
	v6 =	vadd.f32 v8, v6  }
0x21a: {  	v8 =	vld [tilespmem:s31+$0x0]  }
0x21b: {  	s21 =	sor.u32 s26, s29;
	v6 =	vadd.f32 v7, v6  }
0x21c: {  	v7 =	vld [tilespmem:s21+$0x0];
	s21 =	sadd.s32 $0x8E00, s19  }
0x21d: {  	s29 =	sor.u32 s20, s21;
	v6 =	vadd.f32 v60, v6  }
0x21e: {  	v61 =	vld [tilespmem:s29+$0x0]  }
0x21f: {  	s30 =	sor.u32 s22, s21;
	v6 =	vadd.f32 v8, v6  }
0x220: {  	v8 =	vld [tilespmem:s30+$0x0]  }
0x221: {  	s31 =	sor.u32 s23, s21;
	v6 =	vadd.f32 v7, v6  }
0x222: {  	v7 =	vld [tilespmem:s31+$0x0]  }
0x223: {  	s21 =	sor.u32 s26, s21;
	v6 =	vadd.f32 v61, v6  }
0x224: {  	s28 =	sadd.s32 $0x8E80, s19;
	v62 =	vld [tilespmem:s21+$0x0]  }
0x225: {  	s20 =	sor.u32 s20, s28;
	v6 =	vadd.f32 v8, v6  }
0x226: {  	v8 =	vld [tilespmem:s20+$0x0]  }
0x227: {  	s29 =	sor.u32 s22, s28;
	v6 =	vadd.f32 v7, v6  }
0x228: {  	v7 =	vld [tilespmem:s29+$0x0]  }
0x229: {  	s30 =	sor.u32 s23, s28;
	v6 =	vadd.f32 v62, v6  }
0x22a: {  	v63 =	vld [tilespmem:s30+$0x0]  }
0x22b: {  	s19 =	sor.u32 s26, s28;
	v6 =	vadd.f32 v8, v6  }
0x22c: {  	v8 =	vld [tilespmem:s19+$0x0]  }
0x22d: {  	v6 =	vadd.f32 v7, v6  }
0x22e: {  	s31 =	simm.s32 $0x6  }
0x22f: {  	s21 =	simm.s32 $0x80;
	_ =	swait.ge [sflag:s31], $0x4000;
	v6 =	vadd.f32 v63, v6  }
0x230: {  	s22 =	simm.s32 $0x9300;
	s23 =	sadd.s32 $0x0, s17;
	[sflag:s31] =	ssyncset.done $0x0  }
0x231: {  	s20 =	simm.s32 $0x8F00;
	s19 =	simm.s32 $0x0;
	[sflag:s31] =	ssyncadd.s32 $0xFFFFC000;
	v6 =	vadd.f32 v8, v6  }
.LBB2_24:
0x232: {  	[hbm4b:s23+s19] =	stream.linear.scatter [tilespmem:s20], [sflag:$0x7], $0x200, $0x38;
	[tilespmem:$0x115B8] =	vst v63  }
0x233: {  	s23 =	smov.u32 s21;
	s20 =	smov.u32 s22;
	p2 =	sne.s32 s21, $0xF80  }
.Ltmp13:
0x234: {  	s21 =	sadd.s32 $0x80, s21;
	(pc) =	sbr.rel @p2 .LBB2_24-.Ltmp13, $2  }
0x235: {  	_ =	sdelay $0x2  }
0x236: {  	s22 =	sadd.s32 $0x400, s22;
	s23 =	sadd.s32 s23, s17  }
0x237: {  	[hbm4b:s23+s19] =	stream.linear.scatter [tilespmem:s20], [sflag:$0x7], $0x200, $0x38;
	[tilespmem:$0x115B8] =	vst v63  }
0x238: {  	s20 =	sand.u32 $0x7C00, s19  }
0x239: {  	s19 =	sand.u32 $0x40, s19;
	s21 =	sadd.s32 $0x8F00, s20  }
0x23a: {  	s22 =	sor.u32 s19, s21  }
0x23b: {  	v7 =	vld [tilespmem:s22+$0x0];
	s22 =	sor.u32 $0x10, s19  }
0x23c: {  	s28 =	sor.u32 s22, s21  }
0x23d: {  	s23 =	sor.u32 $0x20, s19;
	v8 =	vld [tilespmem:s28+$0x0]  }
0x23e: {  	s26 =	sor.u32 s23, s21  }
0x23f: {  	v9 =	vld [tilespmem:s26+$0x0];
	s26 =	sor.u32 $0x30, s19  }
0x240: {  	s21 =	sor.u32 s26, s21;
	v6 =	vadd.f32 v7, v6  }
0x241: {  	s29 =	sadd.s32 $0x8F80, s20;
	v7 =	vld [tilespmem:s21+$0x0]  }
0x242: {  	s28 =	sor.u32 s19, s29;
	v6 =	vadd.f32 v8, v6  }
0x243: {  	v8 =	vld [tilespmem:s28+$0x0]  }
0x244: {  	s30 =	sor.u32 s22, s29;
	v6 =	vadd.f32 v9, v6  }
0x245: {  	v9 =	vld [tilespmem:s30+$0x0]  }
0x246: {  	s31 =	sor.u32 s23, s29;
	v6 =	vadd.f32 v7, v6  }
0x247: {  	v7 =	vld [tilespmem:s31+$0x0]  }
0x248: {  	s21 =	sor.u32 s26, s29;
	v6 =	vadd.f32 v8, v6  }
0x249: {  	v8 =	vld [tilespmem:s21+$0x0];
	s21 =	sadd.s32 $0x9000, s20  }
0x24a: {  	s29 =	sor.u32 s19, s21;
	v6 =	vadd.f32 v9, v6  }
0x24b: {  	v9 =	vld [tilespmem:s29+$0x0]  }
0x24c: {  	s30 =	sor.u32 s22, s21;
	v6 =	vadd.f32 v7, v6  }
0x24d: {  	v7 =	vld [tilespmem:s30+$0x0]  }
0x24e: {  	s31 =	sor.u32 s23, s21;
	v6 =	vadd.f32 v8, v6  }
0x24f: {  	v8 =	vld [tilespmem:s31+$0x0]  }
0x250: {  	s21 =	sor.u32 s26, s21;
	v6 =	vadd.f32 v9, v6  }
0x251: {  	s29 =	sadd.s32 $0x9080, s20;
	v9 =	vld [tilespmem:s21+$0x0]  }
0x252: {  	s19 =	sor.u32 s19, s29;
	v6 =	vadd.f32 v7, v6  }
0x253: {  	v10 =	vld [tilespmem:s19+$0x0]  }
0x254: {  	s30 =	sor.u32 s22, s29;
	v6 =	vadd.f32 v8, v6  }
0x255: {  	v7 =	vld [tilespmem:s30+$0x0]  }
0x256: {  	s31 =	sor.u32 s23, s29;
	v8 =	vadd.f32 v9, v6  }
0x257: {  	s20 =	simm.s32 $0x200;
	s26 =	sor.u32 s26, s29;
	v6 =	vld [tilespmem:s31+$0x0]  }
0x258: {  	s19 =	sand.u32 $0x7C00, s20;
	s22 =	simm.s32 $0x80;
	s21 =	simm.s32 $0x40;
	v8 =	vadd.f32 v10, v8  }
.LBB2_26:
0x259: {  	p2 =	sne.s32 s22, $0xFC0;
	s23 =	sand.u32 $0x40, s21;
	s30 =	sadd.s32 $0x8F00, s19;
	v9 =	vld [tilespmem:s26+$0x0]  }
0x25a: {  	s21 =	smov.u32 s22;
	s26 =	sor.u32 s23, s30;
	v7 =	vadd.f32 v7, v8  }
0x25b: {  	s28 =	sor.u32 $0x10, s23;
	v8 =	vld [tilespmem:s26+$0x0]  }
0x25c: {  	s26 =	sor.u32 s28, s30;
	v6 =	vadd.f32 v6, v7  }
0x25d: {  	s29 =	sor.u32 $0x20, s23;
	v7 =	vld [tilespmem:s26+$0x0]  }
0x25e: {  	s26 =	sor.u32 s29, s30;
	v6 =	vadd.f32 v9, v6  }
0x25f: {  	v9 =	vld [tilespmem:s26+$0x0];
	s26 =	sor.u32 $0x30, s23  }
0x260: {  	v6 =	vadd.f32 v8, v6;
	s30 =	sor.u32 s26, s30  }
0x261: {  	v8 =	vld [tilespmem:s30+$0x0];
	s30 =	sadd.s32 $0x8F80, s19  }
0x262: {  	v6 =	vadd.f32 v7, v6;
	s31 =	sor.u32 s23, s30  }
0x263: {  	v7 =	vld [tilespmem:s31+$0x0]  }
0x264: {  	s31 =	sor.u32 s28, s30;
	v6 =	vadd.f32 v9, v6  }
0x265: {  	v9 =	vld [tilespmem:s31+$0x0]  }
0x266: {  	s31 =	sor.u32 s29, s30;
	v6 =	vadd.f32 v8, v6  }
0x267: {  	v8 =	vld [tilespmem:s31+$0x0]  }
0x268: {  	s30 =	sor.u32 s26, s30;
	v6 =	vadd.f32 v7, v6  }
0x269: {  	v7 =	vld [tilespmem:s30+$0x0];
	s30 =	sadd.s32 $0x9000, s19  }
0x26a: {  	v6 =	vadd.f32 v9, v6;
	s31 =	sor.u32 s23, s30  }
0x26b: {  	v9 =	vld [tilespmem:s31+$0x0]  }
0x26c: {  	s31 =	sor.u32 s28, s30;
	v6 =	vadd.f32 v8, v6  }
0x26d: {  	v8 =	vld [tilespmem:s31+$0x0]  }
0x26e: {  	s31 =	sor.u32 s29, s30;
	v6 =	vadd.f32 v7, v6  }
0x26f: {  	v7 =	vld [tilespmem:s31+$0x0]  }
0x270: {  	s30 =	sor.u32 s26, s30;
	v6 =	vadd.f32 v9, v6  }
0x271: {  	v9 =	vld [tilespmem:s30+$0x0];
	s30 =	sadd.s32 $0x9080, s19  }
0x272: {  	v6 =	vadd.f32 v8, v6;
	s19 =	sor.u32 s23, s30  }
0x273: {  	v8 =	vld [tilespmem:s19+$0x0]  }
.Ltmp14:
0x274: {  	s19 =	sor.u32 s28, s30;
	v6 =	vadd.f32 v7, v6;
	(pc) =	sbr.rel @p2 .LBB2_26-.Ltmp14, $4  }
0x275: {  	v7 =	vld [tilespmem:s19+$0x0]  }
0x276: {  	s19 =	sor.u32 s29, s30;
	v9 =	vadd.f32 v9, v6  }
0x277: {  	s20 =	sadd.s32 $0x200, s20;
	v6 =	vld [tilespmem:s19+$0x0]  }
0x278: {  	s22 =	sadd.s32 $0x40, s22;
	s26 =	sor.u32 s26, s30;
	s19 =	sand.u32 $0x7C00, s20;
	v8 =	vadd.f32 v8, v9  }
0x279: {  	s20 =	sand.u32 $0x40, s21;
	s31 =	sadd.s32 $0x8F00, s19;
	v9 =	vld [tilespmem:s26+$0x0]  }
0x27a: {  	s22 =	sor.u32 s20, s31;
	v7 =	vadd.f32 v7, v8  }
0x27b: {  	v55 =	vld [tilespmem:s22+$0x0];
	s22 =	sor.u32 $0x10, s20  }
0x27c: {  	s23 =	sor.u32 s22, s31;
	v6 =	vadd.f32 v6, v7  }
0x27d: {  	v7 =	vld [tilespmem:s23+$0x0];
	s23 =	sor.u32 $0x20, s20  }
0x27e: {  	s28 =	sor.u32 s23, s31;
	v6 =	vadd.f32 v9, v6  }
0x27f: {  	s26 =	sor.u32 $0x30, s20;
	v56 =	vld [tilespmem:s28+$0x0]  }
0x280: {  	s21 =	sor.u32 s26, s31;
	v6 =	vadd.f32 v55, v6  }
0x281: {  	s29 =	sadd.s32 $0x8F80, s19;
	v57 =	vld [tilespmem:s21+$0x0]  }
0x282: {  	s28 =	sor.u32 s20, s29;
	v6 =	vadd.f32 v7, v6  }
0x283: {  	v7 =	vld [tilespmem:s28+$0x0]  }
0x284: {  	s30 =	sor.u32 s22, s29;
	v6 =	vadd.f32 v56, v6  }
0x285: {  	v58 =	vld [tilespmem:s30+$0x0]  }
0x286: {  	s31 =	sor.u32 s23, s29;
	v6 =	vadd.f32 v57, v6  }
0x287: {  	v59 =	vld [tilespmem:s31+$0x0]  }
0x288: {  	s21 =	sor.u32 s26, s29;
	v6 =	vadd.f32 v7, v6  }
0x289: {  	v7 =	vld [tilespmem:s21+$0x0];
	s21 =	sadd.s32 $0x9000, s19  }
0x28a: {  	s29 =	sor.u32 s20, s21;
	v6 =	vadd.f32 v58, v6  }
0x28b: {  	v60 =	vld [tilespmem:s29+$0x0]  }
0x28c: {  	s30 =	sor.u32 s22, s21;
	v6 =	vadd.f32 v59, v6  }
0x28d: {  	v61 =	vld [tilespmem:s30+$0x0]  }
0x28e: {  	s31 =	sor.u32 s23, s21;
	v6 =	vadd.f32 v7, v6  }
0x28f: {  	v7 =	vld [tilespmem:s31+$0x0]  }
0x290: {  	s21 =	sor.u32 s26, s21;
	v6 =	vadd.f32 v60, v6  }
0x291: {  	(v2sf) =	vpush v5, $0x0;
	s28 =	sadd.s32 $0x9080, s19;
	v62 =	vld [tilespmem:s21+$0x0]  }
0x292: {  	s20 =	sor.u32 s20, s28;
	v5 =	vadd.f32 v61, v6  }
0x293: {  	v6 =	vld [tilespmem:s20+$0x0]  }
0x294: {  	s29 =	sor.u32 s22, s28;
	v5 =	vadd.f32 v7, v5  }
0x295: {  	v7 =	vld [tilespmem:s29+$0x0]  }
0x296: {  	s30 =	sor.u32 s23, s28;
	v5 =	vadd.f32 v62, v5  }
0x297: {  	v63 =	vld [tilespmem:s30+$0x0]  }
0x298: {  	s19 =	sor.u32 s26, s28;
	v5 =	vadd.f32 v6, v5  }
0x299: {  	v6 =	vld [tilespmem:s19+$0x0]  }
0x29a: {  	v5 =	vadd.f32 v7, v5;
	_ =	sdelay $0x1  }
0x29b: {  	v5 =	vadd.f32 v63, v5;
	_ =	sdelay $0x1  }
0x29c: {  	v5 =	vadd.f32 v6, v5;
	_ =	sdelay $0x1  }
0x29d: {  	s31 =	simm.s32 $0x2;
	s20 =	spop (v2sf);
	[tilespmem:$0x10D00] =	vst v5  }
0x29e: {  	_ =	swait.ge [sflag:s31], $0x80  }
0x29f: {  	[sflag:s31] =	ssyncset.done $0x0  }
0x2a0: {  	[sflag:s31] =	ssyncadd.s32 $0xFFFFFF80  }
0x2a1: {  	_ =	swait.ge [sflag:s0], $0x4000  }
0x2a2: {  	[sflag:s0] =	ssyncset.done $0x0  }
0x2a3: {  	[sflag:s0] =	ssyncadd.s32 $0xFFFFC000  }
0x2a4: {  	_ =	swait.ge [sflag:s0], $0x4000  }
0x2a5: {  	[sflag:s0] =	ssyncset.done $0x0  }
0x2a6: {  	[sflag:s0] =	ssyncadd.s32 $0xFFFFC000  }
0x2a7: {  	_ =	swait.ge [sflag:s0], $0x4000  }
0x2a8: {  	[sflag:s0] =	ssyncset.done $0x0  }
0x2a9: {  	[sflag:s0] =	ssyncadd.s32 $0xFFFFC000  }
0x2aa: {  	_ =	swait.ge [sflag:s0], $0x4000  }
0x2ab: {  	[sflag:s0] =	ssyncset.done $0x0  }
0x2ac: {  	[sflag:s0] =	ssyncadd.s32 $0xFFFFC000  }
0x2ad: {  	[bflag:$0x0] =	sbarrier.arrive $0xFFFF  }
0x2ae: {  	s19 =	sld [smem:$0x0];
	_ =	sdelay $0x1  }
0x2af: {  	p2 =	sgt.s32 s20, $0x200  }
0x2b0: {  	p3 =	seq.s32 @!p2 s19, $0x4000  }
0x2b1: {  	p3 =	por p2, !p3  }
.Ltmp15:
0x2b2: {  	_ = 	snop;
	(pc) =	sbr.rel @!p3 .LBB2_53-.Ltmp15, $1  }
0x2b3: {  	_ =	sdelay $0x3  }
0x2b4: {  	s1 =	rddreg [dreg:$0x5];
	s2 =	simm.s32 $0x10D80  }
0x2b5: {  	[tilespmem:s2], [sflag:$0x19] =	stream.linear.gather [spmem:s1], $0x800, $0x38;
	[tilespmem:$0x115B8] =	vst v63  }
0x2b6: {  	_ =	swait.ge [sflag:s25], $0x800  }
0x2b7: {  	[sflag:s25] =	ssyncset.done $0x0  }
0x2b8: {  	[sflag:s25] =	ssyncadd.s32 $0xFFFFF800  }
0x2b9: {  	v11 =	vld [tilespmem:$0x10D80]  }
0x2ba: {  	v12 =	vld [tilespmem:$0x10E00]  }
0x2bb: {  	v13 =	vld [tilespmem:$0x10E80]  }
0x2bc: {  	v14 =	vld [tilespmem:$0x10F00]  }
0x2bd: {  	v15 =	vld [tilespmem:$0x10F80]  }
0x2be: {  	v16 =	vld [tilespmem:$0x11000]  }
0x2bf: {  	v17 =	vld [tilespmem:$0x11080]  }
0x2c0: {  	v18 =	vld [tilespmem:$0x11100]  }
0x2c1: {  	v19 =	vld [tilespmem:$0x11180]  }
0x2c2: {  	v20 =	vld [tilespmem:$0x11200]  }
0x2c3: {  	v21 =	vld [tilespmem:$0x11280]  }
0x2c4: {  	v10 =	vld [tilespmem:$0x11300]  }
0x2c5: {  	v9 =	vld [tilespmem:$0x11380]  }
0x2c6: {  	s21 =	smov.u32 s20;
	v8 =	vld [tilespmem:$0x11400]  }
0x2c7: {  	s21 =	simm.s32 @!p2 $0x200;
	s26 =	rddreg [dreg:$0x8];
	v7 =	vld [tilespmem:$0x11480]  }
0x2c8: {  	s23 =	simm.s32 $0x40;
	s22 =	simm.s32 $0x0;
	s21 =	smin.u32 s21, $0x4000;
	v5 =	vor.u32 s26, v0;
	v6 =	vld [tilespmem:$0x11500]  }
.LBB2_29:
0x2c9: {  	p2 =	sne.s32 s23, $0xFC0  }
0x2ca: {  	[tilespmem:s22+$0x480] =	vst v5;
	s26 =	sadd.s32 $0x10, s26;
	s22 =	smov.u32 s23;
	s23 =	sadd.s32 $0x40, s23  }
.Ltmp16:
0x2cb: {  	(pc) =	sbr.rel @p2 .LBB2_29-.Ltmp16, $2  }
0x2cc: {  	_ =	sdelay $0x2  }
0x2cd: {  	v5 =	vor.u32 s26, v0;
	s22 =	sshra.s32 s22, $0x2  }
0x2ce: {  	(v2sf) =	vpush v11, $0x0  }
0x2cf: {  	(v2sf) =	vpush v12, $0x0  }
0x2d0: {  	(v2sf) =	vpush v13, $0x0  }
0x2d1: {  	(v2sf) =	vpush v14, $0x0  }
0x2d2: {  	(v2sf) =	vpush v15, $0x0  }
0x2d3: {  	(v2sf) =	vpush v16, $0x0  }
0x2d4: {  	(v2sf) =	vpush v17, $0x0;
	_ =	sdelay $0x2  }
0x2d5: {  	(v2sf) =	vpush v18, $0x0;
	_ =	sdelay $0x2  }
0x2d6: {  	(v2sf) =	vpush v19, $0x0;
	_ =	sdelay $0x1  }
0x2d7: {  	s24 =	sld [smem:$0x7FD]  }
0x2d8: {  	s23 =	spop (v2sf)  }
0x2d9: {  	s2 =	stileid.u32;
	s26 =	spop (v2sf)  }
0x2da: {  	p2 =	seq.s32 s2, $0x0;
	p3 =	seq.s32 s24, $0x1;
	s1 =	spop (v2sf)  }
0x2db: {  	s24 =	sld [smem:$0x7FC];
	s31 =	smov.u32 s26;
	s3 =	spop (v2sf)  }
0x2dc: {  	s28 =	smov.u32 s1;
	s31 =	simm.s32 @!p2 $0x0;
	s18 =	spop (v2sf)  }
0x2dd: {  	s28 =	simm.s32 @!p1 $0x0;
	s29 =	smov.u32 s3;
	s2 =	spop (v2sf)  }
0x2de: {  	(v2sf) =	vpush v20, $0x0;
	s29 =	simm.s32 @!p6 $0x0;
	s30 =	smov.u32 s18;
	s8 =	spop (v2sf)  }
0x2df: {  	s28 =	sadd.s32 s31, s28;
	s30 =	simm.s32 @!p5 $0x0;
	s31 =	smov.u32 s8  }
0x2e0: {  	(v2sf) =	vpush v21, $0x0;
	s31 =	simm.s32 @!p3 $0x0;
	p3 =	seq.s32 s24, $0x1;
	s24 =	sld [smem:$0x7FB]  }
0x2e1: {  	s4 =	smov.u32 s2;
	s28 =	sadd.s32 s29, s28;
	s14 =	spop (v2sf)  }
0x2e2: {  	s4 =	simm.s32 @!p4 $0x0;
	s28 =	sadd.s32 s30, s28;
	s29 =	smov.u32 s14  }
0x2e3: {  	s29 =	simm.s32 @!p3 $0x0;
	p3 =	seq.s32 s24, $0x1;
	s24 =	sld [smem:$0x7FA]  }
0x2e4: {  	s30 =	spop (v2sf);
	s4 =	sadd.s32 s4, s28  }
0x2e5: {  	s4 =	sadd.s32 s31, s4;
	s31 =	smov.u32 s30  }
0x2e6: {  	s31 =	simm.s32 @!p3 $0x0;
	p3 =	seq.s32 s24, $0x1;
	s24 =	sld [smem:$0x7F4]  }
0x2e7: {  	_ = 	snop  }
0x2e8: {  	(v2sf) =	vpush v10, $0x0  }
0x2e9: {  	s23 =	simm.s32 @!p2 $0x0;
	p2 =	seq.s32 s24, $0x1  }
0x2ea: {  	s26 =	simm.s32 @!p2 $0x0  }
0x2eb: {  	s23 =	sadd.s32 s23, s26;
	s26 =	sld [smem:$0x7F9];
	_ =	sdelay $0x1  }
0x2ec: {  	(v2sf) =	vpush v9, $0x0;
	s28 =	spop (v2sf);
	s4 =	sadd.s32 s29, s4  }
0x2ed: {  	s29 =	smov.u32 s28;
	p2 =	seq.s32 s26, $0x1;
	s26 =	sld [smem:$0x7F3]  }
0x2ee: {  	s4 =	sadd.s32 s31, s4;
	s31 =	spop (v2sf);
	s29 =	simm.s32 @!p3 $0x0  }
0x2ef: {  	s4 =	sadd.s32 s29, s4;
	s29 =	smov.u32 s31  }
0x2f0: {  	s29 =	simm.s32 @!p2 $0x0;
	p2 =	seq.s32 s26, $0x1;
	s26 =	sld [smem:$0x7F2]  }
0x2f1: {  	s4 =	sadd.s32 s29, s4;
	s29 =	sld [smem:$0x7F1]  }
0x2f2: {  	s1 =	simm.s32 @!p2 $0x0  }
0x2f3: {  	s1 =	sadd.s32 s1, s23;
	p2 =	seq.s32 s26, $0x1;
	s26 =	sld [smem:$0x7F0]  }
0x2f4: {  	s3 =	simm.s32 @!p2 $0x0;
	p2 =	seq.s32 s29, $0x1;
	s29 =	sld [smem:$0x7F8]  }
0x2f5: {  	(v2sf) =	vpush v8, $0x0;
	s24 =	sld [smem:$0x7EF];
	s18 =	simm.s32 @!p2 $0x0;
	s1 =	sadd.s32 s3, s1  }
0x2f6: {  	(v2sf) =	vpush v7, $0x0;
	s23 =	spop (v2sf);
	s1 =	sadd.s32 s18, s1;
	p2 =	seq.s32 s26, $0x1  }
0x2f7: {  	(v2sf) =	vpush v6, $0x0;
	s18 =	smov.u32 s23;
	s2 =	simm.s32 @!p2 $0x0;
	p2 =	seq.s32 s29, $0x1  }
0x2f8: {  	s29 =	sld [smem:$0x7EE];
	s18 =	simm.s32 @!p2 $0x0  }
0x2f9: {  	s26 =	sadd.s32 s18, s4;
	s18 =	sld [smem:$0x7F7]  }
0x2fa: {  	p2 =	seq.s32 s24, $0x1  }
0x2fb: {  	s3 =	spop (v2sf);
	s8 =	simm.s32 @!p2 $0x0;
	p2 =	seq.s32 s29, $0x1  }
0x2fc: {  	s4 =	smov.u32 s3;
	s14 =	simm.s32 @!p2 $0x0;
	p2 =	seq.s32 s18, $0x1  }
0x2fd: {  	s24 =	sld [smem:$0x7ED];
	s4 =	simm.s32 @!p2 $0x0  }
0x2fe: {  	s1 =	sadd.s32 s2, s1;
	s2 =	sadd.s32 s4, s26;
	s26 =	sld [smem:$0x7EC]  }
0x2ff: {  	s29 =	sld [smem:$0x7EB]  }
0x300: {  	s1 =	sadd.s32 s8, s1;
	p2 =	seq.s32 s24, $0x1  }
0x301: {  	s1 =	sadd.s32 s14, s1;
	s30 =	simm.s32 @!p2 $0x0;
	p2 =	seq.s32 s26, $0x1  }
0x302: {  	s1 =	sadd.s32 s30, s1;
	s28 =	simm.s32 @!p2 $0x0;
	p2 =	seq.s32 s29, $0x1  }
0x303: {  	s30 =	sld [smem:$0x7EA];
	s31 =	simm.s32 @!p2 $0x0;
	s1 =	sadd.s32 s28, s1  }
0x304: {  	s4 =	spop (v2sf);
	s1 =	sadd.s32 s31, s1;
	s31 =	sld [smem:$0x7E9]  }
0x305: {  	s24 =	sld [smem:$0x7F6];
	s8 =	spop (v2sf);
	s18 =	smov.u32 s4  }
0x306: {  	s14 =	spop (v2sf);
	s26 =	sld [smem:$0x7E8];
	p2 =	seq.s32 s30, $0x1  }
0x307: {  	s29 =	sld [smem:$0x7E7];
	s23 =	simm.s32 @!p2 $0x0;
	p2 =	seq.s32 s31, $0x1  }
0x308: {  	s30 =	sld [smem:$0x7F5];
	s3 =	simm.s32 @!p2 $0x0;
	p2 =	seq.s32 s24, $0x1  }
0x309: {  	s1 =	sadd.s32 s23, s1;
	s18 =	simm.s32 @!p2 $0x0;
	p2 =	seq.s32 s26, $0x1  }
0x30a: {  	s1 =	sadd.s32 s3, s1;
	s3 =	smov.u32 s8;
	s4 =	simm.s32 @!p2 $0x0  }
0x30b: {  	s2 =	sadd.s32 s18, s2;
	p2 =	seq.s32 s29, $0x1;
	s1 =	sadd.s32 s4, s1  }
0x30c: {  	s4 =	smov.u32 s14;
	s8 =	simm.s32 @!p2 $0x0;
	p2 =	seq.s32 s30, $0x1  }
0x30d: {  	s14 =	simm.s32 @!p0 $0x0;
	s1 =	sadd.s32 s8, s1;
	s3 =	simm.s32 @!p2 $0x0  }
0x30e: {  	s4 =	simm.s32 @p0 $0x0;
	s2 =	sadd.s32 s3, s2;
	s23 =	sadd.s32 s14, s1  }
0x30f: {  	s26 =	sadd.s32 s4, s2;
	p2 =	sne.s32 s23, $0x400  }
0x310: {  	s31 =	rddreg [dreg:$0x8];
	p3 =	sne.s32 @!p2 s26, $0x0  }
0x311: {  	s28 =	sadd.s32 s31, s26;
	p2 =	por p2, p3  }
0x312: {  	p3 =	sne.s32 @!p2 s28, $0x3C00  }
0x313: {  	p2 =	por p2, p3  }
0x314: {  	p3 =	sgt.s32 @!p2 s20, $0x200  }
0x315: {  	p2 =	por p2, p3  }
.Ltmp17:
0x316: {  	_ = 	snop;
	(pc) =	sbr.rel @p2 .LBB2_32-.Ltmp17, $2  }
0x317: {  	_ =	sdelay $0x2  }
0x318: {  	[tilespmem:s22+$0x480] =	vst v5  }
0x319: {  	s1 =	rddreg [dreg:$0x6];
	s2 =	simm.s32 $0x680  }
0x31a: {  	[spmem:s1] =	stream.linear.scatter [tilespmem:s2], [sflag:$0x19], $0x200, $0x38;
	[tilespmem:$0x115B8] =	vst v63  }
0x31b: {  	_ =	swait.ge [sflag:s25], $0x200  }
0x31c: {  	[sflag:s25] =	ssyncset.done $0x0  }
0x31d: {  	[sflag:s25] =	ssyncadd.s32 $0xFFFFFE00  }
.LBB2_36:
0x31e: {  	[bflag:$0x0] =	sbarrier.arrive $0xFFFF  }
0x31f: {  	s2 =	simm.s32 $0xC80;
	s1 =	rddreg [dreg:$0xb]  }
0x320: {  	[tilespmem:s2], [sflag:$0x19] =	stream.linear.gather [spmem:s1], $0x10, $0x38;
	[tilespmem:$0x115B8] =	vst v63  }
0x321: {  	_ =	swait.ge [sflag:s25], $0x10  }
0x322: {  	[sflag:s25] =	ssyncset.done $0x0  }
0x323: {  	[sflag:s25] =	ssyncadd.s32 $0xFFFFFFF0  }
0x324: {  	v5 =	vld.msk [tilespmem:$0xC80], $0xff;
	_ =	sdelay $0x4  }
0x325: {  	v6 =	vshll.u32 v5, $0x5  }
0x326: {  	v5 =	vand.u32 $0x7, v5;
	v6 =	vand.u32 $0xFFFFFF00, v6  }
0x327: {  	v5 =	vor.u32 v5, v6  }
0x328: {  	v5 =	vperm.xlane v5, v2;
	_ =	sdelay $0x1  }
0x329: {  	v5 =	vadd.s32 v3, v5;
	_ =	sdelay $0x3  }
0x32a: {  	s19 =	simm.s32 $0x0;
	s20 =	simm.s32 $0xD00;
	s1 =	rddreg [dreg:$0x0]  }
0x32b: {  	[tilespmem:s20], [sflag:$0x3] =	stream.indirect_vreg.gather [hbm4b:s1+s19], $0x80, v5, vm0, $0xb8;
	[tilespmem:$0x115B8] =	vst v63  }
0x32c: {  	s3 =	simm.s32 $0x1500;
	s2 =	rddreg [dreg:$0xc]  }
0x32d: {  	[tilespmem:s3], [sflag:$0x3] =	stream.indirect_vreg.gather [hbm4b:s2+s19], $0x80, v5, vm0, $0xb8;
	[tilespmem:$0x115B8] =	vst v63  }
0x32e: {  	s4 =	simm.s32 $0x1D00;
	s3 =	rddreg [dreg:$0xd]  }
0x32f: {  	[tilespmem:s4], [sflag:$0x3] =	stream.indirect_vreg.gather [hbm4b:s3+s19], $0x80, v5, vm0, $0xb8;
	[tilespmem:$0x115B8] =	vst v63  }
0x330: {  	s8 =	simm.s32 $0x2500;
	s4 =	rddreg [dreg:$0xe]  }
0x331: {  	[tilespmem:s8], [sflag:$0x3] =	stream.indirect_vreg.gather [hbm4b:s4+s19], $0x80, v5, vm0, $0xb8;
	[tilespmem:$0x115B8] =	vst v63  }
0x332: {  	s14 =	simm.s32 $0x2D00;
	s8 =	rddreg [dreg:$0xf]  }
0x333: {  	[tilespmem:s14], [sflag:$0x3] =	stream.indirect_vreg.gather [hbm4b:s8+s19], $0x80, v5, vm0, $0xb8;
	[tilespmem:$0x115B8] =	vst v63  }
0x334: {  	s18 =	simm.s32 $0x3500;
	s14 =	rddreg [dreg:$0x10]  }
0x335: {  	[tilespmem:s18], [sflag:$0x3] =	stream.indirect_vreg.gather [hbm4b:s14+s19], $0x80, v5, vm0, $0xb8;
	[tilespmem:$0x115B8] =	vst v63  }
0x336: {  	s21 =	simm.s32 $0x3D00;
	s18 =	rddreg [dreg:$0x13]  }
0x337: {  	[tilespmem:s21], [sflag:$0x3] =	stream.indirect_vreg.gather [hbm4b:s18+s19], $0x80, v5, vm0, $0xb8;
	[tilespmem:$0x115B8] =	vst v63  }
0x338: {  	s22 =	simm.s32 $0x4500;
	s21 =	rddreg [dreg:$0x14]  }
0x339: {  	[tilespmem:s22], [sflag:$0x3] =	stream.indirect_vreg.gather [hbm4b:s21+s19], $0x80, v5, vm0, $0xb8;
	[tilespmem:$0x115B8] =	vst v63  }
0x33a: {  	s23 =	simm.s32 $0x4D00;
	s22 =	rddreg [dreg:$0x15]  }
0x33b: {  	[tilespmem:s23], [sflag:$0x3] =	stream.indirect_vreg.gather [hbm4b:s22+s19], $0x80, v5, vm0, $0xb8;
	[tilespmem:$0x115B8] =	vst v63  }
0x33c: {  	s24 =	simm.s32 $0x5500;
	s23 =	rddreg [dreg:$0x16]  }
0x33d: {  	[tilespmem:s24], [sflag:$0x3] =	stream.indirect_vreg.gather [hbm4b:s23+s19], $0x80, v5, vm0, $0xb8;
	[tilespmem:$0x115B8] =	vst v63  }
0x33e: {  	s28 =	simm.s32 $0x5D00;
	s26 =	rddreg [dreg:$0x17]  }
0x33f: {  	[tilespmem:s28], [sflag:$0x3] =	stream.indirect_vreg.gather [hbm4b:s26+s19], $0x80, v5, vm0, $0xb8;
	[tilespmem:$0x115B8] =	vst v63  }
0x340: {  	s29 =	simm.s32 $0x6500;
	s28 =	rddreg [dreg:$0x18]  }
0x341: {  	[tilespmem:s29], [sflag:$0x3] =	stream.indirect_vreg.gather [hbm4b:s28+s19], $0x80, v5, vm0, $0xb8;
	[tilespmem:$0x115B8] =	vst v63  }
0x342: {  	s30 =	simm.s32 $0x6D00;
	s29 =	rddreg [dreg:$0x19]  }
0x343: {  	[tilespmem:s30], [sflag:$0x3] =	stream.indirect_vreg.gather [hbm4b:s29+s19], $0x80, v5, vm0, $0xb8;
	[tilespmem:$0x115B8] =	vst v63  }
0x344: {  	s31 =	simm.s32 $0x7500;
	s30 =	rddreg [dreg:$0x1a]  }
0x345: {  	[tilespmem:s31], [sflag:$0x3] =	stream.indirect_vreg.gather [hbm4b:s30+s19], $0x80, v5, vm0, $0xb8;
	[tilespmem:$0x115B8] =	vst v63  }
0x346: {  	s25 =	simm.s32 $0x7D00;
	s31 =	rddreg [dreg:$0x1b]  }
0x347: {  	[tilespmem:s25], [sflag:$0x3] =	stream.indirect_vreg.gather [hbm4b:s31+s19], $0x80, v5, vm0, $0xb8;
	[tilespmem:$0x115B8] =	vst v63  }
0x348: {  	s24 =	rddreg [dreg:$0x1c];
	s25 =	simm.s32 $0x8500  }
0x349: {  	[tilespmem:s25], [sflag:$0x3] =	stream.indirect_vreg.gather [hbm4b:s24+s19], $0x80, v5, vm0, $0xb8;
	[tilespmem:$0x115B8] =	vst v63  }
0x34a: {  	v5 =	vld.msk [tilespmem:$0xC88], $0xff;
	_ =	sdelay $0x4  }
0x34b: {  	v6 =	vshll.u32 v5, $0x5  }
0x34c: {  	v5 =	vand.u32 $0x7, v5;
	v6 =	vand.u32 $0xFFFFFF00, v6  }
0x34d: {  	v5 =	vor.u32 v5, v6  }
0x34e: {  	v5 =	vperm.xlane v5, v2;
	_ =	sdelay $0x1  }
0x34f: {  	v5 =	vadd.s32 v3, v5;
	_ =	sdelay $0x3  }
0x350: {  	s25 =	simm.s32 $0x8D00  }
0x351: {  	[tilespmem:s25], [sflag:$0x4] =	stream.indirect_vreg.gather [hbm4b:s1+s19], $0x80, v5, vm0, $0xb8;
	[tilespmem:$0x115B8] =	vst v63  }
0x352: {  	s25 =	simm.s32 $0x9500  }
0x353: {  	[tilespmem:s25], [sflag:$0x4] =	stream.indirect_vreg.gather [hbm4b:s2+s19], $0x80, v5, vm0, $0xb8;
	[tilespmem:$0x115B8] =	vst v63  }
0x354: {  	s25 =	simm.s32 $0x9D00  }
0x355: {  	[tilespmem:s25], [sflag:$0x4] =	stream.indirect_vreg.gather [hbm4b:s3+s19], $0x80, v5, vm0, $0xb8;
	[tilespmem:$0x115B8] =	vst v63  }
0x356: {  	s2 =	simm.s32 $0xA500  }
0x357: {  	[tilespmem:s2], [sflag:$0x4] =	stream.indirect_vreg.gather [hbm4b:s4+s19], $0x80, v5, vm0, $0xb8;
	[tilespmem:$0x115B8] =	vst v63  }
0x358: {  	s3 =	simm.s32 $0xAD00  }
0x359: {  	[tilespmem:s3], [sflag:$0x4] =	stream.indirect_vreg.gather [hbm4b:s8+s19], $0x80, v5, vm0, $0xb8;
	[tilespmem:$0x115B8] =	vst v63  }
0x35a: {  	s4 =	simm.s32 $0xB500  }
0x35b: {  	[tilespmem:s4], [sflag:$0x4] =	stream.indirect_vreg.gather [hbm4b:s14+s19], $0x80, v5, vm0, $0xb8;
	[tilespmem:$0x115B8] =	vst v63  }
0x35c: {  	s8 =	simm.s32 $0xBD00  }
0x35d: {  	[tilespmem:s8], [sflag:$0x4] =	stream.indirect_vreg.gather [hbm4b:s18+s19], $0x80, v5, vm0, $0xb8;
	[tilespmem:$0x115B8] =	vst v63  }
0x35e: {  	s14 =	simm.s32 $0xC500  }
0x35f: {  	[tilespmem:s14], [sflag:$0x4] =	stream.indirect_vreg.gather [hbm4b:s21+s19], $0x80, v5, vm0, $0xb8;
	[tilespmem:$0x115B8] =	vst v63  }
0x360: {  	s18 =	simm.s32 $0xCD00  }
0x361: {  	[tilespmem:s18], [sflag:$0x4] =	stream.indirect_vreg.gather [hbm4b:s22+s19], $0x80, v5, vm0, $0xb8;
	[tilespmem:$0x115B8] =	vst v63  }
0x362: {  	s21 =	simm.s32 $0xD500  }
0x363: {  	[tilespmem:s21], [sflag:$0x4] =	stream.indirect_vreg.gather [hbm4b:s23+s19], $0x80, v5, vm0, $0xb8;
	[tilespmem:$0x115B8] =	vst v63  }
0x364: {  	s22 =	simm.s32 $0xDD00  }
0x365: {  	[tilespmem:s22], [sflag:$0x4] =	stream.indirect_vreg.gather [hbm4b:s26+s19], $0x80, v5, vm0, $0xb8;
	[tilespmem:$0x115B8] =	vst v63  }
0x366: {  	s23 =	simm.s32 $0xE500  }
0x367: {  	[tilespmem:s23], [sflag:$0x4] =	stream.indirect_vreg.gather [hbm4b:s28+s19], $0x80, v5, vm0, $0xb8;
	[tilespmem:$0x115B8] =	vst v63  }
0x368: {  	s25 =	simm.s32 $0xED00  }
0x369: {  	[tilespmem:s25], [sflag:$0x4] =	stream.indirect_vreg.gather [hbm4b:s29+s19], $0x80, v5, vm0, $0xb8;
	[tilespmem:$0x115B8] =	vst v63  }
0x36a: {  	s26 =	simm.s32 $0xF500  }
0x36b: {  	[tilespmem:s26], [sflag:$0x4] =	stream.indirect_vreg.gather [hbm4b:s30+s19], $0x80, v5, vm0, $0xb8;
	[tilespmem:$0x115B8] =	vst v63  }
0x36c: {  	s28 =	simm.s32 $0xFD00  }
0x36d: {  	[tilespmem:s28], [sflag:$0x4] =	stream.indirect_vreg.gather [hbm4b:s31+s19], $0x80, v5, vm0, $0xb8;
	[tilespmem:$0x115B8] =	vst v63  }
0x36e: {  	s29 =	simm.s32 $0x10500;
	s30 =	simm.s32 $0x3  }
0x36f: {  	[tilespmem:s29], [sflag:$0x4] =	stream.indirect_vreg.gather [hbm4b:s24+s19], $0x80, v5, vm0, $0xb8;
	[tilespmem:$0x115B8] =	vst v63  }
0x370: {  	_ =	swait.ge [sflag:s30], $0x8000  }
0x371: {  	[sflag:s30] =	ssyncset.done $0x0  }
0x372: {  	s31 =	simm.s32 $0x4;
	[sflag:s30] =	ssyncadd.s32 $0xFFFF8000  }
0x373: {  	_ =	swait.ge [sflag:s31], $0x8000  }
0x374: {  	[sflag:s31] =	ssyncset.done $0x0  }
0x375: {  	s21 =	simm.s32 $0x0;
	[sflag:s31] =	ssyncadd.s32 $0xFFFF8000  }
.LBB2_37:
0x376: {  	p2 =	sne.s32 s21, $0xF80  }
.Ltmp18:
0x377: {  	_ = 	snop;
	(pc) =	sbr.rel @p2 .LBB2_37-.Ltmp18, $4  }
0x378: {  	_ = 	snop  }
0x379: {  	s1 =	sadd.s32 s21, s12  }
0x37a: {  	[hbm4b:s1+s19] =	stream.linear.scatter [tilespmem:s20], [sflag:$0x7], $0x200, $0x38;
	[tilespmem:$0x115B8] =	vst v63  }
0x37b: {  	s21 =	sadd.s32 $0x80, s21;
	s20 =	sadd.s32 $0x400, s20  }
0x37c: {  	s1 =	sand.u32 $0x40, s19;
	s2 =	sand.u32 $0x7C00, s19  }
0x37d: {  	s1 =	sor.u32 s1, s2  }
0x37e: {  	v5 =	vld [tilespmem:s1+$0xD00];
	_ =	sdelay $0x1  }
0x37f: {  	v6 =	vld [tilespmem:s1+$0xD10];
	_ =	sdelay $0x1  }
0x380: {  	v7 =	vimm.f32 $0.0e+00;
	v8 =	vld [tilespmem:s1+$0xD20]  }
0x381: {  	v5 =	vadd.f32 v5, v7  }
0x382: {  	v7 =	vld [tilespmem:s1+$0xD30]  }
0x383: {  	v5 =	vadd.f32 v6, v5  }
0x384: {  	v6 =	vld [tilespmem:s1+$0xD80]  }
0x385: {  	v5 =	vadd.f32 v8, v5  }
0x386: {  	v8 =	vld [tilespmem:s1+$0xD90]  }
0x387: {  	v5 =	vadd.f32 v7, v5  }
0x388: {  	v7 =	vld [tilespmem:s1+$0xDA0]  }
0x389: {  	v5 =	vadd.f32 v6, v5  }
0x38a: {  	v6 =	vld [tilespmem:s1+$0xDB0]  }
0x38b: {  	v5 =	vadd.f32 v8, v5  }
0x38c: {  	v8 =	vld [tilespmem:s1+$0xE00]  }
0x38d: {  	v5 =	vadd.f32 v7, v5  }
0x38e: {  	v7 =	vld [tilespmem:s1+$0xE10]  }
0x38f: {  	v5 =	vadd.f32 v6, v5  }
0x390: {  	v6 =	vld [tilespmem:s1+$0xE20]  }
0x391: {  	v5 =	vadd.f32 v8, v5  }
0x392: {  	v8 =	vld [tilespmem:s1+$0xE30]  }
0x393: {  	v5 =	vadd.f32 v7, v5  }
0x394: {  	v7 =	vld [tilespmem:s1+$0xE80]  }
0x395: {  	v6 =	vadd.f32 v6, v5  }
0x396: {  	v5 =	vld [tilespmem:s1+$0xE90]  }
0x397: {  	v8 =	vadd.f32 v8, v6  }
0x398: {  	v6 =	vld [tilespmem:s1+$0xEA0]  }
0x399: {  	s31 =	simm.s32 $0x40;
	s19 =	simm.s32 $0x200;
	v8 =	vadd.f32 v7, v8  }
0x39a: {  	s20 =	simm.s32 $0x80;
	s22 =	sand.u32 $0x40, s31;
	s23 =	sand.u32 $0x7C00, s19;
	v7 =	vld [tilespmem:s1+$0xEB0]  }
.LBB2_39:
0x39b: {  	p2 =	sne.s32 s20, $0xFC0;
	s21 =	sor.u32 s22, s23;
	v5 =	vadd.f32 v5, v8  }
0x39c: {  	v8 =	vld [tilespmem:s21+$0xD00]  }
0x39d: {  	v5 =	vadd.f32 v6, v5  }
0x39e: {  	v6 =	vld [tilespmem:s21+$0xD10]  }
0x39f: {  	v5 =	vadd.f32 v7, v5  }
0x3a0: {  	v7 =	vld [tilespmem:s21+$0xD20]  }
0x3a1: {  	v5 =	vadd.f32 v8, v5  }
0x3a2: {  	v8 =	vld [tilespmem:s21+$0xD30]  }
0x3a3: {  	v5 =	vadd.f32 v6, v5  }
0x3a4: {  	v6 =	vld [tilespmem:s21+$0xD80]  }
0x3a5: {  	v5 =	vadd.f32 v7, v5  }
0x3a6: {  	v7 =	vld [tilespmem:s21+$0xD90]  }
0x3a7: {  	v5 =	vadd.f32 v8, v5  }
0x3a8: {  	v8 =	vld [tilespmem:s21+$0xDA0]  }
0x3a9: {  	v5 =	vadd.f32 v6, v5  }
0x3aa: {  	v6 =	vld [tilespmem:s21+$0xDB0]  }
0x3ab: {  	v5 =	vadd.f32 v7, v5  }
0x3ac: {  	v7 =	vld [tilespmem:s21+$0xE00]  }
0x3ad: {  	v5 =	vadd.f32 v8, v5  }
0x3ae: {  	v8 =	vld [tilespmem:s21+$0xE10]  }
0x3af: {  	v5 =	vadd.f32 v6, v5  }
0x3b0: {  	v6 =	vld [tilespmem:s21+$0xE20]  }
0x3b1: {  	v5 =	vadd.f32 v7, v5  }
0x3b2: {  	v7 =	vld [tilespmem:s21+$0xE30]  }
0x3b3: {  	v5 =	vadd.f32 v8, v5  }
0x3b4: {  	v8 =	vld [tilespmem:s21+$0xE80]  }
0x3b5: {  	v6 =	vadd.f32 v6, v5  }
.Ltmp19:
0x3b6: {  	v5 =	vld [tilespmem:s21+$0xE90];
	(pc) =	sbr.rel @p2 .LBB2_39-.Ltmp19, $4  }
0x3b7: {  	v7 =	vadd.f32 v7, v6  }
0x3b8: {  	v6 =	vld [tilespmem:s21+$0xEA0]  }
0x3b9: {  	s19 =	sadd.s32 $0x200, s19;
	v8 =	vadd.f32 v8, v7  }
0x3ba: {  	s22 =	sand.u32 $0x40, s20;
	s20 =	sadd.s32 $0x40, s20;
	s23 =	sand.u32 $0x7C00, s19;
	v7 =	vld [tilespmem:s21+$0xEB0]  }
0x3bb: {  	s1 =	sor.u32 s22, s23;
	v5 =	vadd.f32 v5, v8  }
0x3bc: {  	v58 =	vld [tilespmem:s1+$0xD00]  }
0x3bd: {  	v5 =	vadd.f32 v6, v5  }
0x3be: {  	v6 =	vld [tilespmem:s1+$0xD10]  }
0x3bf: {  	v5 =	vadd.f32 v7, v5  }
0x3c0: {  	v7 =	vld [tilespmem:s1+$0xD20]  }
0x3c1: {  	v5 =	vadd.f32 v58, v5  }
0x3c2: {  	v59 =	vld [tilespmem:s1+$0xD30]  }
0x3c3: {  	v5 =	vadd.f32 v6, v5  }
0x3c4: {  	v6 =	vld [tilespmem:s1+$0xD80]  }
0x3c5: {  	v5 =	vadd.f32 v7, v5  }
0x3c6: {  	v7 =	vld [tilespmem:s1+$0xD90]  }
0x3c7: {  	v5 =	vadd.f32 v59, v5  }
0x3c8: {  	v60 =	vld [tilespmem:s1+$0xDA0]  }
0x3c9: {  	v5 =	vadd.f32 v6, v5  }
0x3ca: {  	v6 =	vld [tilespmem:s1+$0xDB0]  }
0x3cb: {  	v5 =	vadd.f32 v7, v5  }
0x3cc: {  	v7 =	vld [tilespmem:s1+$0xE00]  }
0x3cd: {  	v5 =	vadd.f32 v60, v5  }
0x3ce: {  	v61 =	vld [tilespmem:s1+$0xE10]  }
0x3cf: {  	v5 =	vadd.f32 v6, v5  }
0x3d0: {  	v6 =	vld [tilespmem:s1+$0xE20]  }
0x3d1: {  	v5 =	vadd.f32 v7, v5  }
0x3d2: {  	v7 =	vld [tilespmem:s1+$0xE30]  }
0x3d3: {  	v5 =	vadd.f32 v61, v5  }
0x3d4: {  	v62 =	vld [tilespmem:s1+$0xE80]  }
0x3d5: {  	v5 =	vadd.f32 v6, v5  }
0x3d6: {  	v6 =	vld [tilespmem:s1+$0xE90]  }
0x3d7: {  	v5 =	vadd.f32 v7, v5  }
0x3d8: {  	v7 =	vld [tilespmem:s1+$0xEA0]  }
0x3d9: {  	v5 =	vadd.f32 v62, v5  }
0x3da: {  	v63 =	vld [tilespmem:s1+$0xEB0]  }
0x3db: {  	v5 =	vadd.f32 v6, v5;
	_ =	sdelay $0x1  }
0x3dc: {  	v5 =	vadd.f32 v7, v5  }
0x3dd: {  	s19 =	simm.s32 $0x0;
	s20 =	simm.s32 $0xF00  }
0x3de: {  	s21 =	simm.s32 $0x0;
	s24 =	simm.s32 $0xA;
	s25 =	simm.s32 $0x19;
	v5 =	vadd.f32 v63, v5  }
.LBB2_41:
0x3df: {  	p2 =	sne.s32 s21, $0xF80  }
.Ltmp20:
0x3e0: {  	_ = 	snop;
	(pc) =	sbr.rel @p2 .LBB2_41-.Ltmp20, $4  }
0x3e1: {  	_ = 	snop  }
0x3e2: {  	s1 =	sadd.s32 s21, s15  }
0x3e3: {  	[hbm4b:s1+s19] =	stream.linear.scatter [tilespmem:s20], [sflag:$0x7], $0x200, $0x38;
	[tilespmem:$0x115B8] =	vst v63  }
0x3e4: {  	s21 =	sadd.s32 $0x80, s21;
	s20 =	sadd.s32 $0x400, s20  }
0x3e5: {  	p2 =	por $0x0, $0x0;
	s1 =	simm.s32 $0x1  }
0x3e6: {  	s1 =	simm.s32 @!p2 $0x0  }
0x3e7: {  	s1 =	sshll.u32 s1, $0x6  }
0x3e8: {  	s19 =	sadd.s32 $0x0, s1  }
0x3e9: {  	s1 =	sor.u32 $0x200, s19  }
0x3ea: {  	v6 =	vld [tilespmem:s1+$0xD00]  }
0x3eb: {  	s3 =	sor.u32 $0x210, s19  }
0x3ec: {  	v7 =	vld [tilespmem:s3+$0xD00]  }
0x3ed: {  	s4 =	sor.u32 $0x220, s19  }
0x3ee: {  	v8 =	vld [tilespmem:s4+$0xD00]  }
0x3ef: {  	s8 =	sor.u32 $0x230, s19;
	v5 =	vadd.f32 v6, v5  }
0x3f0: {  	v6 =	vld [tilespmem:s8+$0xD00]  }
0x3f1: {  	s14 =	sor.u32 $0x280, s19;
	v5 =	vadd.f32 v7, v5  }
0x3f2: {  	v7 =	vld [tilespmem:s14+$0xD00]  }
0x3f3: {  	s18 =	sor.u32 $0x290, s19;
	v5 =	vadd.f32 v8, v5  }
0x3f4: {  	v8 =	vld [tilespmem:s18+$0xD00]  }
0x3f5: {  	s20 =	sor.u32 $0x2A0, s19;
	v5 =	vadd.f32 v6, v5  }
0x3f6: {  	v6 =	vld [tilespmem:s20+$0xD00]  }
0x3f7: {  	s21 =	sor.u32 $0x2B0, s19;
	v5 =	vadd.f32 v7, v5  }
0x3f8: {  	v7 =	vld [tilespmem:s21+$0xD00]  }
0x3f9: {  	s22 =	sor.u32 $0x300, s19;
	v5 =	vadd.f32 v8, v5  }
0x3fa: {  	v8 =	vld [tilespmem:s22+$0xD00]  }
0x3fb: {  	s23 =	sor.u32 $0x310, s19;
	v5 =	vadd.f32 v6, v5  }
0x3fc: {  	v6 =	vld [tilespmem:s23+$0xD00]  }
0x3fd: {  	s26 =	sor.u32 $0x320, s19;
	v5 =	vadd.f32 v7, v5  }
0x3fe: {  	v7 =	vld [tilespmem:s26+$0xD00]  }
0x3ff: {  	s28 =	sor.u32 $0x330, s19;
	v5 =	vadd.f32 v8, v5  }
0x400: {  	v8 =	vld [tilespmem:s28+$0xD00]  }
0x401: {  	s29 =	sor.u32 $0x380, s19;
	v5 =	vadd.f32 v6, v5  }
0x402: {  	v6 =	vld [tilespmem:s29+$0xD00]  }
0x403: {  	s30 =	sor.u32 $0x390, s19;
	v7 =	vadd.f32 v7, v5  }
0x404: {  	v5 =	vld [tilespmem:s30+$0xD00]  }
0x405: {  	p2 =	por !p2, !p2;
	s31 =	sor.u32 $0x3A0, s19;
	s22 =	simm.s32 $0x1;
	v8 =	vadd.f32 v8, v7  }
0x406: {  	s20 =	simm.s32 $0x200;
	s21 =	simm.s32 $0x80;
	s22 =	simm.s32 @!p2 $0x0;
	v7 =	vld [tilespmem:s31+$0xD00]  }
.LBB2_43:
0x407: {  	p3 =	sne.s32 s21, $0xFC0;
	s1 =	sshll.u32 s22, $0x6;
	v6 =	vadd.f32 v6, v8;
	s2 =	sor.u32 $0x3B0, s19  }
0x408: {  	s19 =	sadd.s32 s1, s20;
	v8 =	vld [tilespmem:s2+$0xD00]  }
0x409: {  	s1 =	sor.u32 $0x200, s19;
	v5 =	vadd.f32 v5, v6  }
0x40a: {  	v6 =	vld [tilespmem:s1+$0xD00]  }
0x40b: {  	s1 =	sor.u32 $0x210, s19;
	v5 =	vadd.f32 v7, v5  }
0x40c: {  	v7 =	vld [tilespmem:s1+$0xD00]  }
0x40d: {  	s1 =	sor.u32 $0x220, s19;
	v5 =	vadd.f32 v8, v5  }
0x40e: {  	v8 =	vld [tilespmem:s1+$0xD00]  }
0x40f: {  	s1 =	sor.u32 $0x230, s19;
	v5 =	vadd.f32 v6, v5  }
0x410: {  	v6 =	vld [tilespmem:s1+$0xD00]  }
0x411: {  	s1 =	sor.u32 $0x280, s19;
	v5 =	vadd.f32 v7, v5  }
0x412: {  	v7 =	vld [tilespmem:s1+$0xD00]  }
0x413: {  	s1 =	sor.u32 $0x290, s19;
	v5 =	vadd.f32 v8, v5  }
0x414: {  	v8 =	vld [tilespmem:s1+$0xD00]  }
0x415: {  	s1 =	sor.u32 $0x2A0, s19;
	v5 =	vadd.f32 v6, v5  }
0x416: {  	v6 =	vld [tilespmem:s1+$0xD00]  }
0x417: {  	s1 =	sor.u32 $0x2B0, s19;
	v5 =	vadd.f32 v7, v5  }
0x418: {  	v7 =	vld [tilespmem:s1+$0xD00]  }
0x419: {  	s1 =	sor.u32 $0x300, s19;
	v5 =	vadd.f32 v8, v5  }
0x41a: {  	v8 =	vld [tilespmem:s1+$0xD00]  }
0x41b: {  	s1 =	sor.u32 $0x310, s19;
	v5 =	vadd.f32 v6, v5  }
0x41c: {  	v6 =	vld [tilespmem:s1+$0xD00]  }
0x41d: {  	s1 =	sor.u32 $0x320, s19;
	v5 =	vadd.f32 v7, v5  }
0x41e: {  	v7 =	vld [tilespmem:s1+$0xD00]  }
0x41f: {  	s1 =	sor.u32 $0x330, s19;
	v5 =	vadd.f32 v8, v5  }
0x420: {  	v8 =	vld [tilespmem:s1+$0xD00]  }
0x421: {  	s1 =	sor.u32 $0x380, s19;
	v5 =	vadd.f32 v6, v5  }
.Ltmp21:
0x422: {  	v6 =	vld [tilespmem:s1+$0xD00];
	(pc) =	sbr.rel @p3 .LBB2_43-.Ltmp21, $4  }
0x423: {  	s1 =	sor.u32 $0x390, s19;
	v7 =	vadd.f32 v7, v5  }
0x424: {  	v5 =	vld [tilespmem:s1+$0xD00]  }
0x425: {  	p2 =	por !p2, !p2;
	s22 =	simm.s32 $0x1;
	s1 =	sor.u32 $0x3A0, s19;
	v8 =	vadd.f32 v8, v7  }
0x426: {  	s21 =	sadd.s32 $0x40, s21;
	s22 =	simm.s32 @!p2 $0x0;
	s20 =	sadd.s32 $0x200, s20;
	v7 =	vld [tilespmem:s1+$0xD00]  }
0x427: {  	s1 =	sshll.u32 s22, $0x6;
	v6 =	vadd.f32 v6, v8;
	s2 =	sor.u32 $0x3B0, s19  }
0x428: {  	s1 =	sadd.s32 s1, s20;
	v58 =	vld [tilespmem:s2+$0xD00]  }
0x429: {  	s3 =	sor.u32 $0x200, s1;
	v5 =	vadd.f32 v5, v6  }
0x42a: {  	v6 =	vld [tilespmem:s3+$0xD00]  }
0x42b: {  	s4 =	sor.u32 $0x210, s1;
	v5 =	vadd.f32 v7, v5  }
0x42c: {  	v7 =	vld [tilespmem:s4+$0xD00]  }
0x42d: {  	s8 =	sor.u32 $0x220, s1;
	v5 =	vadd.f32 v58, v5  }
0x42e: {  	v59 =	vld [tilespmem:s8+$0xD00]  }
0x42f: {  	s14 =	sor.u32 $0x230, s1;
	v5 =	vadd.f32 v6, v5  }
0x430: {  	v6 =	vld [tilespmem:s14+$0xD00]  }
0x431: {  	s18 =	sor.u32 $0x280, s1;
	v5 =	vadd.f32 v7, v5  }
0x432: {  	v7 =	vld [tilespmem:s18+$0xD00]  }
0x433: {  	s19 =	sor.u32 $0x290, s1;
	v5 =	vadd.f32 v59, v5  }
0x434: {  	v60 =	vld [tilespmem:s19+$0xD00]  }
0x435: {  	s20 =	sor.u32 $0x2A0, s1;
	v5 =	vadd.f32 v6, v5  }
0x436: {  	v6 =	vld [tilespmem:s20+$0xD00]  }
0x437: {  	s21 =	sor.u32 $0x2B0, s1;
	v5 =	vadd.f32 v7, v5  }
0x438: {  	v7 =	vld [tilespmem:s21+$0xD00]  }
0x439: {  	s22 =	sor.u32 $0x300, s1;
	v5 =	vadd.f32 v60, v5  }
0x43a: {  	v61 =	vld [tilespmem:s22+$0xD00]  }
0x43b: {  	s23 =	sor.u32 $0x310, s1;
	v5 =	vadd.f32 v6, v5  }
0x43c: {  	v6 =	vld [tilespmem:s23+$0xD00]  }
0x43d: {  	s26 =	sor.u32 $0x320, s1;
	v5 =	vadd.f32 v7, v5  }
0x43e: {  	v7 =	vld [tilespmem:s26+$0xD00]  }
0x43f: {  	s28 =	sor.u32 $0x330, s1;
	v5 =	vadd.f32 v61, v5  }
0x440: {  	v62 =	vld [tilespmem:s28+$0xD00]  }
0x441: {  	s29 =	sor.u32 $0x380, s1;
	v5 =	vadd.f32 v6, v5  }
0x442: {  	v6 =	vld [tilespmem:s29+$0xD00]  }
0x443: {  	s30 =	sor.u32 $0x390, s1;
	v5 =	vadd.f32 v7, v5  }
0x444: {  	v7 =	vld [tilespmem:s30+$0xD00]  }
0x445: {  	s31 =	sor.u32 $0x3A0, s1;
	v5 =	vadd.f32 v62, v5  }
0x446: {  	v63 =	vld [tilespmem:s31+$0xD00]  }
0x447: {  	s1 =	sor.u32 $0x3B0, s1;
	v5 =	vadd.f32 v6, v5  }
0x448: {  	v6 =	vld [tilespmem:s1+$0xD00]  }
0x449: {  	v5 =	vadd.f32 v7, v5;
	_ =	sdelay $0x1  }
0x44a: {  	v5 =	vadd.f32 v63, v5  }
0x44b: {  	s19 =	simm.s32 $0x0;
	s22 =	simm.s32 $0x9100  }
0x44c: {  	s20 =	simm.s32 $0x8D00;
	s21 =	simm.s32 $0x80;
	s23 =	sadd.s32 $0x0, s16;
	v5 =	vadd.f32 v6, v5  }
.LBB2_45:
0x44d: {  	[hbm4b:s23+s19] =	stream.linear.scatter [tilespmem:s20], [sflag:$0x7], $0x200, $0x38;
	[tilespmem:$0x115B8] =	vst v63  }
0x44e: {  	s1 =	smov.u32 s21;
	s20 =	smov.u32 s22;
	p2 =	sne.s32 s21, $0xF80  }
.Ltmp22:
0x44f: {  	s21 =	sadd.s32 $0x80, s21;
	(pc) =	sbr.rel @p2 .LBB2_45-.Ltmp22, $2  }
0x450: {  	_ =	sdelay $0x2  }
0x451: {  	s22 =	sadd.s32 $0x400, s22;
	s23 =	sadd.s32 s1, s16  }
0x452: {  	[hbm4b:s23+s19] =	stream.linear.scatter [tilespmem:s20], [sflag:$0x7], $0x200, $0x38;
	[tilespmem:$0x115B8] =	vst v63  }
0x453: {  	s1 =	sand.u32 $0x7C00, s19  }
0x454: {  	s2 =	sand.u32 $0x40, s19;
	s3 =	sadd.s32 $0x8D00, s1  }
0x455: {  	s4 =	sor.u32 s2, s3  }
0x456: {  	s31 =	sor.u32 $0x10, s2;
	v6 =	vld [tilespmem:s4+$0x0]  }
0x457: {  	s8 =	sor.u32 s31, s3  }
0x458: {  	s19 =	sor.u32 $0x20, s2;
	v7 =	vld [tilespmem:s8+$0x0]  }
0x459: {  	s14 =	sor.u32 s19, s3  }
0x45a: {  	v8 =	vld [tilespmem:s14+$0x0];
	s14 =	sor.u32 $0x30, s2  }
0x45b: {  	s3 =	sor.u32 s14, s3;
	v5 =	vadd.f32 v6, v5  }
0x45c: {  	s20 =	sadd.s32 $0x8D80, s1;
	v6 =	vld [tilespmem:s3+$0x0]  }
0x45d: {  	s18 =	sor.u32 s2, s20;
	v5 =	vadd.f32 v7, v5  }
0x45e: {  	v7 =	vld [tilespmem:s18+$0x0]  }
0x45f: {  	s21 =	sor.u32 s31, s20;
	v5 =	vadd.f32 v8, v5  }
0x460: {  	v8 =	vld [tilespmem:s21+$0x0]  }
0x461: {  	s22 =	sor.u32 s19, s20;
	v5 =	vadd.f32 v6, v5  }
0x462: {  	v6 =	vld [tilespmem:s22+$0x0]  }
0x463: {  	s3 =	sor.u32 s14, s20;
	v5 =	vadd.f32 v7, v5  }
0x464: {  	s23 =	sadd.s32 $0x8E00, s1;
	v7 =	vld [tilespmem:s3+$0x0]  }
0x465: {  	s26 =	sor.u32 s2, s23;
	v5 =	vadd.f32 v8, v5  }
0x466: {  	v8 =	vld [tilespmem:s26+$0x0]  }
0x467: {  	s28 =	sor.u32 s31, s23;
	v5 =	vadd.f32 v6, v5  }
0x468: {  	v6 =	vld [tilespmem:s28+$0x0]  }
0x469: {  	s29 =	sor.u32 s19, s23;
	v5 =	vadd.f32 v7, v5  }
0x46a: {  	v7 =	vld [tilespmem:s29+$0x0]  }
0x46b: {  	s3 =	sor.u32 s14, s23;
	v5 =	vadd.f32 v8, v5  }
0x46c: {  	s1 =	sadd.s32 $0x8E80, s1;
	v8 =	vld [tilespmem:s3+$0x0]  }
0x46d: {  	s2 =	sor.u32 s2, s1;
	v5 =	vadd.f32 v6, v5  }
0x46e: {  	v9 =	vld [tilespmem:s2+$0x0]  }
0x46f: {  	s30 =	sor.u32 s31, s1;
	v5 =	vadd.f32 v7, v5  }
0x470: {  	v6 =	vld [tilespmem:s30+$0x0]  }
0x471: {  	s31 =	sor.u32 s19, s1;
	s20 =	simm.s32 $0x200;
	v7 =	vadd.f32 v8, v5  }
0x472: {  	s19 =	sand.u32 $0x7C00, s20;
	v5 =	vld [tilespmem:s31+$0x0]  }
0x473: {  	s21 =	simm.s32 $0x40;
	s22 =	simm.s32 $0x80;
	s26 =	sor.u32 s14, s1;
	v7 =	vadd.f32 v9, v7  }
.LBB2_47:
0x474: {  	p2 =	sne.s32 s22, $0xFC0;
	s23 =	sand.u32 $0x40, s21;
	s1 =	sadd.s32 $0x8D00, s19;
	v8 =	vld [tilespmem:s26+$0x0]  }
0x475: {  	s21 =	smov.u32 s22;
	s2 =	sor.u32 s23, s1;
	v6 =	vadd.f32 v6, v7  }
0x476: {  	s28 =	sor.u32 $0x10, s23;
	v7 =	vld [tilespmem:s2+$0x0]  }
0x477: {  	s2 =	sor.u32 s28, s1;
	v5 =	vadd.f32 v5, v6  }
0x478: {  	s29 =	sor.u32 $0x20, s23;
	v6 =	vld [tilespmem:s2+$0x0]  }
0x479: {  	s2 =	sor.u32 s29, s1;
	v5 =	vadd.f32 v8, v5  }
0x47a: {  	s26 =	sor.u32 $0x30, s23;
	v8 =	vld [tilespmem:s2+$0x0]  }
0x47b: {  	s1 =	sor.u32 s26, s1;
	v5 =	vadd.f32 v7, v5  }
0x47c: {  	v7 =	vld [tilespmem:s1+$0x0];
	s1 =	sadd.s32 $0x8D80, s19  }
0x47d: {  	v5 =	vadd.f32 v6, v5;
	s2 =	sor.u32 s23, s1  }
0x47e: {  	v6 =	vld [tilespmem:s2+$0x0]  }
0x47f: {  	s2 =	sor.u32 s28, s1;
	v5 =	vadd.f32 v8, v5  }
0x480: {  	v8 =	vld [tilespmem:s2+$0x0]  }
0x481: {  	s2 =	sor.u32 s29, s1;
	v5 =	vadd.f32 v7, v5  }
0x482: {  	v7 =	vld [tilespmem:s2+$0x0]  }
0x483: {  	s1 =	sor.u32 s26, s1;
	v5 =	vadd.f32 v6, v5  }
0x484: {  	v6 =	vld [tilespmem:s1+$0x0];
	s1 =	sadd.s32 $0x8E00, s19  }
0x485: {  	v5 =	vadd.f32 v8, v5;
	s2 =	sor.u32 s23, s1  }
0x486: {  	v8 =	vld [tilespmem:s2+$0x0]  }
0x487: {  	s2 =	sor.u32 s28, s1;
	v5 =	vadd.f32 v7, v5  }
0x488: {  	v7 =	vld [tilespmem:s2+$0x0]  }
0x489: {  	s2 =	sor.u32 s29, s1;
	v5 =	vadd.f32 v6, v5  }
0x48a: {  	v6 =	vld [tilespmem:s2+$0x0]  }
0x48b: {  	s1 =	sor.u32 s26, s1;
	v5 =	vadd.f32 v8, v5  }
0x48c: {  	v8 =	vld [tilespmem:s1+$0x0];
	s1 =	sadd.s32 $0x8E80, s19  }
0x48d: {  	v5 =	vadd.f32 v7, v5;
	s2 =	sor.u32 s23, s1  }
0x48e: {  	v7 =	vld [tilespmem:s2+$0x0]  }
.Ltmp23:
0x48f: {  	s2 =	sor.u32 s28, s1;
	v5 =	vadd.f32 v6, v5;
	(pc) =	sbr.rel @p2 .LBB2_47-.Ltmp23, $4  }
0x490: {  	v6 =	vld [tilespmem:s2+$0x0]  }
0x491: {  	s2 =	sor.u32 s29, s1;
	v8 =	vadd.f32 v8, v5  }
0x492: {  	s20 =	sadd.s32 $0x200, s20;
	v5 =	vld [tilespmem:s2+$0x0]  }
0x493: {  	s22 =	sadd.s32 $0x40, s22;
	s19 =	sand.u32 $0x7C00, s20;
	s26 =	sor.u32 s26, s1;
	v7 =	vadd.f32 v7, v8  }
0x494: {  	s1 =	sand.u32 $0x40, s21;
	s2 =	sadd.s32 $0x8D00, s19;
	v8 =	vld [tilespmem:s26+$0x0]  }
0x495: {  	s3 =	sor.u32 s1, s2;
	v6 =	vadd.f32 v6, v7  }
0x496: {  	s29 =	sor.u32 $0x10, s1;
	v7 =	vld [tilespmem:s3+$0x0]  }
0x497: {  	s4 =	sor.u32 s29, s2;
	v5 =	vadd.f32 v5, v6  }
0x498: {  	s30 =	sor.u32 $0x20, s1;
	v6 =	vld [tilespmem:s4+$0x0]  }
0x499: {  	s8 =	sor.u32 s30, s2;
	v5 =	vadd.f32 v8, v5  }
0x49a: {  	v59 =	vld [tilespmem:s8+$0x0];
	s8 =	sor.u32 $0x30, s1  }
0x49b: {  	s2 =	sor.u32 s8, s2;
	v5 =	vadd.f32 v7, v5  }
0x49c: {  	s31 =	sadd.s32 $0x8D80, s19;
	v7 =	vld [tilespmem:s2+$0x0]  }
0x49d: {  	s14 =	sor.u32 s1, s31;
	v5 =	vadd.f32 v6, v5  }
0x49e: {  	v6 =	vld [tilespmem:s14+$0x0]  }
0x49f: {  	s18 =	sor.u32 s29, s31;
	v5 =	vadd.f32 v59, v5  }
0x4a0: {  	v60 =	vld [tilespmem:s18+$0x0]  }
0x4a1: {  	s20 =	sor.u32 s30, s31;
	v5 =	vadd.f32 v7, v5  }
0x4a2: {  	v7 =	vld [tilespmem:s20+$0x0]  }
0x4a3: {  	s2 =	sor.u32 s8, s31;
	v5 =	vadd.f32 v6, v5  }
0x4a4: {  	s21 =	sadd.s32 $0x8E00, s19;
	v6 =	vld [tilespmem:s2+$0x0]  }
0x4a5: {  	s22 =	sor.u32 s1, s21;
	v5 =	vadd.f32 v60, v5  }
0x4a6: {  	v61 =	vld [tilespmem:s22+$0x0]  }
0x4a7: {  	s23 =	sor.u32 s29, s21;
	v5 =	vadd.f32 v7, v5  }
0x4a8: {  	v7 =	vld [tilespmem:s23+$0x0]  }
0x4a9: {  	s26 =	sor.u32 s30, s21;
	v5 =	vadd.f32 v6, v5  }
0x4aa: {  	v6 =	vld [tilespmem:s26+$0x0]  }
0x4ab: {  	s2 =	sor.u32 s8, s21;
	v5 =	vadd.f32 v61, v5  }
0x4ac: {  	s28 =	sadd.s32 $0x8E80, s19;
	v62 =	vld [tilespmem:s2+$0x0]  }
0x4ad: {  	s1 =	sor.u32 s1, s28;
	v5 =	vadd.f32 v7, v5  }
0x4ae: {  	v7 =	vld [tilespmem:s1+$0x0]  }
0x4af: {  	s29 =	sor.u32 s29, s28;
	v5 =	vadd.f32 v6, v5  }
0x4b0: {  	v6 =	vld [tilespmem:s29+$0x0]  }
0x4b1: {  	s30 =	sor.u32 s30, s28;
	v5 =	vadd.f32 v62, v5  }
0x4b2: {  	v63 =	vld [tilespmem:s30+$0x0]  }
0x4b3: {  	s31 =	sor.u32 s8, s28;
	v5 =	vadd.f32 v7, v5  }
0x4b4: {  	v7 =	vld [tilespmem:s31+$0x0]  }
0x4b5: {  	v5 =	vadd.f32 v6, v5;
	_ =	sdelay $0x1  }
0x4b6: {  	v5 =	vadd.f32 v63, v5  }
0x4b7: {  	s19 =	simm.s32 $0x0;
	s22 =	simm.s32 $0x9300  }
0x4b8: {  	s20 =	simm.s32 $0x8F00;
	s21 =	simm.s32 $0x80;
	s23 =	sadd.s32 $0x0, s17;
	v5 =	vadd.f32 v7, v5  }
.LBB2_49:
0x4b9: {  	[hbm4b:s23+s19] =	stream.linear.scatter [tilespmem:s20], [sflag:$0x7], $0x200, $0x38;
	[tilespmem:$0x115B8] =	vst v63  }
0x4ba: {  	s1 =	smov.u32 s21;
	s20 =	smov.u32 s22;
	p2 =	sne.s32 s21, $0xF80  }
.Ltmp24:
0x4bb: {  	s21 =	sadd.s32 $0x80, s21;
	(pc) =	sbr.rel @p2 .LBB2_49-.Ltmp24, $2  }
0x4bc: {  	_ =	sdelay $0x2  }
0x4bd: {  	s22 =	sadd.s32 $0x400, s22;
	s23 =	sadd.s32 s1, s17  }
0x4be: {  	[hbm4b:s23+s19] =	stream.linear.scatter [tilespmem:s20], [sflag:$0x7], $0x200, $0x38;
	[tilespmem:$0x115B8] =	vst v63  }
0x4bf: {  	s1 =	sand.u32 $0x7C00, s19  }
0x4c0: {  	s2 =	sand.u32 $0x40, s19;
	s3 =	sadd.s32 $0x8F00, s1  }
0x4c1: {  	s4 =	sor.u32 s2, s3  }
0x4c2: {  	s31 =	sor.u32 $0x10, s2;
	v6 =	vld [tilespmem:s4+$0x0]  }
0x4c3: {  	s8 =	sor.u32 s31, s3  }
0x4c4: {  	s19 =	sor.u32 $0x20, s2;
	v7 =	vld [tilespmem:s8+$0x0]  }
0x4c5: {  	s14 =	sor.u32 s19, s3  }
0x4c6: {  	v8 =	vld [tilespmem:s14+$0x0];
	s14 =	sor.u32 $0x30, s2  }
0x4c7: {  	s3 =	sor.u32 s14, s3;
	v5 =	vadd.f32 v6, v5  }
0x4c8: {  	s20 =	sadd.s32 $0x8F80, s1;
	v6 =	vld [tilespmem:s3+$0x0]  }
0x4c9: {  	s18 =	sor.u32 s2, s20;
	v5 =	vadd.f32 v7, v5  }
0x4ca: {  	v7 =	vld [tilespmem:s18+$0x0]  }
0x4cb: {  	s21 =	sor.u32 s31, s20;
	v5 =	vadd.f32 v8, v5  }
0x4cc: {  	v8 =	vld [tilespmem:s21+$0x0]  }
0x4cd: {  	s22 =	sor.u32 s19, s20;
	v5 =	vadd.f32 v6, v5  }
0x4ce: {  	v6 =	vld [tilespmem:s22+$0x0]  }
0x4cf: {  	s3 =	sor.u32 s14, s20;
	v5 =	vadd.f32 v7, v5  }
0x4d0: {  	s23 =	sadd.s32 $0x9000, s1;
	v7 =	vld [tilespmem:s3+$0x0]  }
0x4d1: {  	s26 =	sor.u32 s2, s23;
	v5 =	vadd.f32 v8, v5  }
0x4d2: {  	v8 =	vld [tilespmem:s26+$0x0]  }
0x4d3: {  	s28 =	sor.u32 s31, s23;
	v5 =	vadd.f32 v6, v5  }
0x4d4: {  	v6 =	vld [tilespmem:s28+$0x0]  }
0x4d5: {  	s29 =	sor.u32 s19, s23;
	v5 =	vadd.f32 v7, v5  }
0x4d6: {  	v7 =	vld [tilespmem:s29+$0x0]  }
0x4d7: {  	s3 =	sor.u32 s14, s23;
	v5 =	vadd.f32 v8, v5  }
0x4d8: {  	s1 =	sadd.s32 $0x9080, s1;
	v8 =	vld [tilespmem:s3+$0x0]  }
0x4d9: {  	s2 =	sor.u32 s2, s1;
	v5 =	vadd.f32 v6, v5  }
0x4da: {  	v9 =	vld [tilespmem:s2+$0x0]  }
0x4db: {  	s30 =	sor.u32 s31, s1;
	v5 =	vadd.f32 v7, v5  }
0x4dc: {  	v6 =	vld [tilespmem:s30+$0x0]  }
0x4dd: {  	s31 =	sor.u32 s19, s1;
	s20 =	simm.s32 $0x200;
	v7 =	vadd.f32 v8, v5  }
0x4de: {  	s19 =	sand.u32 $0x7C00, s20;
	v5 =	vld [tilespmem:s31+$0x0]  }
0x4df: {  	s21 =	simm.s32 $0x40;
	s22 =	simm.s32 $0x80;
	s26 =	sor.u32 s14, s1;
	v7 =	vadd.f32 v9, v7  }
.LBB2_51:
0x4e0: {  	p2 =	sne.s32 s22, $0xFC0;
	s23 =	sand.u32 $0x40, s21;
	s1 =	sadd.s32 $0x8F00, s19;
	v8 =	vld [tilespmem:s26+$0x0]  }
0x4e1: {  	s21 =	smov.u32 s22;
	s2 =	sor.u32 s23, s1;
	v6 =	vadd.f32 v6, v7  }
0x4e2: {  	s28 =	sor.u32 $0x10, s23;
	v7 =	vld [tilespmem:s2+$0x0]  }
0x4e3: {  	s2 =	sor.u32 s28, s1;
	v5 =	vadd.f32 v5, v6  }
0x4e4: {  	s29 =	sor.u32 $0x20, s23;
	v6 =	vld [tilespmem:s2+$0x0]  }
0x4e5: {  	s2 =	sor.u32 s29, s1;
	v5 =	vadd.f32 v8, v5  }
0x4e6: {  	s26 =	sor.u32 $0x30, s23;
	v8 =	vld [tilespmem:s2+$0x0]  }
0x4e7: {  	s1 =	sor.u32 s26, s1;
	v5 =	vadd.f32 v7, v5  }
0x4e8: {  	v7 =	vld [tilespmem:s1+$0x0];
	s1 =	sadd.s32 $0x8F80, s19  }
0x4e9: {  	v5 =	vadd.f32 v6, v5;
	s2 =	sor.u32 s23, s1  }
0x4ea: {  	v6 =	vld [tilespmem:s2+$0x0]  }
0x4eb: {  	s2 =	sor.u32 s28, s1;
	v5 =	vadd.f32 v8, v5  }
0x4ec: {  	v8 =	vld [tilespmem:s2+$0x0]  }
0x4ed: {  	s2 =	sor.u32 s29, s1;
	v5 =	vadd.f32 v7, v5  }
0x4ee: {  	v7 =	vld [tilespmem:s2+$0x0]  }
0x4ef: {  	s1 =	sor.u32 s26, s1;
	v5 =	vadd.f32 v6, v5  }
0x4f0: {  	v6 =	vld [tilespmem:s1+$0x0];
	s1 =	sadd.s32 $0x9000, s19  }
0x4f1: {  	v5 =	vadd.f32 v8, v5;
	s2 =	sor.u32 s23, s1  }
0x4f2: {  	v8 =	vld [tilespmem:s2+$0x0]  }
0x4f3: {  	s2 =	sor.u32 s28, s1;
	v5 =	vadd.f32 v7, v5  }
0x4f4: {  	v7 =	vld [tilespmem:s2+$0x0]  }
0x4f5: {  	s2 =	sor.u32 s29, s1;
	v5 =	vadd.f32 v6, v5  }
0x4f6: {  	v6 =	vld [tilespmem:s2+$0x0]  }
0x4f7: {  	s1 =	sor.u32 s26, s1;
	v5 =	vadd.f32 v8, v5  }
0x4f8: {  	v8 =	vld [tilespmem:s1+$0x0];
	s1 =	sadd.s32 $0x9080, s19  }
0x4f9: {  	v5 =	vadd.f32 v7, v5;
	s2 =	sor.u32 s23, s1  }
0x4fa: {  	v7 =	vld [tilespmem:s2+$0x0]  }
.Ltmp25:
0x4fb: {  	s2 =	sor.u32 s28, s1;
	v5 =	vadd.f32 v6, v5;
	(pc) =	sbr.rel @p2 .LBB2_51-.Ltmp25, $4  }
0x4fc: {  	v6 =	vld [tilespmem:s2+$0x0]  }
0x4fd: {  	s2 =	sor.u32 s29, s1;
	v8 =	vadd.f32 v8, v5  }
0x4fe: {  	s20 =	sadd.s32 $0x200, s20;
	v5 =	vld [tilespmem:s2+$0x0]  }
0x4ff: {  	s22 =	sadd.s32 $0x40, s22;
	s19 =	sand.u32 $0x7C00, s20;
	s26 =	sor.u32 s26, s1;
	v7 =	vadd.f32 v7, v8  }
0x500: {  	s1 =	sand.u32 $0x40, s21;
	s2 =	sadd.s32 $0x8F00, s19;
	v8 =	vld [tilespmem:s26+$0x0]  }
0x501: {  	s3 =	sor.u32 s1, s2;
	v6 =	vadd.f32 v6, v7  }
0x502: {  	s29 =	sor.u32 $0x10, s1;
	v7 =	vld [tilespmem:s3+$0x0]  }
0x503: {  	s4 =	sor.u32 s29, s2;
	v5 =	vadd.f32 v5, v6  }
0x504: {  	s30 =	sor.u32 $0x20, s1;
	v6 =	vld [tilespmem:s4+$0x0]  }
0x505: {  	s8 =	sor.u32 s30, s2;
	v5 =	vadd.f32 v8, v5  }
0x506: {  	v60 =	vld [tilespmem:s8+$0x0];
	s8 =	sor.u32 $0x30, s1  }
0x507: {  	s2 =	sor.u32 s8, s2;
	v5 =	vadd.f32 v7, v5  }
0x508: {  	s31 =	sadd.s32 $0x8F80, s19;
	v7 =	vld [tilespmem:s2+$0x0]  }
0x509: {  	s14 =	sor.u32 s1, s31;
	v5 =	vadd.f32 v6, v5  }
0x50a: {  	v6 =	vld [tilespmem:s14+$0x0]  }
0x50b: {  	s18 =	sor.u32 s29, s31;
	v5 =	vadd.f32 v60, v5  }
0x50c: {  	v61 =	vld [tilespmem:s18+$0x0]  }
0x50d: {  	s20 =	sor.u32 s30, s31;
	v5 =	vadd.f32 v7, v5  }
0x50e: {  	v7 =	vld [tilespmem:s20+$0x0]  }
0x50f: {  	s2 =	sor.u32 s8, s31;
	v5 =	vadd.f32 v6, v5  }
0x510: {  	s21 =	sadd.s32 $0x9000, s19;
	v6 =	vld [tilespmem:s2+$0x0]  }
0x511: {  	s28 =	sadd.s32 $0x9080, s19;
	s22 =	sor.u32 s1, s21;
	v5 =	vadd.f32 v61, v5  }
0x512: {  	v62 =	vld [tilespmem:s22+$0x0];
	s23 =	sor.u32 s29, s21;
	s29 =	sor.u32 s29, s28  }
0x513: {  	v10 =	vld [tilespmem:s29+$0x0];
	v5 =	vadd.f32 v7, v5  }
0x514: {  	s1 =	sor.u32 s1, s28;
	v7 =	vld [tilespmem:s23+$0x0]  }
0x515: {  	s26 =	sor.u32 s30, s21;
	v63 =	vld [tilespmem:s1+$0x0];
	v5 =	vadd.f32 v6, v5  }
0x516: {  	s31 =	sor.u32 s8, s28;
	v6 =	vld [tilespmem:s26+$0x0]  }
0x517: {  	v11 =	vld [tilespmem:s31+$0x0];
	s2 =	sor.u32 s8, s21;
	v5 =	vadd.f32 v62, v5  }
0x518: {  	s30 =	sor.u32 s30, s28;
	v9 =	vld [tilespmem:s2+$0x0]  }
0x519: {  	v5 =	vadd.f32 v7, v5;
	v7 =	vld [tilespmem:s30+$0x0];
	_ =	swait.ge [sflag:s0], $0x4000  }
0x51a: {  	[sflag:s0] =	ssyncset.done $0x0  }
0x51b: {  	v5 =	vadd.f32 v6, v5;
	[sflag:s0] =	ssyncadd.s32 $0xFFFFC000  }
0x51c: {  	_ =	swait.ge [sflag:s0], $0x4000  }
0x51d: {  	v5 =	vadd.f32 v9, v5;
	[sflag:s0] =	ssyncset.done $0x0  }
0x51e: {  	[sflag:s0] =	ssyncadd.s32 $0xFFFFC000  }
0x51f: {  	v5 =	vadd.f32 v63, v5;
	_ =	swait.ge [sflag:s0], $0x4000  }
0x520: {  	[sflag:s0] =	ssyncset.done $0x0  }
0x521: {  	v5 =	vadd.f32 v10, v5;
	[sflag:s0] =	ssyncadd.s32 $0xFFFFC000  }
0x522: {  	_ =	swait.ge [sflag:s0], $0x4000  }
.Ltmp26:
0x523: {  	v5 =	vadd.f32 v7, v5;
	s8 =	rddreg [dreg:$0x9];
	(pc) =	sbr.rel .LBB2_53-.Ltmp26, $4  }
0x524: {  	s2 =	rddreg [dreg:$0xa]  }
0x525: {  	[sflag:s0] =	ssyncset.done $0x0;
	s1 =	rddreg [dreg:$0x11];
	v5 =	vadd.f32 v11, v5  }
0x526: {  	s3 =	rddreg [dreg:$0x12];
	[sflag:s0] =	ssyncadd.s32 $0xFFFFC000  }
0x527: {  	s4 =	simm.s32 $0x400;
	s14 =	simm.s32 $0x9;
	s18 =	rddreg [dreg:$0x2];
	[tilespmem:$0x10D00] =	vst v5  }
.LBB2_32:
0x528: {  	s1 =	ssub.s32 s19, s28  }
0x529: {  	s1 =	sadd.s32 $0x3C00, s1  }
0x52a: {  	p2 =	slt.s32 s26, s1  }
0x52b: {  	s1 =	smov.u32 @p2 s26  }
0x52c: {  	p2 =	sge.s32 s1, s21  }
.Ltmp27:
0x52d: {  	_ = 	snop;
	(pc) =	sbr.rel @p2 .LBB2_36-.Ltmp27, $1  }
0x52e: {  	_ =	sdelay $0x3  }
0x52f: {  	s1 =	simm.s32 $0x0  }
0x530: {  	v5 =	vld [tilespmem:s1+$0x0];
	_ =	sdelay $0x4  }
0x531: {  	vm1 =	vne.s32 v5, $0xFFFFFF9C  }
0x532: {  	v5 =	vsel vm1, $0x1, v1  }
0x533: {  	(xrf0) =	vadd.scan.msk.s32 $0xffff, v5;
	_ =	sdelay $0x2  }
0x534: {  	v6 =	vld [tilespmem:s1+$0x480]  }
0x535: {  	s29 =	sadd.s32 s26, s23  }
0x536: {  	s20 =	ssub.s32 s19, s29;
	v5 =	vmov s19  }
0x537: {  	s1 =	ssub.s32 s19, s20;
	v5 =	vadd.s32 $0x3FFF, v5;
	v7, _, _ =	vpop (xrf0)  }
0x538: {  	v5 =	vbroadcast v5, $0x0;
	v8 =	vsub.s32 s1, v7;
	(v2sf) =	vpush v7, $0xF  }
0x539: {  	v6 =	vadd.s32 v8, v6  }
0x53a: {  	s30 =	sadd.s32 $0xFFFFFFFF, s21;
	v9 =	vsub.s32 v5, v6  }
0x53b: {  	s21 =	simm.s32 $0x0;
	v6 =	vmov s30;
	v8 =	vsel vm1, v8, v9  }
0x53c: {  	s31 =	sand.u32 $0xE00, s21;
	v8 =	vsub.s32 v6, v8  }
0x53d: {  	s2 =	sand.u32 $0x70, s21;
	s1 =	sshrl.u32 s31, $0x2;
	vm1 =	vlt.u32 v8, $0x200  }
0x53e: {  	s1 =	sor.u32 s2, s1;
	v8 =	vsel vm1, v8, v4  }
0x53f: {  	s22 =	simm.s32 $0x40;
	s26 =	simm.s32 $0x10;
	s23 =	simm.s32 $0x80;
	[tilespmem:s1+$0x880] =	vst v8  }
.LBB2_34:
0x540: {  	p2 =	sne.s32 s23, $0xFC0;
	v7 =	vld [tilespmem:s26+$0x0];
	_ =	sdelay $0x4  }
0x541: {  	vm1 =	vne.s32 v7, $0xFFFFFF9C  }
0x542: {  	v7 =	vsel vm1, $0x1, v1  }
0x543: {  	(xrf0) =	vadd.scan.msk.s32 $0xffff, v7;
	s1 =	spop (v2sf)  }
0x544: {  	s20 =	sadd.s32 s20, s1  }
0x545: {  	s1 =	ssub.s32 s19, s20  }
0x546: {  	v7 =	vld [tilespmem:s26+$0x480];
	_ =	sdelay $0x2  }
0x547: {  	v8, _, _ =	vpop (xrf0)  }
0x548: {  	v9 =	vsub.s32 s1, v8;
	(v2sf) =	vpush v8, $0xF  }
0x549: {  	v7 =	vadd.s32 v9, v7  }
0x54a: {  	v7 =	vsub.s32 v5, v7  }
.Ltmp28:
0x54b: {  	v7 =	vsel vm1, v9, v7;
	(pc) =	sbr.rel @p2 .LBB2_34-.Ltmp28, $4  }
0x54c: {  	s21 =	sadd.s32 $0x10, s21;
	s1 =	sand.u32 $0xE00, s22;
	s22 =	smov.u32 s23;
	v7 =	vsub.s32 v6, v7  }
0x54d: {  	s2 =	sand.u32 $0x70, s21;
	s1 =	sshrl.u32 s1, $0x2;
	vm1 =	vlt.u32 v7, $0x200  }
0x54e: {  	s1 =	sor.u32 s2, s1;
	v7 =	vsel vm1, v7, v4  }
0x54f: {  	s23 =	sadd.s32 $0x40, s23;
	s26 =	sshra.s32 s22, $0x2;
	[tilespmem:s1+$0x880] =	vst v7  }
0x550: {  	v7 =	vld [tilespmem:s26+$0x0];
	_ =	sdelay $0x4  }
0x551: {  	vm1 =	vne.s32 v7, $0xFFFFFF9C  }
0x552: {  	v7 =	vsel vm1, $0x1, v1  }
0x553: {  	(xrf0) =	vadd.scan.msk.s32 $0xffff, v7;
	_ =	sdelay $0x5  }
0x554: {  	v7, _, _ =	vpop (xrf0)  }
0x555: {  	(v2sf) =	vpush v7, $0xF;
	_ =	sdelay $0x4  }
0x556: {  	v8 =	vld [tilespmem:s26+$0x480]  }
0x557: {  	s1 =	spop (v2sf)  }
0x558: {  	s1 =	sadd.s32 s20, s1  }
0x559: {  	s1 =	ssub.s32 s19, s1  }
0x55a: {  	v7 =	vsub.s32 s1, v7  }
0x55b: {  	v8 =	vadd.s32 v7, v8  }
0x55c: {  	v5 =	vsub.s32 v5, v8  }
0x55d: {  	v5 =	vsel vm1, v7, v5  }
0x55e: {  	s3 =	sand.u32 $0xE00, s22;
	s2 =	sadd.s32 $0x10, s21;
	v5 =	vsub.s32 v6, v5  }
0x55f: {  	s2 =	sand.u32 $0x70, s2;
	s1 =	sshrl.u32 s3, $0x2;
	vm1 =	vlt.u32 v5, $0x200  }
0x560: {  	s8 =	simm.s32 $0x880;
	s1 =	sor.u32 s2, s1;
	v5 =	vsel vm1, v5, v4;
	s4 =	spop (v2sf)  }
0x561: {  	s3 =	simm.s32 $0x80;
	[tilespmem:s1+$0x880] =	vst v5;
	s1 =	rddreg [dreg:$0x6];
	s4 =	simm.s32 $0x480  }
0x562: {  	[spmem:s1] =	stream.indirect.scatter [tilespmem:s4], [sflag:$0x8], $0x1, s8, s3, $0xb8;
	[tilespmem:$0x115B8] =	vst v63  }
0x563: {  	s4 =	simm.s32 $0x8  }
0x564: {  	_ =	swait.ge [sflag:s4], $0x80  }
0x565: {  	[sflag:s4] =	ssyncset.done $0x0  }
0x566: {  	s14 =	simm.s32 $0x900;
	s8 =	simm.s32 $0x500;
	[sflag:s4] =	ssyncadd.s32 $0xFFFFFF80  }
0x567: {  	[spmem:s1] =	stream.indirect.scatter [tilespmem:s8], [sflag:$0x8], $0x1, s14, s3, $0xb8;
	[tilespmem:$0x115B8] =	vst v63  }
0x568: {  	_ =	swait.ge [sflag:s4], $0x80  }
0x569: {  	[sflag:s4] =	ssyncset.done $0x0  }
0x56a: {  	s18 =	simm.s32 $0x980;
	s19 =	simm.s32 $0x580;
	[sflag:s4] =	ssyncadd.s32 $0xFFFFFF80  }
0x56b: {  	[spmem:s1] =	stream.indirect.scatter [tilespmem:s19], [sflag:$0x8], $0x1, s18, s3, $0xb8;
	[tilespmem:$0x115B8] =	vst v63  }
0x56c: {  	_ =	swait.ge [sflag:s4], $0x80  }
0x56d: {  	[sflag:s4] =	ssyncset.done $0x0  }
0x56e: {  	s21 =	simm.s32 $0x600;
	s20 =	simm.s32 $0xA00;
	[sflag:s4] =	ssyncadd.s32 $0xFFFFFF80  }
0x56f: {  	[spmem:s1] =	stream.indirect.scatter [tilespmem:s21], [sflag:$0x8], $0x1, s20, s3, $0xb8;
	[tilespmem:$0x115B8] =	vst v63  }
0x570: {  	_ =	swait.ge [sflag:s4], $0x80  }
0x571: {  	[sflag:s4] =	ssyncset.done $0x0  }
0x572: {  	s22 =	simm.s32 $0x680;
	s23 =	simm.s32 $0xA80;
	[sflag:s4] =	ssyncadd.s32 $0xFFFFFF80  }
0x573: {  	[spmem:s1] =	stream.indirect.scatter [tilespmem:s22], [sflag:$0x8], $0x1, s23, s3, $0xb8;
	[tilespmem:$0x115B8] =	vst v63  }
0x574: {  	_ =	swait.ge [sflag:s4], $0x80  }
0x575: {  	[sflag:s4] =	ssyncset.done $0x0  }
0x576: {  	s24 =	simm.s32 $0xB00;
	s26 =	simm.s32 $0x700;
	[sflag:s4] =	ssyncadd.s32 $0xFFFFFF80  }
0x577: {  	[spmem:s1] =	stream.indirect.scatter [tilespmem:s26], [sflag:$0x8], $0x1, s24, s3, $0xb8;
	[tilespmem:$0x115B8] =	vst v63  }
0x578: {  	_ =	swait.ge [sflag:s4], $0x80  }
0x579: {  	[sflag:s4] =	ssyncset.done $0x0  }
0x57a: {  	s28 =	simm.s32 $0xB80;
	s29 =	simm.s32 $0x780;
	[sflag:s4] =	ssyncadd.s32 $0xFFFFFF80  }
0x57b: {  	[spmem:s1] =	stream.indirect.scatter [tilespmem:s29], [sflag:$0x8], $0x1, s28, s3, $0xb8;
	[tilespmem:$0x115B8] =	vst v63  }
0x57c: {  	_ =	swait.ge [sflag:s4], $0x80  }
0x57d: {  	s30 =	simm.s32 $0xC00;
	[sflag:s4] =	ssyncset.done $0x0  }
.Ltmp29:
0x57e: {  	s31 =	simm.s32 $0x800;
	[sflag:s4] =	ssyncadd.s32 $0xFFFFFF80;
	(pc) =	sbr.rel .LBB2_36-.Ltmp29, $4  }
0x57f: {  	[spmem:s1] =	stream.indirect.scatter [tilespmem:s31], [sflag:$0x8], $0x1, s30, s3, $0xb8;
	[tilespmem:$0x115B8] =	vst v63  }
0x580: {  	_ =	swait.ge [sflag:s4], $0x80  }
0x581: {  	[sflag:s4] =	ssyncset.done $0x0  }
0x582: {  	[sflag:s4] =	ssyncadd.s32 $0xFFFFFF80  }
.LBB2_54:
0x583: {  	_ =	sfence.sel $0x180000  }
0x584: {  	[bflag:$0x0] =	sbarrier.arrive $0xFFFF  }
0x585: {  	_ =	strace $0x90000047  }
0x586: {  	s0 =	stileid.u32;
	[bflag:$0x2] =	sbarrier.arrive $0xFFFF  }
0x587: {  	p0 =	sne.s32 s0, $0x0;
	s0 =	rddreg [dreg:$0x7]  }
0x588: {  	s0 =	sadd.s32 @!p0 $0x100000, s0  }
0x589: {  	[sflag:s0] =	ssyncadd.tile.s32 @!p0 $0x1;
	_ =	shalt  }
.Lfunc_end2:
_tile_overlayer_lowered:
.L_overlay_start_2:
0x58a: {  	(tag) =	ssettag $0x2  }
0x58b: {  	s0 =	rddreg [dreg:$0x0];
	s2 =	stileid.u32  }
0x58c: {  	s1 =	rddreg [dreg:$0x1];
	p0 =	sne.s32 s2, $0x0  }
0x58d: {  	s3 =	rddreg [dreg:$0x2];
	[bflag:$0x3] =	sbarrier.arrive $0xFFFF;
	s2 =	simm.s32 @!p0 $0x1C09  }
0x58e: {  	[timem:s3], [sflag:s2] =	dma.local @!p0 [hbm:s0], s1  }
0x58f: {  	s0 =	simm.s32 @!p0 $0x9  }
0x590: {  	_ =	swait.ge @!p0 [sflag:s0], s1  }
0x591: {  	s1 =	ssub.s32 @!p0 $0x0, s1;
	[sflag:s0] =	ssyncset.done @!p0 $0x0  }
0x592: {  	[sflag:s0] =	ssyncadd.s32 @!p0 s1  }
0x593: {  	[bflag:$0x3] =	sbarrier.arrive $0xFFFF  }
0x594: {  	_ =	shalt  }

</sc_bundles>
